<compile_context>
chip_gen: v7x
topology: tpu7x:2x2x1
jax: 0.10.2.dev20260603
libtpu: 0.0.44.dev20260713+nightly
codegen_flags: <defaults>
</compile_context>

<pallas_src>
import functools

import jax
import jax.numpy as jnp
from jax import lax
from jax.experimental import pallas as pl
from jax.experimental.pallas import tpu as pltpu
from jax.experimental.pallas import tpu_sc as plsc

N = 10000
V = 2230
D = 128
G = 32
C = 2
GX = 64
EC, ED, EK = 160000, 120000, 40000
E = 2 * (EC + ED + EK)
NUM_ET = 6

NC, NS = 2, 16
NW = NC * NS
K = 128
GROUPS = -(-E // (NW * K))
E_PAD = NW * GROUPS * K
EMB_CH = 3
IDS_PAD = NW * EMB_CH * K
NPAD = 10112
RPS = NPAD // NS

BS = 1000
NB = N // BS

f32 = jnp.float32
i32 = jnp.int32

_SC_MESH = dict(core_axis_name="c", subcore_axis_name="s")



def _emb_body(emb_hbm, ids_hbm, out_hbm, idx_v, rows_v, sem):
    c = lax.axis_index("c")
    s = lax.axis_index("s")
    w = s * NC + c
    for j in range(EMB_CH):
        base = (w * EMB_CH + j) * K
        pltpu.sync_copy(ids_hbm.at[pl.ds(base, K)], idx_v)
        pltpu.async_copy(emb_hbm.at[idx_v], rows_v, sem).wait()
        pltpu.sync_copy(rows_v, out_hbm.at[pl.ds(base, K)])


def _emb_gather(embed, ids_pad):
    fn = functools.partial(
        pl.kernel,
        out_type=jax.ShapeDtypeStruct((IDS_PAD, D), f32),
        mesh=plsc.VectorSubcoreMesh(**_SC_MESH),
        scratch_types=[
            pltpu.VMEM((K,), i32),
            pltpu.VMEM((K, D), f32),
            pltpu.SemaphoreType.DMA,
        ],
    )(_emb_body)
    return fn(embed, ids_pad)


def _agg_body(hw_hbm, idx_hbm, zeros_hbm, out_hbm,
              idxv, rows, agg_sh, sem):
    c = lax.axis_index("c")
    s = lax.axis_index("s")
    w = s * NC + c
    pltpu.sync_copy(zeros_hbm, agg_sh.at[pl.ds(s * RPS, RPS)])
    plsc.subcore_barrier()

    def group(g, carry):
        pltpu.sync_copy(idx_hbm.at[w, g], idxv)
        pltpu.async_copy(hw_hbm.at[idxv.at[0]], rows, sem).wait()
        pltpu.sync_copy(rows, agg_sh.at[idxv.at[1]], add=True)
        return carry

    lax.fori_loop(0, GROUPS, group, 0)
    plsc.subcore_barrier()
    pltpu.sync_copy(agg_sh.at[pl.ds(s * RPS, RPS)],
                    out_hbm.at[pl.ds(c * NPAD + s * RPS, RPS)])


def _agg_scatter(hw_flat, idx_all, zeros_rows):
    fn = functools.partial(
        pl.kernel,
        out_type=jax.ShapeDtypeStruct((NC * NPAD, D), f32),
        mesh=plsc.VectorSubcoreMesh(**_SC_MESH),
        scratch_types=[
            pltpu.VMEM((2, K), i32),
            pltpu.VMEM((K, D), f32),
            pltpu.VMEM_SHARED((NPAD, D), f32),
            pltpu.SemaphoreType.DMA,
        ],
    )(_agg_body)
    return fn(hw_flat, idx_all, zeros_rows)



def _hw_body(h_ref, w_ref, b_ref, out_ref):
    out_ref[0] = (jnp.dot(h_ref[...], w_ref[0], preferred_element_type=f32)
                  + b_ref[0])


def _hw_matmul(h, Wl, bl):
    return pl.pallas_call(
        _hw_body,
        grid=(NUM_ET, NB),
        in_specs=[
            pl.BlockSpec((BS, D), lambda e, i: (i, 0)),
            pl.BlockSpec((1, D, D), lambda e, i: (e, 0, 0)),
            pl.BlockSpec((1, 1, D), lambda e, i: (e, 0, 0)),
        ],
        out_specs=pl.BlockSpec((1, BS, D), lambda e, i: (e, i, 0)),
        out_shape=jax.ShapeDtypeStruct((NUM_ET, N, D), f32),
    )(h, Wl, bl)


def _gru_body(parts_ref, h_ref, gw_ref, gu_ref, gb_ref, out_ref):
    agg = parts_ref[0] + parts_ref[1]
    h = h_ref[...]
    dot = lambda a, b: jnp.dot(a, b, preferred_element_type=f32)
    z = jax.nn.sigmoid(dot(agg, gw_ref[0]) + dot(h, gu_ref[0]) + gb_ref[0])
    r = jax.nn.sigmoid(dot(agg, gw_ref[1]) + dot(h, gu_ref[1]) + gb_ref[1])
    hh = jnp.tanh(dot(agg, gw_ref[2]) + dot(r * h, gu_ref[2]) + gb_ref[2])
    out_ref[...] = (1.0 - z) * h + z * hh


def _gru_apply(parts3, h, gW, gU, gb):
    return pl.pallas_call(
        _gru_body,
        grid=(NB,),
        in_specs=[
            pl.BlockSpec((NC, BS, D), lambda i: (0, i, 0)),
            pl.BlockSpec((BS, D), lambda i: (i, 0)),
            pl.BlockSpec((3, D, D), lambda i: (0, 0, 0)),
            pl.BlockSpec((3, D, D), lambda i: (0, 0, 0)),
            pl.BlockSpec((3, D), lambda i: (0, 0)),
        ],
        out_specs=pl.BlockSpec((BS, D), lambda i: (i, 0)),
        out_shape=jax.ShapeDtypeStruct((N, D), f32),
    )(parts3, h, gW, gU, gb)


def _readout_body(h_ref, h0_ref, gid_ref, wf_ref, bf_ref, wg_ref, bg_ref,
                  aux_ref, w1_ref, b1_ref, w2_ref, b2_ref, out_ref):
    h = h_ref[...]
    h0 = h0_ref[...]
    dot = lambda a, b: jnp.dot(a, b, preferred_element_type=f32)
    gate = jax.nn.sigmoid(dot(h, wf_ref[:D]) + dot(h0, wf_ref[D:]) + bf_ref[0])
    val = dot(h, wg_ref[...]) + bg_ref[0]
    gv = gate * val
    onehot = (lax.broadcasted_iota(i32, (G, N), 0) == gid_ref[...]).astype(f32)
    feats = dot(onehot, gv)
    aux = aux_ref[...]
    x = (feats[:, 0:1] * w1_ref[0:1, :] + feats[:, 1:2] * w1_ref[1:2, :]
         + aux[:, 0:1] * w1_ref[2:3, :] + aux[:, 1:2] * w1_ref[3:4, :]
         + b1_ref[...])
    x = jnp.maximum(x, 0.0)
    out_ref[...] = dot(x, w2_ref[...]) + b2_ref[...]


def _readout(h, h0, gid2d, Wf, bf2, Wg, bg2, aux, W1, b12, W2, b22):
    return pl.pallas_call(
        _readout_body,
        out_shape=jax.ShapeDtypeStruct((G, C), f32),
    )(h, h0, gid2d, Wf, bf2, Wg, bg2, aux, W1, b12, W2, b22)



def kernel(node_vocab_ids, control_edge_index, data_edge_index, call_edge_index,
           graph_nodes_list, wgsize_log1p, transfer_bytes_log1p,
           embed, mp1_W, mp1_b, mp1_gru_W, mp1_gru_U, mp1_gru_b,
           mp2_W, mp2_b, mp2_gru_W, mp2_gru_U, mp2_gru_b,
           Wf, bf, Wg, bg, W1, b1, W2, b2):
    ids_pad = jnp.concatenate(
        [node_vocab_ids.astype(i32), jnp.zeros((IDS_PAD - N,), i32)])
    src_list = [control_edge_index[0], data_edge_index[0], call_edge_index[0],
                control_edge_index[1], data_edge_index[1], call_edge_index[1]]
    dst_list = [control_edge_index[1], data_edge_index[1], call_edge_index[1],
                control_edge_index[0], data_edge_index[0], call_edge_index[0]]
    src_idx = jnp.concatenate(
        [s.astype(i32) + e * N for e, s in enumerate(src_list)]
        + [jnp.zeros((E_PAD - E,), i32)]).reshape(NW, GROUPS, K)
    dst_idx = jnp.concatenate(
        [d.astype(i32) for d in dst_list]
        + [jnp.full((E_PAD - E,), N, i32)]).reshape(NW, GROUPS, K)
    idx_all = jnp.stack([src_idx, dst_idx], axis=2)
    zeros_rows = jnp.zeros((RPS, D), f32)

    h0 = _emb_gather(embed, ids_pad)[:N]
    h = h0
    for step in range(6):
        if step < 3:
            Wl, bl, gW, gU, gb = mp1_W, mp1_b, mp1_gru_W, mp1_gru_U, mp1_gru_b
        else:
            Wl, bl, gW, gU, gb = mp2_W, mp2_b, mp2_gru_W, mp2_gru_U, mp2_gru_b
        hw = _hw_matmul(h, Wl, bl.reshape(NUM_ET, 1, D))
        hw_flat = hw.reshape(NUM_ET * N, D)
        parts = _agg_scatter(hw_flat, idx_all, zeros_rows)
        parts3 = parts.reshape(NC, NPAD, D)
        h = _gru_apply(parts3, h, gW, gU, gb)

    aux = jnp.stack([wgsize_log1p, transfer_bytes_log1p], axis=-1)
    gid2d = graph_nodes_list.astype(i32).reshape(1, N)
    return _readout(h, h0, gid2d, Wf, bf.reshape(1, C), Wg, bg.reshape(1, C),
                    aux, W1, b1.reshape(1, GX), W2, b2.reshape(1, C))

# --- scband reference (transcript-rebuilt; emitter-appended) ---
"""Pipeline reference for scband-programl-load-balancing-model-81965155877091 (READ-ONLY COPY).

The authoritative reference and input builder live on the scoring server;
editing this copy changes nothing except your own understanding.
"""

import jax, jax.numpy as jnp
import numpy as np

N = 10000
V = 2230
D = 128
G = 32
C = 2
GX = 64
EC, ED, EK = 160000, 120000, 40000
NUM_EDGE_TYPES = 6  # 3 forward + 3 backward (use_forward_and_backward_edges=True)


def setup_inputs(seed: int = 0) -> dict:
    key = jax.random.key(seed)
    ks = jax.random.split(key, 40)
    inp = {}
    inp['node_vocab_ids'] = jax.random.randint(ks[0], (N,), 0, V)
    inp['control_edge_index'] = jax.random.randint(ks[1], (2, EC), 0, N)
    inp['data_edge_index'] = jax.random.randint(ks[2], (2, ED), 0, N)
    inp['call_edge_index'] = jax.random.randint(ks[3], (2, EK), 0, N)
    inp['graph_nodes_list'] = jnp.sort(jax.random.randint(ks[4], (N,), 0, G))
    inp['wgsize_log1p'] = jax.random.uniform(ks[5], (G,), dtype=jnp.float32)
    inp['transfer_bytes_log1p'] = jax.random.uniform(ks[6], (G,), dtype=jnp.float32)
    # learned parameters
    s = 1.0 / np.sqrt(D)
    inp['embed'] = jax.random.normal(ks[7], (V, D), dtype=jnp.float32) * 0.02
    for li, base in [(8, 'mp1'), (14, 'mp2')]:
        inp[base + '_W'] = jax.random.normal(ks[li], (NUM_EDGE_TYPES, D, D), dtype=jnp.float32) * s
        inp[base + '_b'] = jnp.zeros((NUM_EDGE_TYPES, D), dtype=jnp.float32)
        inp[base + '_gru_W'] = jax.random.normal(ks[li + 1], (3, D, D), dtype=jnp.float32) * s
        inp[base + '_gru_U'] = jax.random.normal(ks[li + 2], (3, D, D), dtype=jnp.float32) * s
        inp[base + '_gru_b'] = jnp.zeros((3, D), dtype=jnp.float32)
    inp['Wf'] = jax.random.normal(ks[20], (2 * D, C), dtype=jnp.float32) * (1.0 / np.sqrt(2 * D))
    inp['bf'] = jnp.zeros((C,), dtype=jnp.float32)
    inp['Wg'] = jax.random.normal(ks[21], (D, C), dtype=jnp.float32) * s
    inp['bg'] = jnp.zeros((C,), dtype=jnp.float32)
    inp['W1'] = jax.random.normal(ks[22], (C + 2, GX), dtype=jnp.float32) * (1.0 / np.sqrt(C + 2))
    inp['b1'] = jnp.zeros((GX,), dtype=jnp.float32)
    inp['W2'] = jax.random.normal(ks[23], (GX, C), dtype=jnp.float32) * (1.0 / np.sqrt(GX))
    inp['b2'] = jnp.zeros((C,), dtype=jnp.float32)
    return inp


def _mp_layer(h, W, b, gru_W, gru_U, gru_b, edges):
    agg = jnp.zeros_like(h)
    for e, (src, dst) in enumerate(edges):
        msg = h[src] @ W[e] + b[e]
        agg = agg.at[dst].add(msg)
    z = jax.nn.sigmoid(agg @ gru_W[0] + h @ gru_U[0] + gru_b[0])
    r = jax.nn.sigmoid(agg @ gru_W[1] + h @ gru_U[1] + gru_b[1])
    hh = jnp.tanh(agg @ gru_W[2] + (r * h) @ gru_U[2] + gru_b[2])
    return (1.0 - z) * h + z * hh


def reference(node_vocab_ids, control_edge_index, data_edge_index, call_edge_index,
              graph_nodes_list, wgsize_log1p, transfer_bytes_log1p,
              embed, mp1_W, mp1_b, mp1_gru_W, mp1_gru_U, mp1_gru_b,
              mp2_W, mp2_b, mp2_gru_W, mp2_gru_U, mp2_gru_b,
              Wf, bf, Wg, bg, W1, b1, W2, b2):
    # node embedding lookup (gather)
    h0 = embed[node_vocab_ids]
    # forward + backward edges, 3 edge types each (control, data, call)
    edges = [
        (control_edge_index[0], control_edge_index[1]),
        (data_edge_index[0], data_edge_index[1]),
        (call_edge_index[0], call_edge_index[1]),
        (control_edge_index[1], control_edge_index[0]),
        (data_edge_index[1], data_edge_index[0]),
        (call_edge_index[1], call_edge_index[0]),
    ]
    h = h0
    # 6 message-passing timesteps: mp1 for first 3, mp2 for last 3
    for _ in range(3):
        h = _mp_layer(h, mp1_W, mp1_b, mp1_gru_W, mp1_gru_U, mp1_gru_b, edges)
    for _ in range(3):
        h = _mp_layer(h, mp2_W, mp2_b, mp2_gru_W, mp2_gru_U, mp2_gru_b, edges)
    # gated-sum readout over graphs (ProGraML style: i(concat(h_T, h_0)) * j(h_T))
    gate = jax.nn.sigmoid(jnp.concatenate([h, h0], axis=-1) @ Wf + bf)
    val = h @ Wg + bg
    graph_feats = jax.ops.segment_sum(gate * val, graph_nodes_list, num_segments=G)
    aux = jnp.stack([wgsize_log1p, transfer_bytes_log1p], axis=-1)
    x = jnp.concatenate([graph_feats, aux], axis=-1)
    x = jax.nn.relu(x @ W1 + b1)
    logits = x @ W2 + b2
    return logits

if __name__ == "__main__":
    import jax
    _d = setup_inputs()
    print(jax.jit(kernel)(*tuple(_d.values())))

</pallas_src>

<mosaic_0001>
#map = affine_map<(d0, d1) -> (0, 0)>
#map1 = affine_map<(d0, d1) -> (0, 0, 0, 0)>
module attributes {stable_mosaic.version = 14 : i64} {
  func.func @_agg_body(%arg0: i32, %arg1: i32, %arg2: memref<60000x128xf32, #tpu.memory_space<hbm>>, %arg3: memref<32x157x2x128xi32, #tpu.memory_space<hbm>>, %arg4: memref<632x128xf32, #tpu.memory_space<hbm>>, %arg5: memref<20224x128xf32, #tpu.memory_space<hbm>>, %arg6: memref<2x128xi32, #tpu.memory_space<vmem>>, %arg7: memref<128x128xf32, #tpu.memory_space<vmem>>, %arg8: memref<10112x128xf32, #tpu.memory_space<vmem_shared>>, %arg9: memref<!tpu.dma_semaphore, #tpu.memory_space<semaphore_mem>>) attributes {dimension_semantics = [#tpu.dimension_semantics<core_parallel>, #tpu.dimension_semantics<subcore_parallel>], iteration_bounds = array<i64: 2, 16>, scalar_prefetch = 0 : i64, scratch_operands = 4 : i64, tpu.core_type = #tpu.core_type<sc_vector_subcore>, window_params = [{transform_indices = #map}, {transform_indices = #map1}, {transform_indices = #map}, {transform_indices = #map}]} {
    %mul3A = arith.constant 2 : i32
    %mul3A_0 = arith.muli %arg1, %mul3A : i32
    %add3A = arith.addi %mul3A_0, %arg0 : i32
    %mul3A_1 = arith.constant 632 : i32
    %mul3A_2 = arith.muli %arg1, %mul3A_1 : i32
    "tpu.region"() ({
      %run_scoped3A = tpu.sem_alloc : memref<!tpu.dma_semaphore, #tpu.memory_space<semaphore_mem>>
      %dma_start3A = arith.constant 0 : i32
      %dma_start3A_16 = tpu.memref_slice %arg8[%mul3A_2, %dma_start3A] : memref<10112x128xf32, #tpu.memory_space<vmem_shared>> -> memref<632x128xf32, #tpu.memory_space<vmem_shared>>
      tpu.enqueue_dma source(%arg4 : memref<632x128xf32, #tpu.memory_space<hbm>>) target(%dma_start3A_16 : memref<632x128xf32, #tpu.memory_space<vmem_shared>>) target_semaphore(%run_scoped3A : memref<!tpu.dma_semaphore, #tpu.memory_space<semaphore_mem>>)
      %dma_wait3A = arith.constant 0 : i32
      %dma_wait3A_17 = tpu.memref_slice %arg8[%mul3A_2, %dma_wait3A] : memref<10112x128xf32, #tpu.memory_space<vmem_shared>> -> memref<632x128xf32, #tpu.memory_space<vmem_shared>>
      tpu.wait_dma2 semaphore(%run_scoped3A : memref<!tpu.dma_semaphore, #tpu.memory_space<semaphore_mem>>) src(%arg4 : memref<632x128xf32, #tpu.memory_space<hbm>>) dst(%dma_wait3A_17 : memref<632x128xf32, #tpu.memory_space<vmem_shared>>)
      tpu.yield
    }) : () -> ()
    %barrier3A = arith.constant 0 : index
    tpu.barrier barrier_id(%barrier3A)
    %scan3A = arith.constant 0 : i32
    %scan3A_3 = arith.constant 0 : i32
    %scan3A_4 = arith.constant 157 : i32
    %scan3A_5 = arith.addi %scan3A_3, %scan3A_4 : i32
    %scan3A_6 = arith.constant 1 : i32
    scf.for %scan3A_16 = %scan3A_3 to %scan3A_5 step %scan3A_6  : i32 {
      "tpu.region"() ({
        %run_scoped3A_29 = tpu.sem_alloc : memref<!tpu.dma_semaphore, #tpu.memory_space<semaphore_mem>>
        %dma_start3A_30 = arith.constant 0 : i32
        %dma_start3A_31 = arith.constant 0 : i32
        %dma_start3A_32 = tpu.memref_slice %arg3[%add3A, %scan3A_16, %dma_start3A_30, %dma_start3A_31] : memref<32x157x2x128xi32, #tpu.memory_space<hbm>> -> memref<1x1x2x128xi32, #tpu.memory_space<hbm>>
        %dma_start3A_33 = tpu.memref_squeeze %dma_start3A_32 : memref<1x1x2x128xi32, #tpu.memory_space<hbm>> -> memref<2x128xi32, #tpu.memory_space<hbm>>
        %dma_start3A_34 = arith.constant 0 : i32
        %dma_start3A_35 = arith.constant 0 : i32
        %dma_start3A_36 = tpu.memref_slice %arg3[%add3A, %scan3A_16, %dma_start3A_34, %dma_start3A_35] : memref<32x157x2x128xi32, #tpu.memory_space<hbm>> -> memref<1x1x2x128xi32, #tpu.memory_space<hbm>>
        %dma_start3A_37 = tpu.memref_squeeze %dma_start3A_36 : memref<1x1x2x128xi32, #tpu.memory_space<hbm>> -> memref<2x128xi32, #tpu.memory_space<hbm>>
        tpu.enqueue_dma source(%dma_start3A_37 : memref<2x128xi32, #tpu.memory_space<hbm>>) target(%arg6 : memref<2x128xi32, #tpu.memory_space<vmem>>) target_semaphore(%run_scoped3A_29 : memref<!tpu.dma_semaphore, #tpu.memory_space<semaphore_mem>>)
        %dma_wait3A_38 = arith.constant 0 : i32
        %dma_wait3A_39 = arith.constant 0 : i32
        %dma_wait3A_40 = tpu.memref_slice %arg3[%add3A, %scan3A_16, %dma_wait3A_38, %dma_wait3A_39] : memref<32x157x2x128xi32, #tpu.memory_space<hbm>> -> memref<1x1x2x128xi32, #tpu.memory_space<hbm>>
        %dma_wait3A_41 = tpu.memref_squeeze %dma_wait3A_40 : memref<1x1x2x128xi32, #tpu.memory_space<hbm>> -> memref<2x128xi32, #tpu.memory_space<hbm>>
        %dma_wait3A_42 = arith.constant 0 : i32
        %dma_wait3A_43 = arith.constant 0 : i32
        %dma_wait3A_44 = tpu.memref_slice %arg3[%add3A, %scan3A_16, %dma_wait3A_42, %dma_wait3A_43] : memref<32x157x2x128xi32, #tpu.memory_space<hbm>> -> memref<1x1x2x128xi32, #tpu.memory_space<hbm>>
        %dma_wait3A_45 = tpu.memref_squeeze %dma_wait3A_44 : memref<1x1x2x128xi32, #tpu.memory_space<hbm>> -> memref<2x128xi32, #tpu.memory_space<hbm>>
        tpu.wait_dma2 semaphore(%run_scoped3A_29 : memref<!tpu.dma_semaphore, #tpu.memory_space<semaphore_mem>>) src(%dma_wait3A_45 : memref<2x128xi32, #tpu.memory_space<hbm>>) dst(%arg6 : memref<2x128xi32, #tpu.memory_space<vmem>>)
        tpu.yield
      }) : () -> ()
      %dma_start3A = arith.constant 0 : i32
      %dma_start3A_17 = arith.constant 0 : i32
      %dma_start3A_18 = tpu.memref_slice %arg6[%dma_start3A, %dma_start3A_17] : memref<2x128xi32, #tpu.memory_space<vmem>> -> memref<1x128xi32, #tpu.memory_space<vmem>>
      %dma_start3A_19 = tpu.memref_squeeze %dma_start3A_18 : memref<1x128xi32, #tpu.memory_space<vmem>> -> memref<128xi32, #tpu.memory_space<vmem>>
      %dma_start3A_20 = arith.constant 0 : i32
      %dma_start3A_21 = arith.constant 0 : i32
      %dma_start3A_22 = tpu.memref_slice %arg2[%dma_start3A_20, %dma_start3A_21] : memref<60000x128xf32, #tpu.memory_space<hbm>> -> memref<60000x128xf32, #tpu.memory_space<hbm>>
      tpu.enqueue_indirect_dma source(%dma_start3A_22 : memref<60000x128xf32, #tpu.memory_space<hbm>>) target(%arg7 : memref<128x128xf32, #tpu.memory_space<vmem>>) offsets(%dma_start3A_19 : memref<128xi32, #tpu.memory_space<vmem>>) semaphore(%arg9 : memref<!tpu.dma_semaphore, #tpu.memory_space<semaphore_mem>>)
      %dma_wait3A = arith.constant 0 : i32
      %dma_wait3A_23 = arith.constant 0 : i32
      %dma_wait3A_24 = tpu.memref_slice %arg6[%dma_wait3A, %dma_wait3A_23] : memref<2x128xi32, #tpu.memory_space<vmem>> -> memref<1x128xi32, #tpu.memory_space<vmem>>
      %dma_wait3A_25 = tpu.memref_squeeze %dma_wait3A_24 : memref<1x128xi32, #tpu.memory_space<vmem>> -> memref<128xi32, #tpu.memory_space<vmem>>
      %dma_wait3A_26 = arith.constant 0 : i32
      %dma_wait3A_27 = arith.constant 0 : i32
      %dma_wait3A_28 = tpu.memref_slice %arg2[%dma_wait3A_26, %dma_wait3A_27] : memref<60000x128xf32, #tpu.memory_space<hbm>> -> memref<60000x128xf32, #tpu.memory_space<hbm>>
      tpu.wait_indirect_dma semaphore(%arg9 : memref<!tpu.dma_semaphore, #tpu.memory_space<semaphore_mem>>) src(%dma_wait3A_28 : memref<60000x128xf32, #tpu.memory_space<hbm>>) dst(%arg7 : memref<128x128xf32, #tpu.memory_space<vmem>>)
      %run_scoped3A = arith.constant 1 : i32
      "tpu.region"() ({
        %run_scoped3A_29 = tpu.sem_alloc : memref<!tpu.dma_semaphore, #tpu.memory_space<semaphore_mem>>
        %dma_start3A_30 = arith.constant 0 : i32
        %dma_start3A_31 = tpu.memref_slice %arg6[%run_scoped3A, %dma_start3A_30] : memref<2x128xi32, #tpu.memory_space<vmem>> -> memref<1x128xi32, #tpu.memory_space<vmem>>
        %dma_start3A_32 = tpu.memref_squeeze %dma_start3A_31 : memref<1x128xi32, #tpu.memory_space<vmem>> -> memref<128xi32, #tpu.memory_space<vmem>>
        %dma_start3A_33 = arith.constant 0 : i32
        %dma_start3A_34 = arith.constant 0 : i32
        %dma_start3A_35 = tpu.memref_slice %arg8[%dma_start3A_33, %dma_start3A_34] : memref<10112x128xf32, #tpu.memory_space<vmem_shared>> -> memref<10112x128xf32, #tpu.memory_space<vmem_shared>>
        tpu.enqueue_indirect_dma source(%arg7 : memref<128x128xf32, #tpu.memory_space<vmem>>) target(%dma_start3A_35 : memref<10112x128xf32, #tpu.memory_space<vmem_shared>>) offsets(%dma_start3A_32 : memref<128xi32, #tpu.memory_space<vmem>>) semaphore(%run_scoped3A_29 : memref<!tpu.dma_semaphore, #tpu.memory_space<semaphore_mem>>) {add = true}
        %dma_wait3A_36 = arith.constant 0 : i32
        %dma_wait3A_37 = tpu.memref_slice %arg6[%run_scoped3A, %dma_wait3A_36] : memref<2x128xi32, #tpu.memory_space<vmem>> -> memref<1x128xi32, #tpu.memory_space<vmem>>
        %dma_wait3A_38 = tpu.memref_squeeze %dma_wait3A_37 : memref<1x128xi32, #tpu.memory_space<vmem>> -> memref<128xi32, #tpu.memory_space<vmem>>
        %dma_wait3A_39 = arith.constant 0 : i32
        %dma_wait3A_40 = arith.constant 0 : i32
        %dma_wait3A_41 = tpu.memref_slice %arg8[%dma_wait3A_39, %dma_wait3A_40] : memref<10112x128xf32, #tpu.memory_space<vmem_shared>> -> memref<10112x128xf32, #tpu.memory_space<vmem_shared>>
        tpu.wait_indirect_dma semaphore(%run_scoped3A_29 : memref<!tpu.dma_semaphore, #tpu.memory_space<semaphore_mem>>) src(%arg7 : memref<128x128xf32, #tpu.memory_space<vmem>>) dst(%dma_wait3A_41 : memref<10112x128xf32, #tpu.memory_space<vmem_shared>>)
        tpu.yield
      }) : () -> ()
    }
    %scan3A_7 = arith.constant 157 : i32
    %barrier3A_8 = arith.constant 0 : index
    tpu.barrier barrier_id(%barrier3A_8)
    %mul3A_9 = arith.constant 632 : i32
    %mul3A_10 = arith.muli %arg1, %mul3A_9 : i32
    %mul3A_11 = arith.constant 10112 : i32
    %mul3A_12 = arith.muli %arg0, %mul3A_11 : i32
    %mul3A_13 = arith.constant 632 : i32
    %mul3A_14 = arith.muli %arg1, %mul3A_13 : i32
    %add3A_15 = arith.addi %mul3A_12, %mul3A_14 : i32
    "tpu.region"() ({
      %run_scoped3A = tpu.sem_alloc : memref<!tpu.dma_semaphore, #tpu.memory_space<semaphore_mem>>
      %dma_start3A = arith.constant 0 : i32
      %dma_start3A_16 = tpu.memref_slice %arg5[%add3A_15, %dma_start3A] : memref<20224x128xf32, #tpu.memory_space<hbm>> -> memref<632x128xf32, #tpu.memory_space<hbm>>
      %dma_start3A_17 = arith.constant 0 : i32
      %dma_start3A_18 = tpu.memref_slice %arg8[%mul3A_10, %dma_start3A_17] : memref<10112x128xf32, #tpu.memory_space<vmem_shared>> -> memref<632x128xf32, #tpu.memory_space<vmem_shared>>
      tpu.enqueue_dma source(%dma_start3A_18 : memref<632x128xf32, #tpu.memory_space<vmem_shared>>) target(%dma_start3A_16 : memref<632x128xf32, #tpu.memory_space<hbm>>) target_semaphore(%run_scoped3A : memref<!tpu.dma_semaphore, #tpu.memory_space<semaphore_mem>>)
      %dma_wait3A = arith.constant 0 : i32
      %dma_wait3A_19 = tpu.memref_slice %arg5[%add3A_15, %dma_wait3A] : memref<20224x128xf32, #tpu.memory_space<hbm>> -> memref<632x128xf32, #tpu.memory_space<hbm>>
      %dma_wait3A_20 = arith.constant 0 : i32
      %dma_wait3A_21 = tpu.memref_slice %arg8[%mul3A_10, %dma_wait3A_20] : memref<10112x128xf32, #tpu.memory_space<vmem_shared>> -> memref<632x128xf32, #tpu.memory_space<vmem_shared>>
      tpu.wait_dma2 semaphore(%run_scoped3A : memref<!tpu.dma_semaphore, #tpu.memory_space<semaphore_mem>>) src(%dma_wait3A_21 : memref<632x128xf32, #tpu.memory_space<vmem_shared>>) dst(%dma_wait3A_19 : memref<632x128xf32, #tpu.memory_space<hbm>>)
      tpu.yield
    }) : () -> ()
    return
  }
}

#map = affine_map<(d0, d1) -> (0, 0)>
#map1 = affine_map<(d0, d1) -> (0)>
module attributes {stable_mosaic.version = 14 : i64} {
  func.func @_emb_body(%arg0: i32, %arg1: i32, %arg2: memref<2230x128xf32, #tpu.memory_space<hbm>>, %arg3: memref<12288xi32, #tpu.memory_space<hbm>>, %arg4: memref<12288x128xf32, #tpu.memory_space<hbm>>, %arg5: memref<128xi32, #tpu.memory_space<vmem>>, %arg6: memref<128x128xf32, #tpu.memory_space<vmem>>, %arg7: memref<!tpu.dma_semaphore, #tpu.memory_space<semaphore_mem>>) attributes {dimension_semantics = [#tpu.dimension_semantics<core_parallel>, #tpu.dimension_semantics<subcore_parallel>], iteration_bounds = array<i64: 2, 16>, scalar_prefetch = 0 : i64, scratch_operands = 3 : i64, tpu.core_type = #tpu.core_type<sc_vector_subcore>, window_params = [{transform_indices = #map}, {transform_indices = #map1}, {transform_indices = #map}]} {
    %mul3A = arith.constant 2 : i32
    %mul3A_0 = arith.muli %arg1, %mul3A : i32
    %add3A = arith.addi %mul3A_0, %arg0 : i32
    %mul3A_1 = arith.constant 3 : i32
    %mul3A_2 = arith.muli %add3A, %mul3A_1 : i32
    %add3A_3 = arith.constant 0 : i32
    %add3A_4 = arith.addi %mul3A_2, %add3A_3 : i32
    %mul3A_5 = arith.constant 128 : i32
    %mul3A_6 = arith.muli %add3A_4, %mul3A_5 : i32
    "tpu.region"() ({
      %run_scoped3A = tpu.sem_alloc : memref<!tpu.dma_semaphore, #tpu.memory_space<semaphore_mem>>
      %dma_start3A_35 = tpu.memref_slice %arg3[%mul3A_6] : memref<12288xi32, #tpu.memory_space<hbm>> -> memref<128xi32, #tpu.memory_space<hbm>>
      %dma_start3A_36 = tpu.memref_slice %arg3[%mul3A_6] : memref<12288xi32, #tpu.memory_space<hbm>> -> memref<128xi32, #tpu.memory_space<hbm>>
      tpu.enqueue_dma source(%dma_start3A_36 : memref<128xi32, #tpu.memory_space<hbm>>) target(%arg5 : memref<128xi32, #tpu.memory_space<vmem>>) target_semaphore(%run_scoped3A : memref<!tpu.dma_semaphore, #tpu.memory_space<semaphore_mem>>)
      %dma_wait3A_37 = tpu.memref_slice %arg3[%mul3A_6] : memref<12288xi32, #tpu.memory_space<hbm>> -> memref<128xi32, #tpu.memory_space<hbm>>
      %dma_wait3A_38 = tpu.memref_slice %arg3[%mul3A_6] : memref<12288xi32, #tpu.memory_space<hbm>> -> memref<128xi32, #tpu.memory_space<hbm>>
      tpu.wait_dma2 semaphore(%run_scoped3A : memref<!tpu.dma_semaphore, #tpu.memory_space<semaphore_mem>>) src(%dma_wait3A_38 : memref<128xi32, #tpu.memory_space<hbm>>) dst(%arg5 : memref<128xi32, #tpu.memory_space<vmem>>)
      tpu.yield
    }) : () -> ()
    %dma_start3A = arith.constant 0 : i32
    %dma_start3A_7 = arith.constant 0 : i32
    %dma_start3A_8 = tpu.memref_slice %arg2[%dma_start3A, %dma_start3A_7] : memref<2230x128xf32, #tpu.memory_space<hbm>> -> memref<2230x128xf32, #tpu.memory_space<hbm>>
    tpu.enqueue_indirect_dma source(%dma_start3A_8 : memref<2230x128xf32, #tpu.memory_space<hbm>>) target(%arg6 : memref<128x128xf32, #tpu.memory_space<vmem>>) offsets(%arg5 : memref<128xi32, #tpu.memory_space<vmem>>) semaphore(%arg7 : memref<!tpu.dma_semaphore, #tpu.memory_space<semaphore_mem>>)
    %dma_wait3A = arith.constant 0 : i32
    %dma_wait3A_9 = arith.constant 0 : i32
    %dma_wait3A_10 = tpu.memref_slice %arg2[%dma_wait3A, %dma_wait3A_9] : memref<2230x128xf32, #tpu.memory_space<hbm>> -> memref<2230x128xf32, #tpu.memory_space<hbm>>
    tpu.wait_indirect_dma semaphore(%arg7 : memref<!tpu.dma_semaphore, #tpu.memory_space<semaphore_mem>>) src(%dma_wait3A_10 : memref<2230x128xf32, #tpu.memory_space<hbm>>) dst(%arg6 : memref<128x128xf32, #tpu.memory_space<vmem>>)
    "tpu.region"() ({
      %run_scoped3A = tpu.sem_alloc : memref<!tpu.dma_semaphore, #tpu.memory_space<semaphore_mem>>
      %dma_start3A_35 = arith.constant 0 : i32
      %dma_start3A_36 = tpu.memref_slice %arg4[%mul3A_6, %dma_start3A_35] : memref<12288x128xf32, #tpu.memory_space<hbm>> -> memref<128x128xf32, #tpu.memory_space<hbm>>
      %dma_start3A_37 = arith.constant 0 : i32
      %dma_start3A_38 = tpu.memref_slice %arg4[%mul3A_6, %dma_start3A_37] : memref<12288x128xf32, #tpu.memory_space<hbm>> -> memref<128x128xf32, #tpu.memory_space<hbm>>
      tpu.enqueue_dma source(%arg6 : memref<128x128xf32, #tpu.memory_space<vmem>>) target(%dma_start3A_38 : memref<128x128xf32, #tpu.memory_space<hbm>>) target_semaphore(%run_scoped3A : memref<!tpu.dma_semaphore, #tpu.memory_space<semaphore_mem>>)
      %dma_wait3A_39 = arith.constant 0 : i32
      %dma_wait3A_40 = tpu.memref_slice %arg4[%mul3A_6, %dma_wait3A_39] : memref<12288x128xf32, #tpu.memory_space<hbm>> -> memref<128x128xf32, #tpu.memory_space<hbm>>
      %dma_wait3A_41 = arith.constant 0 : i32
      %dma_wait3A_42 = tpu.memref_slice %arg4[%mul3A_6, %dma_wait3A_41] : memref<12288x128xf32, #tpu.memory_space<hbm>> -> memref<128x128xf32, #tpu.memory_space<hbm>>
      tpu.wait_dma2 semaphore(%run_scoped3A : memref<!tpu.dma_semaphore, #tpu.memory_space<semaphore_mem>>) src(%arg6 : memref<128x128xf32, #tpu.memory_space<vmem>>) dst(%dma_wait3A_42 : memref<128x128xf32, #tpu.memory_space<hbm>>)
      tpu.yield
    }) : () -> ()
    %mul3A_11 = arith.constant 3 : i32
    %mul3A_12 = arith.muli %add3A, %mul3A_11 : i32
    %add3A_13 = arith.constant 1 : i32
    %add3A_14 = arith.addi %mul3A_12, %add3A_13 : i32
    %mul3A_15 = arith.constant 128 : i32
    %mul3A_16 = arith.muli %add3A_14, %mul3A_15 : i32
    "tpu.region"() ({
      %run_scoped3A = tpu.sem_alloc : memref<!tpu.dma_semaphore, #tpu.memory_space<semaphore_mem>>
      %dma_start3A_35 = tpu.memref_slice %arg3[%mul3A_16] : memref<12288xi32, #tpu.memory_space<hbm>> -> memref<128xi32, #tpu.memory_space<hbm>>
      %dma_start3A_36 = tpu.memref_slice %arg3[%mul3A_16] : memref<12288xi32, #tpu.memory_space<hbm>> -> memref<128xi32, #tpu.memory_space<hbm>>
      tpu.enqueue_dma source(%dma_start3A_36 : memref<128xi32, #tpu.memory_space<hbm>>) target(%arg5 : memref<128xi32, #tpu.memory_space<vmem>>) target_semaphore(%run_scoped3A : memref<!tpu.dma_semaphore, #tpu.memory_space<semaphore_mem>>)
      %dma_wait3A_37 = tpu.memref_slice %arg3[%mul3A_16] : memref<12288xi32, #tpu.memory_space<hbm>> -> memref<128xi32, #tpu.memory_space<hbm>>
      %dma_wait3A_38 = tpu.memref_slice %arg3[%mul3A_16] : memref<12288xi32, #tpu.memory_space<hbm>> -> memref<128xi32, #tpu.memory_space<hbm>>
      tpu.wait_dma2 semaphore(%run_scoped3A : memref<!tpu.dma_semaphore, #tpu.memory_space<semaphore_mem>>) src(%dma_wait3A_38 : memref<128xi32, #tpu.memory_space<hbm>>) dst(%arg5 : memref<128xi32, #tpu.memory_space<vmem>>)
      tpu.yield
    }) : () -> ()
    %dma_start3A_17 = arith.constant 0 : i32
    %dma_start3A_18 = arith.constant 0 : i32
    %dma_start3A_19 = tpu.memref_slice %arg2[%dma_start3A_17, %dma_start3A_18] : memref<2230x128xf32, #tpu.memory_space<hbm>> -> memref<2230x128xf32, #tpu.memory_space<hbm>>
    tpu.enqueue_indirect_dma source(%dma_start3A_19 : memref<2230x128xf32, #tpu.memory_space<hbm>>) target(%arg6 : memref<128x128xf32, #tpu.memory_space<vmem>>) offsets(%arg5 : memref<128xi32, #tpu.memory_space<vmem>>) semaphore(%arg7 : memref<!tpu.dma_semaphore, #tpu.memory_space<semaphore_mem>>)
    %dma_wait3A_20 = arith.constant 0 : i32
    %dma_wait3A_21 = arith.constant 0 : i32
    %dma_wait3A_22 = tpu.memref_slice %arg2[%dma_wait3A_20, %dma_wait3A_21] : memref<2230x128xf32, #tpu.memory_space<hbm>> -> memref<2230x128xf32, #tpu.memory_space<hbm>>
    tpu.wait_indirect_dma semaphore(%arg7 : memref<!tpu.dma_semaphore, #tpu.memory_space<semaphore_mem>>) src(%dma_wait3A_22 : memref<2230x128xf32, #tpu.memory_space<hbm>>) dst(%arg6 : memref<128x128xf32, #tpu.memory_space<vmem>>)
    "tpu.region"() ({
      %run_scoped3A = tpu.sem_alloc : memref<!tpu.dma_semaphore, #tpu.memory_space<semaphore_mem>>
      %dma_start3A_35 = arith.constant 0 : i32
      %dma_start3A_36 = tpu.memref_slice %arg4[%mul3A_16, %dma_start3A_35] : memref<12288x128xf32, #tpu.memory_space<hbm>> -> memref<128x128xf32, #tpu.memory_space<hbm>>
      %dma_start3A_37 = arith.constant 0 : i32
      %dma_start3A_38 = tpu.memref_slice %arg4[%mul3A_16, %dma_start3A_37] : memref<12288x128xf32, #tpu.memory_space<hbm>> -> memref<128x128xf32, #tpu.memory_space<hbm>>
      tpu.enqueue_dma source(%arg6 : memref<128x128xf32, #tpu.memory_space<vmem>>) target(%dma_start3A_38 : memref<128x128xf32, #tpu.memory_space<hbm>>) target_semaphore(%run_scoped3A : memref<!tpu.dma_semaphore, #tpu.memory_space<semaphore_mem>>)
      %dma_wait3A_39 = arith.constant 0 : i32
      %dma_wait3A_40 = tpu.memref_slice %arg4[%mul3A_16, %dma_wait3A_39] : memref<12288x128xf32, #tpu.memory_space<hbm>> -> memref<128x128xf32, #tpu.memory_space<hbm>>
      %dma_wait3A_41 = arith.constant 0 : i32
      %dma_wait3A_42 = tpu.memref_slice %arg4[%mul3A_16, %dma_wait3A_41] : memref<12288x128xf32, #tpu.memory_space<hbm>> -> memref<128x128xf32, #tpu.memory_space<hbm>>
      tpu.wait_dma2 semaphore(%run_scoped3A : memref<!tpu.dma_semaphore, #tpu.memory_space<semaphore_mem>>) src(%arg6 : memref<128x128xf32, #tpu.memory_space<vmem>>) dst(%dma_wait3A_42 : memref<128x128xf32, #tpu.memory_space<hbm>>)
      tpu.yield
    }) : () -> ()
    %mul3A_23 = arith.constant 3 : i32
    %mul3A_24 = arith.muli %add3A, %mul3A_23 : i32
    %add3A_25 = arith.constant 2 : i32
    %add3A_26 = arith.addi %mul3A_24, %add3A_25 : i32
    %mul3A_27 = arith.constant 128 : i32
    %mul3A_28 = arith.muli %add3A_26, %mul3A_27 : i32
    "tpu.region"() ({
      %run_scoped3A = tpu.sem_alloc : memref<!tpu.dma_semaphore, #tpu.memory_space<semaphore_mem>>
      %dma_start3A_35 = tpu.memref_slice %arg3[%mul3A_28] : memref<12288xi32, #tpu.memory_space<hbm>> -> memref<128xi32, #tpu.memory_space<hbm>>
      %dma_start3A_36 = tpu.memref_slice %arg3[%mul3A_28] : memref<12288xi32, #tpu.memory_space<hbm>> -> memref<128xi32, #tpu.memory_space<hbm>>
      tpu.enqueue_dma source(%dma_start3A_36 : memref<128xi32, #tpu.memory_space<hbm>>) target(%arg5 : memref<128xi32, #tpu.memory_space<vmem>>) target_semaphore(%run_scoped3A : memref<!tpu.dma_semaphore, #tpu.memory_space<semaphore_mem>>)
      %dma_wait3A_37 = tpu.memref_slice %arg3[%mul3A_28] : memref<12288xi32, #tpu.memory_space<hbm>> -> memref<128xi32, #tpu.memory_space<hbm>>
      %dma_wait3A_38 = tpu.memref_slice %arg3[%mul3A_28] : memref<12288xi32, #tpu.memory_space<hbm>> -> memref<128xi32, #tpu.memory_space<hbm>>
      tpu.wait_dma2 semaphore(%run_scoped3A : memref<!tpu.dma_semaphore, #tpu.memory_space<semaphore_mem>>) src(%dma_wait3A_38 : memref<128xi32, #tpu.memory_space<hbm>>) dst(%arg5 : memref<128xi32, #tpu.memory_space<vmem>>)
      tpu.yield
    }) : () -> ()
    %dma_start3A_29 = arith.constant 0 : i32
    %dma_start3A_30 = arith.constant 0 : i32
    %dma_start3A_31 = tpu.memref_slice %arg2[%dma_start3A_29, %dma_start3A_30] : memref<2230x128xf32, #tpu.memory_space<hbm>> -> memref<2230x128xf32, #tpu.memory_space<hbm>>
    tpu.enqueue_indirect_dma source(%dma_start3A_31 : memref<2230x128xf32, #tpu.memory_space<hbm>>) target(%arg6 : memref<128x128xf32, #tpu.memory_space<vmem>>) offsets(%arg5 : memref<128xi32, #tpu.memory_space<vmem>>) semaphore(%arg7 : memref<!tpu.dma_semaphore, #tpu.memory_space<semaphore_mem>>)
    %dma_wait3A_32 = arith.constant 0 : i32
    %dma_wait3A_33 = arith.constant 0 : i32
    %dma_wait3A_34 = tpu.memref_slice %arg2[%dma_wait3A_32, %dma_wait3A_33] : memref<2230x128xf32, #tpu.memory_space<hbm>> -> memref<2230x128xf32, #tpu.memory_space<hbm>>
    tpu.wait_indirect_dma semaphore(%arg7 : memref<!tpu.dma_semaphore, #tpu.memory_space<semaphore_mem>>) src(%dma_wait3A_34 : memref<2230x128xf32, #tpu.memory_space<hbm>>) dst(%arg6 : memref<128x128xf32, #tpu.memory_space<vmem>>)
    "tpu.region"() ({
      %run_scoped3A = tpu.sem_alloc : memref<!tpu.dma_semaphore, #tpu.memory_space<semaphore_mem>>
      %dma_start3A_35 = arith.constant 0 : i32
      %dma_start3A_36 = tpu.memref_slice %arg4[%mul3A_28, %dma_start3A_35] : memref<12288x128xf32, #tpu.memory_space<hbm>> -> memref<128x128xf32, #tpu.memory_space<hbm>>
      %dma_start3A_37 = arith.constant 0 : i32
      %dma_start3A_38 = tpu.memref_slice %arg4[%mul3A_28, %dma_start3A_37] : memref<12288x128xf32, #tpu.memory_space<hbm>> -> memref<128x128xf32, #tpu.memory_space<hbm>>
      tpu.enqueue_dma source(%arg6 : memref<128x128xf32, #tpu.memory_space<vmem>>) target(%dma_start3A_38 : memref<128x128xf32, #tpu.memory_space<hbm>>) target_semaphore(%run_scoped3A : memref<!tpu.dma_semaphore, #tpu.memory_space<semaphore_mem>>)
      %dma_wait3A_39 = arith.constant 0 : i32
      %dma_wait3A_40 = tpu.memref_slice %arg4[%mul3A_28, %dma_wait3A_39] : memref<12288x128xf32, #tpu.memory_space<hbm>> -> memref<128x128xf32, #tpu.memory_space<hbm>>
      %dma_wait3A_41 = arith.constant 0 : i32
      %dma_wait3A_42 = tpu.memref_slice %arg4[%mul3A_28, %dma_wait3A_41] : memref<12288x128xf32, #tpu.memory_space<hbm>> -> memref<128x128xf32, #tpu.memory_space<hbm>>
      tpu.wait_dma2 semaphore(%run_scoped3A : memref<!tpu.dma_semaphore, #tpu.memory_space<semaphore_mem>>) src(%arg6 : memref<128x128xf32, #tpu.memory_space<vmem>>) dst(%dma_wait3A_42 : memref<128x128xf32, #tpu.memory_space<hbm>>)
      tpu.yield
    }) : () -> ()
    return
  }
}

#map = affine_map<(d0, d1) -> (0, 0)>
#map1 = affine_map<(d0, d1) -> (0, 0, 0, 0)>
module attributes {stable_mosaic.version = 14 : i64} {
  func.func @_agg_body(%arg0: i32, %arg1: i32, %arg2: memref<60000x128xf32, #tpu.memory_space<hbm>>, %arg3: memref<32x157x2x128xi32, #tpu.memory_space<hbm>>, %arg4: memref<632x128xf32, #tpu.memory_space<hbm>>, %arg5: memref<20224x128xf32, #tpu.memory_space<hbm>>, %arg6: memref<2x128xi32, #tpu.memory_space<vmem>>, %arg7: memref<128x128xf32, #tpu.memory_space<vmem>>, %arg8: memref<10112x128xf32, #tpu.memory_space<vmem_shared>>, %arg9: memref<!tpu.dma_semaphore, #tpu.memory_space<semaphore_mem>>) attributes {dimension_semantics = [#tpu.dimension_semantics<core_parallel>, #tpu.dimension_semantics<subcore_parallel>], iteration_bounds = array<i64: 2, 16>, scalar_prefetch = 0 : i64, scratch_operands = 4 : i64, tpu.core_type = #tpu.core_type<sc_vector_subcore>, window_params = [{transform_indices = #map}, {transform_indices = #map1}, {transform_indices = #map}, {transform_indices = #map}]} {
    %mul3A = arith.constant 2 : i32
    %mul3A_0 = arith.muli %arg1, %mul3A : i32
    %add3A = arith.addi %mul3A_0, %arg0 : i32
    %mul3A_1 = arith.constant 632 : i32
    %mul3A_2 = arith.muli %arg1, %mul3A_1 : i32
    "tpu.region"() ({
      %run_scoped3A = tpu.sem_alloc : memref<!tpu.dma_semaphore, #tpu.memory_space<semaphore_mem>>
      %dma_start3A = arith.constant 0 : i32
      %dma_start3A_16 = tpu.memref_slice %arg8[%mul3A_2, %dma_start3A] : memref<10112x128xf32, #tpu.memory_space<vmem_shared>> -> memref<632x128xf32, #tpu.memory_space<vmem_shared>>
      tpu.enqueue_dma source(%arg4 : memref<632x128xf32, #tpu.memory_space<hbm>>) target(%dma_start3A_16 : memref<632x128xf32, #tpu.memory_space<vmem_shared>>) target_semaphore(%run_scoped3A : memref<!tpu.dma_semaphore, #tpu.memory_space<semaphore_mem>>)
      %dma_wait3A = arith.constant 0 : i32
      %dma_wait3A_17 = tpu.memref_slice %arg8[%mul3A_2, %dma_wait3A] : memref<10112x128xf32, #tpu.memory_space<vmem_shared>> -> memref<632x128xf32, #tpu.memory_space<vmem_shared>>
      tpu.wait_dma2 semaphore(%run_scoped3A : memref<!tpu.dma_semaphore, #tpu.memory_space<semaphore_mem>>) src(%arg4 : memref<632x128xf32, #tpu.memory_space<hbm>>) dst(%dma_wait3A_17 : memref<632x128xf32, #tpu.memory_space<vmem_shared>>)
      tpu.yield
    }) : () -> ()
    %barrier3A = arith.constant 0 : index
    tpu.barrier barrier_id(%barrier3A)
    %scan3A = arith.constant 0 : i32
    %scan3A_3 = arith.constant 0 : i32
    %scan3A_4 = arith.constant 157 : i32
    %scan3A_5 = arith.addi %scan3A_3, %scan3A_4 : i32
    %scan3A_6 = arith.constant 1 : i32
    scf.for %scan3A_16 = %scan3A_3 to %scan3A_5 step %scan3A_6  : i32 {
      "tpu.region"() ({
        %run_scoped3A_29 = tpu.sem_alloc : memref<!tpu.dma_semaphore, #tpu.memory_space<semaphore_mem>>
        %dma_start3A_30 = arith.constant 0 : i32
        %dma_start3A_31 = arith.constant 0 : i32
        %dma_start3A_32 = tpu.memref_slice %arg3[%add3A, %scan3A_16, %dma_start3A_30, %dma_start3A_31] : memref<32x157x2x128xi32, #tpu.memory_space<hbm>> -> memref<1x1x2x128xi32, #tpu.memory_space<hbm>>
        %dma_start3A_33 = tpu.memref_squeeze %dma_start3A_32 : memref<1x1x2x128xi32, #tpu.memory_space<hbm>> -> memref<2x128xi32, #tpu.memory_space<hbm>>
        %dma_start3A_34 = arith.constant 0 : i32
        %dma_start3A_35 = arith.constant 0 : i32
        %dma_start3A_36 = tpu.memref_slice %arg3[%add3A, %scan3A_16, %dma_start3A_34, %dma_start3A_35] : memref<32x157x2x128xi32, #tpu.memory_space<hbm>> -> memref<1x1x2x128xi32, #tpu.memory_space<hbm>>
        %dma_start3A_37 = tpu.memref_squeeze %dma_start3A_36 : memref<1x1x2x128xi32, #tpu.memory_space<hbm>> -> memref<2x128xi32, #tpu.memory_space<hbm>>
        tpu.enqueue_dma source(%dma_start3A_37 : memref<2x128xi32, #tpu.memory_space<hbm>>) target(%arg6 : memref<2x128xi32, #tpu.memory_space<vmem>>) target_semaphore(%run_scoped3A_29 : memref<!tpu.dma_semaphore, #tpu.memory_space<semaphore_mem>>)
        %dma_wait3A_38 = arith.constant 0 : i32
        %dma_wait3A_39 = arith.constant 0 : i32
        %dma_wait3A_40 = tpu.memref_slice %arg3[%add3A, %scan3A_16, %dma_wait3A_38, %dma_wait3A_39] : memref<32x157x2x128xi32, #tpu.memory_space<hbm>> -> memref<1x1x2x128xi32, #tpu.memory_space<hbm>>
        %dma_wait3A_41 = tpu.memref_squeeze %dma_wait3A_40 : memref<1x1x2x128xi32, #tpu.memory_space<hbm>> -> memref<2x128xi32, #tpu.memory_space<hbm>>
        %dma_wait3A_42 = arith.constant 0 : i32
        %dma_wait3A_43 = arith.constant 0 : i32
        %dma_wait3A_44 = tpu.memref_slice %arg3[%add3A, %scan3A_16, %dma_wait3A_42, %dma_wait3A_43] : memref<32x157x2x128xi32, #tpu.memory_space<hbm>> -> memref<1x1x2x128xi32, #tpu.memory_space<hbm>>
        %dma_wait3A_45 = tpu.memref_squeeze %dma_wait3A_44 : memref<1x1x2x128xi32, #tpu.memory_space<hbm>> -> memref<2x128xi32, #tpu.memory_space<hbm>>
        tpu.wait_dma2 semaphore(%run_scoped3A_29 : memref<!tpu.dma_semaphore, #tpu.memory_space<semaphore_mem>>) src(%dma_wait3A_45 : memref<2x128xi32, #tpu.memory_space<hbm>>) dst(%arg6 : memref<2x128xi32, #tpu.memory_space<vmem>>)
        tpu.yield
      }) : () -> ()
      %dma_start3A = arith.constant 0 : i32
      %dma_start3A_17 = arith.constant 0 : i32
      %dma_start3A_18 = tpu.memref_slice %arg6[%dma_start3A, %dma_start3A_17] : memref<2x128xi32, #tpu.memory_space<vmem>> -> memref<1x128xi32, #tpu.memory_space<vmem>>
      %dma_start3A_19 = tpu.memref_squeeze %dma_start3A_18 : memref<1x128xi32, #tpu.memory_space<vmem>> -> memref<128xi32, #tpu.memory_space<vmem>>
      %dma_start3A_20 = arith.constant 0 : i32
      %dma_start3A_21 = arith.constant 0 : i32
      %dma_start3A_22 = tpu.memref_slice %arg2[%dma_start3A_20, %dma_start3A_21] : memref<60000x128xf32, #tpu.memory_space<hbm>> -> memref<60000x128xf32, #tpu.memory_space<hbm>>
      tpu.enqueue_indirect_dma source(%dma_start3A_22 : memref<60000x128xf32, #tpu.memory_space<hbm>>) target(%arg7 : memref<128x128xf32, #tpu.memory_space<vmem>>) offsets(%dma_start3A_19 : memref<128xi32, #tpu.memory_space<vmem>>) semaphore(%arg9 : memref<!tpu.dma_semaphore, #tpu.memory_space<semaphore_mem>>)
      %dma_wait3A = arith.constant 0 : i32
      %dma_wait3A_23 = arith.constant 0 : i32
      %dma_wait3A_24 = tpu.memref_slice %arg6[%dma_wait3A, %dma_wait3A_23] : memref<2x128xi32, #tpu.memory_space<vmem>> -> memref<1x128xi32, #tpu.memory_space<vmem>>
      %dma_wait3A_25 = tpu.memref_squeeze %dma_wait3A_24 : memref<1x128xi32, #tpu.memory_space<vmem>> -> memref<128xi32, #tpu.memory_space<vmem>>
      %dma_wait3A_26 = arith.constant 0 : i32
      %dma_wait3A_27 = arith.constant 0 : i32
      %dma_wait3A_28 = tpu.memref_slice %arg2[%dma_wait3A_26, %dma_wait3A_27] : memref<60000x128xf32, #tpu.memory_space<hbm>> -> memref<60000x128xf32, #tpu.memory_space<hbm>>
      tpu.wait_indirect_dma semaphore(%arg9 : memref<!tpu.dma_semaphore, #tpu.memory_space<semaphore_mem>>) src(%dma_wait3A_28 : memref<60000x128xf32, #tpu.memory_space<hbm>>) dst(%arg7 : memref<128x128xf32, #tpu.memory_space<vmem>>)
      %run_scoped3A = arith.constant 1 : i32
      "tpu.region"() ({
        %run_scoped3A_29 = tpu.sem_alloc : memref<!tpu.dma_semaphore, #tpu.memory_space<semaphore_mem>>
        %dma_start3A_30 = arith.constant 0 : i32
        %dma_start3A_31 = tpu.memref_slice %arg6[%run_scoped3A, %dma_start3A_30] : memref<2x128xi32, #tpu.memory_space<vmem>> -> memref<1x128xi32, #tpu.memory_space<vmem>>
        %dma_start3A_32 = tpu.memref_squeeze %dma_start3A_31 : memref<1x128xi32, #tpu.memory_space<vmem>> -> memref<128xi32, #tpu.memory_space<vmem>>
        %dma_start3A_33 = arith.constant 0 : i32
        %dma_start3A_34 = arith.constant 0 : i32
        %dma_start3A_35 = tpu.memref_slice %arg8[%dma_start3A_33, %dma_start3A_34] : memref<10112x128xf32, #tpu.memory_space<vmem_shared>> -> memref<10112x128xf32, #tpu.memory_space<vmem_shared>>
        tpu.enqueue_indirect_dma source(%arg7 : memref<128x128xf32, #tpu.memory_space<vmem>>) target(%dma_start3A_35 : memref<10112x128xf32, #tpu.memory_space<vmem_shared>>) offsets(%dma_start3A_32 : memref<128xi32, #tpu.memory_space<vmem>>) semaphore(%run_scoped3A_29 : memref<!tpu.dma_semaphore, #tpu.memory_space<semaphore_mem>>) {add = true}
        %dma_wait3A_36 = arith.constant 0 : i32
        %dma_wait3A_37 = tpu.memref_slice %arg6[%run_scoped3A, %dma_wait3A_36] : memref<2x128xi32, #tpu.memory_space<vmem>> -> memref<1x128xi32, #tpu.memory_space<vmem>>
        %dma_wait3A_38 = tpu.memref_squeeze %dma_wait3A_37 : memref<1x128xi32, #tpu.memory_space<vmem>> -> memref<128xi32, #tpu.memory_space<vmem>>
        %dma_wait3A_39 = arith.constant 0 : i32
        %dma_wait3A_40 = arith.constant 0 : i32
        %dma_wait3A_41 = tpu.memref_slice %arg8[%dma_wait3A_39, %dma_wait3A_40] : memref<10112x128xf32, #tpu.memory_space<vmem_shared>> -> memref<10112x128xf32, #tpu.memory_space<vmem_shared>>
        tpu.wait_indirect_dma semaphore(%run_scoped3A_29 : memref<!tpu.dma_semaphore, #tpu.memory_space<semaphore_mem>>) src(%arg7 : memref<128x128xf32, #tpu.memory_space<vmem>>) dst(%dma_wait3A_41 : memref<10112x128xf32, #tpu.memory_space<vmem_shared>>)
        tpu.yield
      }) : () -> ()
    }
    %scan3A_7 = arith.constant 157 : i32
    %barrier3A_8 = arith.constant 0 : index
    tpu.barrier barrier_id(%barrier3A_8)
    %mul3A_9 = arith.constant 632 : i32
    %mul3A_10 = arith.muli %arg1, %mul3A_9 : i32
    %mul3A_11 = arith.constant 10112 : i32
    %mul3A_12 = arith.muli %arg0, %mul3A_11 : i32
    %mul3A_13 = arith.constant 632 : i32
    %mul3A_14 = arith.muli %arg1, %mul3A_13 : i32
    %add3A_15 = arith.addi %mul3A_12, %mul3A_14 : i32
    "tpu.region"() ({
      %run_scoped3A = tpu.sem_alloc : memref<!tpu.dma_semaphore, #tpu.memory_space<semaphore_mem>>
      %dma_start3A = arith.constant 0 : i32
      %dma_start3A_16 = tpu.memref_slice %arg5[%add3A_15, %dma_start3A] : memref<20224x128xf32, #tpu.memory_space<hbm>> -> memref<632x128xf32, #tpu.memory_space<hbm>>
      %dma_start3A_17 = arith.constant 0 : i32
      %dma_start3A_18 = tpu.memref_slice %arg8[%mul3A_10, %dma_start3A_17] : memref<10112x128xf32, #tpu.memory_space<vmem_shared>> -> memref<632x128xf32, #tpu.memory_space<vmem_shared>>
      tpu.enqueue_dma source(%dma_start3A_18 : memref<632x128xf32, #tpu.memory_space<vmem_shared>>) target(%dma_start3A_16 : memref<632x128xf32, #tpu.memory_space<hbm>>) target_semaphore(%run_scoped3A : memref<!tpu.dma_semaphore, #tpu.memory_space<semaphore_mem>>)
      %dma_wait3A = arith.constant 0 : i32
      %dma_wait3A_19 = tpu.memref_slice %arg5[%add3A_15, %dma_wait3A] : memref<20224x128xf32, #tpu.memory_space<hbm>> -> memref<632x128xf32, #tpu.memory_space<hbm>>
      %dma_wait3A_20 = arith.constant 0 : i32
      %dma_wait3A_21 = tpu.memref_slice %arg8[%mul3A_10, %dma_wait3A_20] : memref<10112x128xf32, #tpu.memory_space<vmem_shared>> -> memref<632x128xf32, #tpu.memory_space<vmem_shared>>
      tpu.wait_dma2 semaphore(%run_scoped3A : memref<!tpu.dma_semaphore, #tpu.memory_space<semaphore_mem>>) src(%dma_wait3A_21 : memref<632x128xf32, #tpu.memory_space<vmem_shared>>) dst(%dma_wait3A_19 : memref<632x128xf32, #tpu.memory_space<hbm>>)
      tpu.yield
    }) : () -> ()
    return
  }
}

#map = affine_map<(d0, d1) -> (0, 0)>
#map1 = affine_map<(d0, d1) -> (0, 0, 0, 0)>
module attributes {stable_mosaic.version = 14 : i64} {
  func.func @_agg_body(%arg0: i32, %arg1: i32, %arg2: memref<60000x128xf32, #tpu.memory_space<hbm>>, %arg3: memref<32x157x2x128xi32, #tpu.memory_space<hbm>>, %arg4: memref<632x128xf32, #tpu.memory_space<hbm>>, %arg5: memref<20224x128xf32, #tpu.memory_space<hbm>>, %arg6: memref<2x128xi32, #tpu.memory_space<vmem>>, %arg7: memref<128x128xf32, #tpu.memory_space<vmem>>, %arg8: memref<10112x128xf32, #tpu.memory_space<vmem_shared>>, %arg9: memref<!tpu.dma_semaphore, #tpu.memory_space<semaphore_mem>>) attributes {dimension_semantics = [#tpu.dimension_semantics<core_parallel>, #tpu.dimension_semantics<subcore_parallel>], iteration_bounds = array<i64: 2, 16>, scalar_prefetch = 0 : i64, scratch_operands = 4 : i64, tpu.core_type = #tpu.core_type<sc_vector_subcore>, window_params = [{transform_indices = #map}, {transform_indices = #map1}, {transform_indices = #map}, {transform_indices = #map}]} {
    %mul3A = arith.constant 2 : i32
    %mul3A_0 = arith.muli %arg1, %mul3A : i32
    %add3A = arith.addi %mul3A_0, %arg0 : i32
    %mul3A_1 = arith.constant 632 : i32
    %mul3A_2 = arith.muli %arg1, %mul3A_1 : i32
    "tpu.region"() ({
      %run_scoped3A = tpu.sem_alloc : memref<!tpu.dma_semaphore, #tpu.memory_space<semaphore_mem>>
      %dma_start3A = arith.constant 0 : i32
      %dma_start3A_16 = tpu.memref_slice %arg8[%mul3A_2, %dma_start3A] : memref<10112x128xf32, #tpu.memory_space<vmem_shared>> -> memref<632x128xf32, #tpu.memory_space<vmem_shared>>
      tpu.enqueue_dma source(%arg4 : memref<632x128xf32, #tpu.memory_space<hbm>>) target(%dma_start3A_16 : memref<632x128xf32, #tpu.memory_space<vmem_shared>>) target_semaphore(%run_scoped3A : memref<!tpu.dma_semaphore, #tpu.memory_space<semaphore_mem>>)
      %dma_wait3A = arith.constant 0 : i32
      %dma_wait3A_17 = tpu.memref_slice %arg8[%mul3A_2, %dma_wait3A] : memref<10112x128xf32, #tpu.memory_space<vmem_shared>> -> memref<632x128xf32, #tpu.memory_space<vmem_shared>>
      tpu.wait_dma2 semaphore(%run_scoped3A : memref<!tpu.dma_semaphore, #tpu.memory_space<semaphore_mem>>) src(%arg4 : memref<632x128xf32, #tpu.memory_space<hbm>>) dst(%dma_wait3A_17 : memref<632x128xf32, #tpu.memory_space<vmem_shared>>)
      tpu.yield
    }) : () -> ()
    %barrier3A = arith.constant 0 : index
    tpu.barrier barrier_id(%barrier3A)
    %scan3A = arith.constant 0 : i32
    %scan3A_3 = arith.constant 0 : i32
    %scan3A_4 = arith.constant 157 : i32
    %scan3A_5 = arith.addi %scan3A_3, %scan3A_4 : i32
    %scan3A_6 = arith.constant 1 : i32
    scf.for %scan3A_16 = %scan3A_3 to %scan3A_5 step %scan3A_6  : i32 {
      "tpu.region"() ({
        %run_scoped3A_29 = tpu.sem_alloc : memref<!tpu.dma_semaphore, #tpu.memory_space<semaphore_mem>>
        %dma_start3A_30 = arith.constant 0 : i32
        %dma_start3A_31 = arith.constant 0 : i32
        %dma_start3A_32 = tpu.memref_slice %arg3[%add3A, %scan3A_16, %dma_start3A_30, %dma_start3A_31] : memref<32x157x2x128xi32, #tpu.memory_space<hbm>> -> memref<1x1x2x128xi32, #tpu.memory_space<hbm>>
        %dma_start3A_33 = tpu.memref_squeeze %dma_start3A_32 : memref<1x1x2x128xi32, #tpu.memory_space<hbm>> -> memref<2x128xi32, #tpu.memory_space<hbm>>
        %dma_start3A_34 = arith.constant 0 : i32
        %dma_start3A_35 = arith.constant 0 : i32
        %dma_start3A_36 = tpu.memref_slice %arg3[%add3A, %scan3A_16, %dma_start3A_34, %dma_start3A_35] : memref<32x157x2x128xi32, #tpu.memory_space<hbm>> -> memref<1x1x2x128xi32, #tpu.memory_space<hbm>>
        %dma_start3A_37 = tpu.memref_squeeze %dma_start3A_36 : memref<1x1x2x128xi32, #tpu.memory_space<hbm>> -> memref<2x128xi32, #tpu.memory_space<hbm>>
        tpu.enqueue_dma source(%dma_start3A_37 : memref<2x128xi32, #tpu.memory_space<hbm>>) target(%arg6 : memref<2x128xi32, #tpu.memory_space<vmem>>) target_semaphore(%run_scoped3A_29 : memref<!tpu.dma_semaphore, #tpu.memory_space<semaphore_mem>>)
        %dma_wait3A_38 = arith.constant 0 : i32
        %dma_wait3A_39 = arith.constant 0 : i32
        %dma_wait3A_40 = tpu.memref_slice %arg3[%add3A, %scan3A_16, %dma_wait3A_38, %dma_wait3A_39] : memref<32x157x2x128xi32, #tpu.memory_space<hbm>> -> memref<1x1x2x128xi32, #tpu.memory_space<hbm>>
        %dma_wait3A_41 = tpu.memref_squeeze %dma_wait3A_40 : memref<1x1x2x128xi32, #tpu.memory_space<hbm>> -> memref<2x128xi32, #tpu.memory_space<hbm>>
        %dma_wait3A_42 = arith.constant 0 : i32
        %dma_wait3A_43 = arith.constant 0 : i32
        %dma_wait3A_44 = tpu.memref_slice %arg3[%add3A, %scan3A_16, %dma_wait3A_42, %dma_wait3A_43] : memref<32x157x2x128xi32, #tpu.memory_space<hbm>> -> memref<1x1x2x128xi32, #tpu.memory_space<hbm>>
        %dma_wait3A_45 = tpu.memref_squeeze %dma_wait3A_44 : memref<1x1x2x128xi32, #tpu.memory_space<hbm>> -> memref<2x128xi32, #tpu.memory_space<hbm>>
        tpu.wait_dma2 semaphore(%run_scoped3A_29 : memref<!tpu.dma_semaphore, #tpu.memory_space<semaphore_mem>>) src(%dma_wait3A_45 : memref<2x128xi32, #tpu.memory_space<hbm>>) dst(%arg6 : memref<2x128xi32, #tpu.memory_space<vmem>>)
        tpu.yield
      }) : () -> ()
      %dma_start3A = arith.constant 0 : i32
      %dma_start3A_17 = arith.constant 0 : i32
      %dma_start3A_18 = tpu.memref_slice %arg6[%dma_start3A, %dma_start3A_17] : memref<2x128xi32, #tpu.memory_space<vmem>> -> memref<1x128xi32, #tpu.memory_space<vmem>>
      %dma_start3A_19 = tpu.memref_squeeze %dma_start3A_18 : memref<1x128xi32, #tpu.memory_space<vmem>> -> memref<128xi32, #tpu.memory_space<vmem>>
      %dma_start3A_20 = arith.constant 0 : i32
      %dma_start3A_21 = arith.constant 0 : i32
      %dma_start3A_22 = tpu.memref_slice %arg2[%dma_start3A_20, %dma_start3A_21] : memref<60000x128xf32, #tpu.memory_space<hbm>> -> memref<60000x128xf32, #tpu.memory_space<hbm>>
      tpu.enqueue_indirect_dma source(%dma_start3A_22 : memref<60000x128xf32, #tpu.memory_space<hbm>>) target(%arg7 : memref<128x128xf32, #tpu.memory_space<vmem>>) offsets(%dma_start3A_19 : memref<128xi32, #tpu.memory_space<vmem>>) semaphore(%arg9 : memref<!tpu.dma_semaphore, #tpu.memory_space<semaphore_mem>>)
      %dma_wait3A = arith.constant 0 : i32
      %dma_wait3A_23 = arith.constant 0 : i32
      %dma_wait3A_24 = tpu.memref_slice %arg6[%dma_wait3A, %dma_wait3A_23] : memref<2x128xi32, #tpu.memory_space<vmem>> -> memref<1x128xi32, #tpu.memory_space<vmem>>
      %dma_wait3A_25 = tpu.memref_squeeze %dma_wait3A_24 : memref<1x128xi32, #tpu.memory_space<vmem>> -> memref<128xi32, #tpu.memory_space<vmem>>
      %dma_wait3A_26 = arith.constant 0 : i32
      %dma_wait3A_27 = arith.constant 0 : i32
      %dma_wait3A_28 = tpu.memref_slice %arg2[%dma_wait3A_26, %dma_wait3A_27] : memref<60000x128xf32, #tpu.memory_space<hbm>> -> memref<60000x128xf32, #tpu.memory_space<hbm>>
      tpu.wait_indirect_dma semaphore(%arg9 : memref<!tpu.dma_semaphore, #tpu.memory_space<semaphore_mem>>) src(%dma_wait3A_28 : memref<60000x128xf32, #tpu.memory_space<hbm>>) dst(%arg7 : memref<128x128xf32, #tpu.memory_space<vmem>>)
      %run_scoped3A = arith.constant 1 : i32
      "tpu.region"() ({
        %run_scoped3A_29 = tpu.sem_alloc : memref<!tpu.dma_semaphore, #tpu.memory_space<semaphore_mem>>
        %dma_start3A_30 = arith.constant 0 : i32
        %dma_start3A_31 = tpu.memref_slice %arg6[%run_scoped3A, %dma_start3A_30] : memref<2x128xi32, #tpu.memory_space<vmem>> -> memref<1x128xi32, #tpu.memory_space<vmem>>
        %dma_start3A_32 = tpu.memref_squeeze %dma_start3A_31 : memref<1x128xi32, #tpu.memory_space<vmem>> -> memref<128xi32, #tpu.memory_space<vmem>>
        %dma_start3A_33 = arith.constant 0 : i32
        %dma_start3A_34 = arith.constant 0 : i32
        %dma_start3A_35 = tpu.memref_slice %arg8[%dma_start3A_33, %dma_start3A_34] : memref<10112x128xf32, #tpu.memory_space<vmem_shared>> -> memref<10112x128xf32, #tpu.memory_space<vmem_shared>>
        tpu.enqueue_indirect_dma source(%arg7 : memref<128x128xf32, #tpu.memory_space<vmem>>) target(%dma_start3A_35 : memref<10112x128xf32, #tpu.memory_space<vmem_shared>>) offsets(%dma_start3A_32 : memref<128xi32, #tpu.memory_space<vmem>>) semaphore(%run_scoped3A_29 : memref<!tpu.dma_semaphore, #tpu.memory_space<semaphore_mem>>) {add = true}
        %dma_wait3A_36 = arith.constant 0 : i32
        %dma_wait3A_37 = tpu.memref_slice %arg6[%run_scoped3A, %dma_wait3A_36] : memref<2x128xi32, #tpu.memory_space<vmem>> -> memref<1x128xi32, #tpu.memory_space<vmem>>
        %dma_wait3A_38 = tpu.memref_squeeze %dma_wait3A_37 : memref<1x128xi32, #tpu.memory_space<vmem>> -> memref<128xi32, #tpu.memory_space<vmem>>
        %dma_wait3A_39 = arith.constant 0 : i32
        %dma_wait3A_40 = arith.constant 0 : i32
        %dma_wait3A_41 = tpu.memref_slice %arg8[%dma_wait3A_39, %dma_wait3A_40] : memref<10112x128xf32, #tpu.memory_space<vmem_shared>> -> memref<10112x128xf32, #tpu.memory_space<vmem_shared>>
        tpu.wait_indirect_dma semaphore(%run_scoped3A_29 : memref<!tpu.dma_semaphore, #tpu.memory_space<semaphore_mem>>) src(%arg7 : memref<128x128xf32, #tpu.memory_space<vmem>>) dst(%dma_wait3A_41 : memref<10112x128xf32, #tpu.memory_space<vmem_shared>>)
        tpu.yield
      }) : () -> ()
    }
    %scan3A_7 = arith.constant 157 : i32
    %barrier3A_8 = arith.constant 0 : index
    tpu.barrier barrier_id(%barrier3A_8)
    %mul3A_9 = arith.constant 632 : i32
    %mul3A_10 = arith.muli %arg1, %mul3A_9 : i32
    %mul3A_11 = arith.constant 10112 : i32
    %mul3A_12 = arith.muli %arg0, %mul3A_11 : i32
    %mul3A_13 = arith.constant 632 : i32
    %mul3A_14 = arith.muli %arg1, %mul3A_13 : i32
    %add3A_15 = arith.addi %mul3A_12, %mul3A_14 : i32
    "tpu.region"() ({
      %run_scoped3A = tpu.sem_alloc : memref<!tpu.dma_semaphore, #tpu.memory_space<semaphore_mem>>
      %dma_start3A = arith.constant 0 : i32
      %dma_start3A_16 = tpu.memref_slice %arg5[%add3A_15, %dma_start3A] : memref<20224x128xf32, #tpu.memory_space<hbm>> -> memref<632x128xf32, #tpu.memory_space<hbm>>
      %dma_start3A_17 = arith.constant 0 : i32
      %dma_start3A_18 = tpu.memref_slice %arg8[%mul3A_10, %dma_start3A_17] : memref<10112x128xf32, #tpu.memory_space<vmem_shared>> -> memref<632x128xf32, #tpu.memory_space<vmem_shared>>
      tpu.enqueue_dma source(%dma_start3A_18 : memref<632x128xf32, #tpu.memory_space<vmem_shared>>) target(%dma_start3A_16 : memref<632x128xf32, #tpu.memory_space<hbm>>) target_semaphore(%run_scoped3A : memref<!tpu.dma_semaphore, #tpu.memory_space<semaphore_mem>>)
      %dma_wait3A = arith.constant 0 : i32
      %dma_wait3A_19 = tpu.memref_slice %arg5[%add3A_15, %dma_wait3A] : memref<20224x128xf32, #tpu.memory_space<hbm>> -> memref<632x128xf32, #tpu.memory_space<hbm>>
      %dma_wait3A_20 = arith.constant 0 : i32
      %dma_wait3A_21 = tpu.memref_slice %arg8[%mul3A_10, %dma_wait3A_20] : memref<10112x128xf32, #tpu.memory_space<vmem_shared>> -> memref<632x128xf32, #tpu.memory_space<vmem_shared>>
      tpu.wait_dma2 semaphore(%run_scoped3A : memref<!tpu.dma_semaphore, #tpu.memory_space<semaphore_mem>>) src(%dma_wait3A_21 : memref<632x128xf32, #tpu.memory_space<vmem_shared>>) dst(%dma_wait3A_19 : memref<632x128xf32, #tpu.memory_space<hbm>>)
      tpu.yield
    }) : () -> ()
    return
  }
}

#map = affine_map<(d0, d1) -> (0, 0)>
#map1 = affine_map<(d0, d1) -> (0, 0, 0, 0)>
module attributes {stable_mosaic.version = 14 : i64} {
  func.func @_agg_body(%arg0: i32, %arg1: i32, %arg2: memref<60000x128xf32, #tpu.memory_space<hbm>>, %arg3: memref<32x157x2x128xi32, #tpu.memory_space<hbm>>, %arg4: memref<632x128xf32, #tpu.memory_space<hbm>>, %arg5: memref<20224x128xf32, #tpu.memory_space<hbm>>, %arg6: memref<2x128xi32, #tpu.memory_space<vmem>>, %arg7: memref<128x128xf32, #tpu.memory_space<vmem>>, %arg8: memref<10112x128xf32, #tpu.memory_space<vmem_shared>>, %arg9: memref<!tpu.dma_semaphore, #tpu.memory_space<semaphore_mem>>) attributes {dimension_semantics = [#tpu.dimension_semantics<core_parallel>, #tpu.dimension_semantics<subcore_parallel>], iteration_bounds = array<i64: 2, 16>, scalar_prefetch = 0 : i64, scratch_operands = 4 : i64, tpu.core_type = #tpu.core_type<sc_vector_subcore>, window_params = [{transform_indices = #map}, {transform_indices = #map1}, {transform_indices = #map}, {transform_indices = #map}]} {
    %mul3A = arith.constant 2 : i32
    %mul3A_0 = arith.muli %arg1, %mul3A : i32
    %add3A = arith.addi %mul3A_0, %arg0 : i32
    %mul3A_1 = arith.constant 632 : i32
    %mul3A_2 = arith.muli %arg1, %mul3A_1 : i32
    "tpu.region"() ({
      %run_scoped3A = tpu.sem_alloc : memref<!tpu.dma_semaphore, #tpu.memory_space<semaphore_mem>>
      %dma_start3A = arith.constant 0 : i32
      %dma_start3A_16 = tpu.memref_slice %arg8[%mul3A_2, %dma_start3A] : memref<10112x128xf32, #tpu.memory_space<vmem_shared>> -> memref<632x128xf32, #tpu.memory_space<vmem_shared>>
      tpu.enqueue_dma source(%arg4 : memref<632x128xf32, #tpu.memory_space<hbm>>) target(%dma_start3A_16 : memref<632x128xf32, #tpu.memory_space<vmem_shared>>) target_semaphore(%run_scoped3A : memref<!tpu.dma_semaphore, #tpu.memory_space<semaphore_mem>>)
      %dma_wait3A = arith.constant 0 : i32
      %dma_wait3A_17 = tpu.memref_slice %arg8[%mul3A_2, %dma_wait3A] : memref<10112x128xf32, #tpu.memory_space<vmem_shared>> -> memref<632x128xf32, #tpu.memory_space<vmem_shared>>
      tpu.wait_dma2 semaphore(%run_scoped3A : memref<!tpu.dma_semaphore, #tpu.memory_space<semaphore_mem>>) src(%arg4 : memref<632x128xf32, #tpu.memory_space<hbm>>) dst(%dma_wait3A_17 : memref<632x128xf32, #tpu.memory_space<vmem_shared>>)
      tpu.yield
    }) : () -> ()
    %barrier3A = arith.constant 0 : index
    tpu.barrier barrier_id(%barrier3A)
    %scan3A = arith.constant 0 : i32
    %scan3A_3 = arith.constant 0 : i32
    %scan3A_4 = arith.constant 157 : i32
    %scan3A_5 = arith.addi %scan3A_3, %scan3A_4 : i32
    %scan3A_6 = arith.constant 1 : i32
    scf.for %scan3A_16 = %scan3A_3 to %scan3A_5 step %scan3A_6  : i32 {
      "tpu.region"() ({
        %run_scoped3A_29 = tpu.sem_alloc : memref<!tpu.dma_semaphore, #tpu.memory_space<semaphore_mem>>
        %dma_start3A_30 = arith.constant 0 : i32
        %dma_start3A_31 = arith.constant 0 : i32
        %dma_start3A_32 = tpu.memref_slice %arg3[%add3A, %scan3A_16, %dma_start3A_30, %dma_start3A_31] : memref<32x157x2x128xi32, #tpu.memory_space<hbm>> -> memref<1x1x2x128xi32, #tpu.memory_space<hbm>>
        %dma_start3A_33 = tpu.memref_squeeze %dma_start3A_32 : memref<1x1x2x128xi32, #tpu.memory_space<hbm>> -> memref<2x128xi32, #tpu.memory_space<hbm>>
        %dma_start3A_34 = arith.constant 0 : i32
        %dma_start3A_35 = arith.constant 0 : i32
        %dma_start3A_36 = tpu.memref_slice %arg3[%add3A, %scan3A_16, %dma_start3A_34, %dma_start3A_35] : memref<32x157x2x128xi32, #tpu.memory_space<hbm>> -> memref<1x1x2x128xi32, #tpu.memory_space<hbm>>
        %dma_start3A_37 = tpu.memref_squeeze %dma_start3A_36 : memref<1x1x2x128xi32, #tpu.memory_space<hbm>> -> memref<2x128xi32, #tpu.memory_space<hbm>>
        tpu.enqueue_dma source(%dma_start3A_37 : memref<2x128xi32, #tpu.memory_space<hbm>>) target(%arg6 : memref<2x128xi32, #tpu.memory_space<vmem>>) target_semaphore(%run_scoped3A_29 : memref<!tpu.dma_semaphore, #tpu.memory_space<semaphore_mem>>)
        %dma_wait3A_38 = arith.constant 0 : i32
        %dma_wait3A_39 = arith.constant 0 : i32
        %dma_wait3A_40 = tpu.memref_slice %arg3[%add3A, %scan3A_16, %dma_wait3A_38, %dma_wait3A_39] : memref<32x157x2x128xi32, #tpu.memory_space<hbm>> -> memref<1x1x2x128xi32, #tpu.memory_space<hbm>>
        %dma_wait3A_41 = tpu.memref_squeeze %dma_wait3A_40 : memref<1x1x2x128xi32, #tpu.memory_space<hbm>> -> memref<2x128xi32, #tpu.memory_space<hbm>>
        %dma_wait3A_42 = arith.constant 0 : i32
        %dma_wait3A_43 = arith.constant 0 : i32
        %dma_wait3A_44 = tpu.memref_slice %arg3[%add3A, %scan3A_16, %dma_wait3A_42, %dma_wait3A_43] : memref<32x157x2x128xi32, #tpu.memory_space<hbm>> -> memref<1x1x2x128xi32, #tpu.memory_space<hbm>>
        %dma_wait3A_45 = tpu.memref_squeeze %dma_wait3A_44 : memref<1x1x2x128xi32, #tpu.memory_space<hbm>> -> memref<2x128xi32, #tpu.memory_space<hbm>>
        tpu.wait_dma2 semaphore(%run_scoped3A_29 : memref<!tpu.dma_semaphore, #tpu.memory_space<semaphore_mem>>) src(%dma_wait3A_45 : memref<2x128xi32, #tpu.memory_space<hbm>>) dst(%arg6 : memref<2x128xi32, #tpu.memory_space<vmem>>)
        tpu.yield
      }) : () -> ()
      %dma_start3A = arith.constant 0 : i32
      %dma_start3A_17 = arith.constant 0 : i32
      %dma_start3A_18 = tpu.memref_slice %arg6[%dma_start3A, %dma_start3A_17] : memref<2x128xi32, #tpu.memory_space<vmem>> -> memref<1x128xi32, #tpu.memory_space<vmem>>
      %dma_start3A_19 = tpu.memref_squeeze %dma_start3A_18 : memref<1x128xi32, #tpu.memory_space<vmem>> -> memref<128xi32, #tpu.memory_space<vmem>>
      %dma_start3A_20 = arith.constant 0 : i32
      %dma_start3A_21 = arith.constant 0 : i32
      %dma_start3A_22 = tpu.memref_slice %arg2[%dma_start3A_20, %dma_start3A_21] : memref<60000x128xf32, #tpu.memory_space<hbm>> -> memref<60000x128xf32, #tpu.memory_space<hbm>>
      tpu.enqueue_indirect_dma source(%dma_start3A_22 : memref<60000x128xf32, #tpu.memory_space<hbm>>) target(%arg7 : memref<128x128xf32, #tpu.memory_space<vmem>>) offsets(%dma_start3A_19 : memref<128xi32, #tpu.memory_space<vmem>>) semaphore(%arg9 : memref<!tpu.dma_semaphore, #tpu.memory_space<semaphore_mem>>)
      %dma_wait3A = arith.constant 0 : i32
      %dma_wait3A_23 = arith.constant 0 : i32
      %dma_wait3A_24 = tpu.memref_slice %arg6[%dma_wait3A, %dma_wait3A_23] : memref<2x128xi32, #tpu.memory_space<vmem>> -> memref<1x128xi32, #tpu.memory_space<vmem>>
      %dma_wait3A_25 = tpu.memref_squeeze %dma_wait3A_24 : memref<1x128xi32, #tpu.memory_space<vmem>> -> memref<128xi32, #tpu.memory_space<vmem>>
      %dma_wait3A_26 = arith.constant 0 : i32
      %dma_wait3A_27 = arith.constant 0 : i32
      %dma_wait3A_28 = tpu.memref_slice %arg2[%dma_wait3A_26, %dma_wait3A_27] : memref<60000x128xf32, #tpu.memory_space<hbm>> -> memref<60000x128xf32, #tpu.memory_space<hbm>>
      tpu.wait_indirect_dma semaphore(%arg9 : memref<!tpu.dma_semaphore, #tpu.memory_space<semaphore_mem>>) src(%dma_wait3A_28 : memref<60000x128xf32, #tpu.memory_space<hbm>>) dst(%arg7 : memref<128x128xf32, #tpu.memory_space<vmem>>)
      %run_scoped3A = arith.constant 1 : i32
      "tpu.region"() ({
        %run_scoped3A_29 = tpu.sem_alloc : memref<!tpu.dma_semaphore, #tpu.memory_space<semaphore_mem>>
        %dma_start3A_30 = arith.constant 0 : i32
        %dma_start3A_31 = tpu.memref_slice %arg6[%run_scoped3A, %dma_start3A_30] : memref<2x128xi32, #tpu.memory_space<vmem>> -> memref<1x128xi32, #tpu.memory_space<vmem>>
        %dma_start3A_32 = tpu.memref_squeeze %dma_start3A_31 : memref<1x128xi32, #tpu.memory_space<vmem>> -> memref<128xi32, #tpu.memory_space<vmem>>
        %dma_start3A_33 = arith.constant 0 : i32
        %dma_start3A_34 = arith.constant 0 : i32
        %dma_start3A_35 = tpu.memref_slice %arg8[%dma_start3A_33, %dma_start3A_34] : memref<10112x128xf32, #tpu.memory_space<vmem_shared>> -> memref<10112x128xf32, #tpu.memory_space<vmem_shared>>
        tpu.enqueue_indirect_dma source(%arg7 : memref<128x128xf32, #tpu.memory_space<vmem>>) target(%dma_start3A_35 : memref<10112x128xf32, #tpu.memory_space<vmem_shared>>) offsets(%dma_start3A_32 : memref<128xi32, #tpu.memory_space<vmem>>) semaphore(%run_scoped3A_29 : memref<!tpu.dma_semaphore, #tpu.memory_space<semaphore_mem>>) {add = true}
        %dma_wait3A_36 = arith.constant 0 : i32
        %dma_wait3A_37 = tpu.memref_slice %arg6[%run_scoped3A, %dma_wait3A_36] : memref<2x128xi32, #tpu.memory_space<vmem>> -> memref<1x128xi32, #tpu.memory_space<vmem>>
        %dma_wait3A_38 = tpu.memref_squeeze %dma_wait3A_37 : memref<1x128xi32, #tpu.memory_space<vmem>> -> memref<128xi32, #tpu.memory_space<vmem>>
        %dma_wait3A_39 = arith.constant 0 : i32
        %dma_wait3A_40 = arith.constant 0 : i32
        %dma_wait3A_41 = tpu.memref_slice %arg8[%dma_wait3A_39, %dma_wait3A_40] : memref<10112x128xf32, #tpu.memory_space<vmem_shared>> -> memref<10112x128xf32, #tpu.memory_space<vmem_shared>>
        tpu.wait_indirect_dma semaphore(%run_scoped3A_29 : memref<!tpu.dma_semaphore, #tpu.memory_space<semaphore_mem>>) src(%arg7 : memref<128x128xf32, #tpu.memory_space<vmem>>) dst(%dma_wait3A_41 : memref<10112x128xf32, #tpu.memory_space<vmem_shared>>)
        tpu.yield
      }) : () -> ()
    }
    %scan3A_7 = arith.constant 157 : i32
    %barrier3A_8 = arith.constant 0 : index
    tpu.barrier barrier_id(%barrier3A_8)
    %mul3A_9 = arith.constant 632 : i32
    %mul3A_10 = arith.muli %arg1, %mul3A_9 : i32
    %mul3A_11 = arith.constant 10112 : i32
    %mul3A_12 = arith.muli %arg0, %mul3A_11 : i32
    %mul3A_13 = arith.constant 632 : i32
    %mul3A_14 = arith.muli %arg1, %mul3A_13 : i32
    %add3A_15 = arith.addi %mul3A_12, %mul3A_14 : i32
    "tpu.region"() ({
      %run_scoped3A = tpu.sem_alloc : memref<!tpu.dma_semaphore, #tpu.memory_space<semaphore_mem>>
      %dma_start3A = arith.constant 0 : i32
      %dma_start3A_16 = tpu.memref_slice %arg5[%add3A_15, %dma_start3A] : memref<20224x128xf32, #tpu.memory_space<hbm>> -> memref<632x128xf32, #tpu.memory_space<hbm>>
      %dma_start3A_17 = arith.constant 0 : i32
      %dma_start3A_18 = tpu.memref_slice %arg8[%mul3A_10, %dma_start3A_17] : memref<10112x128xf32, #tpu.memory_space<vmem_shared>> -> memref<632x128xf32, #tpu.memory_space<vmem_shared>>
      tpu.enqueue_dma source(%dma_start3A_18 : memref<632x128xf32, #tpu.memory_space<vmem_shared>>) target(%dma_start3A_16 : memref<632x128xf32, #tpu.memory_space<hbm>>) target_semaphore(%run_scoped3A : memref<!tpu.dma_semaphore, #tpu.memory_space<semaphore_mem>>)
      %dma_wait3A = arith.constant 0 : i32
      %dma_wait3A_19 = tpu.memref_slice %arg5[%add3A_15, %dma_wait3A] : memref<20224x128xf32, #tpu.memory_space<hbm>> -> memref<632x128xf32, #tpu.memory_space<hbm>>
      %dma_wait3A_20 = arith.constant 0 : i32
      %dma_wait3A_21 = tpu.memref_slice %arg8[%mul3A_10, %dma_wait3A_20] : memref<10112x128xf32, #tpu.memory_space<vmem_shared>> -> memref<632x128xf32, #tpu.memory_space<vmem_shared>>
      tpu.wait_dma2 semaphore(%run_scoped3A : memref<!tpu.dma_semaphore, #tpu.memory_space<semaphore_mem>>) src(%dma_wait3A_21 : memref<632x128xf32, #tpu.memory_space<vmem_shared>>) dst(%dma_wait3A_19 : memref<632x128xf32, #tpu.memory_space<hbm>>)
      tpu.yield
    }) : () -> ()
    return
  }
}

#map = affine_map<(d0, d1) -> (0, 0)>
#map1 = affine_map<(d0, d1) -> (0, 0, 0, 0)>
module attributes {stable_mosaic.version = 14 : i64} {
  func.func @_agg_body(%arg0: i32, %arg1: i32, %arg2: memref<60000x128xf32, #tpu.memory_space<hbm>>, %arg3: memref<32x157x2x128xi32, #tpu.memory_space<hbm>>, %arg4: memref<632x128xf32, #tpu.memory_space<hbm>>, %arg5: memref<20224x128xf32, #tpu.memory_space<hbm>>, %arg6: memref<2x128xi32, #tpu.memory_space<vmem>>, %arg7: memref<128x128xf32, #tpu.memory_space<vmem>>, %arg8: memref<10112x128xf32, #tpu.memory_space<vmem_shared>>, %arg9: memref<!tpu.dma_semaphore, #tpu.memory_space<semaphore_mem>>) attributes {dimension_semantics = [#tpu.dimension_semantics<core_parallel>, #tpu.dimension_semantics<subcore_parallel>], iteration_bounds = array<i64: 2, 16>, scalar_prefetch = 0 : i64, scratch_operands = 4 : i64, tpu.core_type = #tpu.core_type<sc_vector_subcore>, window_params = [{transform_indices = #map}, {transform_indices = #map1}, {transform_indices = #map}, {transform_indices = #map}]} {
    %mul3A = arith.constant 2 : i32
    %mul3A_0 = arith.muli %arg1, %mul3A : i32
    %add3A = arith.addi %mul3A_0, %arg0 : i32
    %mul3A_1 = arith.constant 632 : i32
    %mul3A_2 = arith.muli %arg1, %mul3A_1 : i32
    "tpu.region"() ({
      %run_scoped3A = tpu.sem_alloc : memref<!tpu.dma_semaphore, #tpu.memory_space<semaphore_mem>>
      %dma_start3A = arith.constant 0 : i32
      %dma_start3A_16 = tpu.memref_slice %arg8[%mul3A_2, %dma_start3A] : memref<10112x128xf32, #tpu.memory_space<vmem_shared>> -> memref<632x128xf32, #tpu.memory_space<vmem_shared>>
      tpu.enqueue_dma source(%arg4 : memref<632x128xf32, #tpu.memory_space<hbm>>) target(%dma_start3A_16 : memref<632x128xf32, #tpu.memory_space<vmem_shared>>) target_semaphore(%run_scoped3A : memref<!tpu.dma_semaphore, #tpu.memory_space<semaphore_mem>>)
      %dma_wait3A = arith.constant 0 : i32
      %dma_wait3A_17 = tpu.memref_slice %arg8[%mul3A_2, %dma_wait3A] : memref<10112x128xf32, #tpu.memory_space<vmem_shared>> -> memref<632x128xf32, #tpu.memory_space<vmem_shared>>
      tpu.wait_dma2 semaphore(%run_scoped3A : memref<!tpu.dma_semaphore, #tpu.memory_space<semaphore_mem>>) src(%arg4 : memref<632x128xf32, #tpu.memory_space<hbm>>) dst(%dma_wait3A_17 : memref<632x128xf32, #tpu.memory_space<vmem_shared>>)
      tpu.yield
    }) : () -> ()
    %barrier3A = arith.constant 0 : index
    tpu.barrier barrier_id(%barrier3A)
    %scan3A = arith.constant 0 : i32
    %scan3A_3 = arith.constant 0 : i32
    %scan3A_4 = arith.constant 157 : i32
    %scan3A_5 = arith.addi %scan3A_3, %scan3A_4 : i32
    %scan3A_6 = arith.constant 1 : i32
    scf.for %scan3A_16 = %scan3A_3 to %scan3A_5 step %scan3A_6  : i32 {
      "tpu.region"() ({
        %run_scoped3A_29 = tpu.sem_alloc : memref<!tpu.dma_semaphore, #tpu.memory_space<semaphore_mem>>
        %dma_start3A_30 = arith.constant 0 : i32
        %dma_start3A_31 = arith.constant 0 : i32
        %dma_start3A_32 = tpu.memref_slice %arg3[%add3A, %scan3A_16, %dma_start3A_30, %dma_start3A_31] : memref<32x157x2x128xi32, #tpu.memory_space<hbm>> -> memref<1x1x2x128xi32, #tpu.memory_space<hbm>>
        %dma_start3A_33 = tpu.memref_squeeze %dma_start3A_32 : memref<1x1x2x128xi32, #tpu.memory_space<hbm>> -> memref<2x128xi32, #tpu.memory_space<hbm>>
        %dma_start3A_34 = arith.constant 0 : i32
        %dma_start3A_35 = arith.constant 0 : i32
        %dma_start3A_36 = tpu.memref_slice %arg3[%add3A, %scan3A_16, %dma_start3A_34, %dma_start3A_35] : memref<32x157x2x128xi32, #tpu.memory_space<hbm>> -> memref<1x1x2x128xi32, #tpu.memory_space<hbm>>
        %dma_start3A_37 = tpu.memref_squeeze %dma_start3A_36 : memref<1x1x2x128xi32, #tpu.memory_space<hbm>> -> memref<2x128xi32, #tpu.memory_space<hbm>>
        tpu.enqueue_dma source(%dma_start3A_37 : memref<2x128xi32, #tpu.memory_space<hbm>>) target(%arg6 : memref<2x128xi32, #tpu.memory_space<vmem>>) target_semaphore(%run_scoped3A_29 : memref<!tpu.dma_semaphore, #tpu.memory_space<semaphore_mem>>)
        %dma_wait3A_38 = arith.constant 0 : i32
        %dma_wait3A_39 = arith.constant 0 : i32
        %dma_wait3A_40 = tpu.memref_slice %arg3[%add3A, %scan3A_16, %dma_wait3A_38, %dma_wait3A_39] : memref<32x157x2x128xi32, #tpu.memory_space<hbm>> -> memref<1x1x2x128xi32, #tpu.memory_space<hbm>>
        %dma_wait3A_41 = tpu.memref_squeeze %dma_wait3A_40 : memref<1x1x2x128xi32, #tpu.memory_space<hbm>> -> memref<2x128xi32, #tpu.memory_space<hbm>>
        %dma_wait3A_42 = arith.constant 0 : i32
        %dma_wait3A_43 = arith.constant 0 : i32
        %dma_wait3A_44 = tpu.memref_slice %arg3[%add3A, %scan3A_16, %dma_wait3A_42, %dma_wait3A_43] : memref<32x157x2x128xi32, #tpu.memory_space<hbm>> -> memref<1x1x2x128xi32, #tpu.memory_space<hbm>>
        %dma_wait3A_45 = tpu.memref_squeeze %dma_wait3A_44 : memref<1x1x2x128xi32, #tpu.memory_space<hbm>> -> memref<2x128xi32, #tpu.memory_space<hbm>>
        tpu.wait_dma2 semaphore(%run_scoped3A_29 : memref<!tpu.dma_semaphore, #tpu.memory_space<semaphore_mem>>) src(%dma_wait3A_45 : memref<2x128xi32, #tpu.memory_space<hbm>>) dst(%arg6 : memref<2x128xi32, #tpu.memory_space<vmem>>)
        tpu.yield
      }) : () -> ()
      %dma_start3A = arith.constant 0 : i32
      %dma_start3A_17 = arith.constant 0 : i32
      %dma_start3A_18 = tpu.memref_slice %arg6[%dma_start3A, %dma_start3A_17] : memref<2x128xi32, #tpu.memory_space<vmem>> -> memref<1x128xi32, #tpu.memory_space<vmem>>
      %dma_start3A_19 = tpu.memref_squeeze %dma_start3A_18 : memref<1x128xi32, #tpu.memory_space<vmem>> -> memref<128xi32, #tpu.memory_space<vmem>>
      %dma_start3A_20 = arith.constant 0 : i32
      %dma_start3A_21 = arith.constant 0 : i32
      %dma_start3A_22 = tpu.memref_slice %arg2[%dma_start3A_20, %dma_start3A_21] : memref<60000x128xf32, #tpu.memory_space<hbm>> -> memref<60000x128xf32, #tpu.memory_space<hbm>>
      tpu.enqueue_indirect_dma source(%dma_start3A_22 : memref<60000x128xf32, #tpu.memory_space<hbm>>) target(%arg7 : memref<128x128xf32, #tpu.memory_space<vmem>>) offsets(%dma_start3A_19 : memref<128xi32, #tpu.memory_space<vmem>>) semaphore(%arg9 : memref<!tpu.dma_semaphore, #tpu.memory_space<semaphore_mem>>)
      %dma_wait3A = arith.constant 0 : i32
      %dma_wait3A_23 = arith.constant 0 : i32
      %dma_wait3A_24 = tpu.memref_slice %arg6[%dma_wait3A, %dma_wait3A_23] : memref<2x128xi32, #tpu.memory_space<vmem>> -> memref<1x128xi32, #tpu.memory_space<vmem>>
      %dma_wait3A_25 = tpu.memref_squeeze %dma_wait3A_24 : memref<1x128xi32, #tpu.memory_space<vmem>> -> memref<128xi32, #tpu.memory_space<vmem>>
      %dma_wait3A_26 = arith.constant 0 : i32
      %dma_wait3A_27 = arith.constant 0 : i32
      %dma_wait3A_28 = tpu.memref_slice %arg2[%dma_wait3A_26, %dma_wait3A_27] : memref<60000x128xf32, #tpu.memory_space<hbm>> -> memref<60000x128xf32, #tpu.memory_space<hbm>>
      tpu.wait_indirect_dma semaphore(%arg9 : memref<!tpu.dma_semaphore, #tpu.memory_space<semaphore_mem>>) src(%dma_wait3A_28 : memref<60000x128xf32, #tpu.memory_space<hbm>>) dst(%arg7 : memref<128x128xf32, #tpu.memory_space<vmem>>)
      %run_scoped3A = arith.constant 1 : i32
      "tpu.region"() ({
        %run_scoped3A_29 = tpu.sem_alloc : memref<!tpu.dma_semaphore, #tpu.memory_space<semaphore_mem>>
        %dma_start3A_30 = arith.constant 0 : i32
        %dma_start3A_31 = tpu.memref_slice %arg6[%run_scoped3A, %dma_start3A_30] : memref<2x128xi32, #tpu.memory_space<vmem>> -> memref<1x128xi32, #tpu.memory_space<vmem>>
        %dma_start3A_32 = tpu.memref_squeeze %dma_start3A_31 : memref<1x128xi32, #tpu.memory_space<vmem>> -> memref<128xi32, #tpu.memory_space<vmem>>
        %dma_start3A_33 = arith.constant 0 : i32
        %dma_start3A_34 = arith.constant 0 : i32
        %dma_start3A_35 = tpu.memref_slice %arg8[%dma_start3A_33, %dma_start3A_34] : memref<10112x128xf32, #tpu.memory_space<vmem_shared>> -> memref<10112x128xf32, #tpu.memory_space<vmem_shared>>
        tpu.enqueue_indirect_dma source(%arg7 : memref<128x128xf32, #tpu.memory_space<vmem>>) target(%dma_start3A_35 : memref<10112x128xf32, #tpu.memory_space<vmem_shared>>) offsets(%dma_start3A_32 : memref<128xi32, #tpu.memory_space<vmem>>) semaphore(%run_scoped3A_29 : memref<!tpu.dma_semaphore, #tpu.memory_space<semaphore_mem>>) {add = true}
        %dma_wait3A_36 = arith.constant 0 : i32
        %dma_wait3A_37 = tpu.memref_slice %arg6[%run_scoped3A, %dma_wait3A_36] : memref<2x128xi32, #tpu.memory_space<vmem>> -> memref<1x128xi32, #tpu.memory_space<vmem>>
        %dma_wait3A_38 = tpu.memref_squeeze %dma_wait3A_37 : memref<1x128xi32, #tpu.memory_space<vmem>> -> memref<128xi32, #tpu.memory_space<vmem>>
        %dma_wait3A_39 = arith.constant 0 : i32
        %dma_wait3A_40 = arith.constant 0 : i32
        %dma_wait3A_41 = tpu.memref_slice %arg8[%dma_wait3A_39, %dma_wait3A_40] : memref<10112x128xf32, #tpu.memory_space<vmem_shared>> -> memref<10112x128xf32, #tpu.memory_space<vmem_shared>>
        tpu.wait_indirect_dma semaphore(%run_scoped3A_29 : memref<!tpu.dma_semaphore, #tpu.memory_space<semaphore_mem>>) src(%arg7 : memref<128x128xf32, #tpu.memory_space<vmem>>) dst(%dma_wait3A_41 : memref<10112x128xf32, #tpu.memory_space<vmem_shared>>)
        tpu.yield
      }) : () -> ()
    }
    %scan3A_7 = arith.constant 157 : i32
    %barrier3A_8 = arith.constant 0 : index
    tpu.barrier barrier_id(%barrier3A_8)
    %mul3A_9 = arith.constant 632 : i32
    %mul3A_10 = arith.muli %arg1, %mul3A_9 : i32
    %mul3A_11 = arith.constant 10112 : i32
    %mul3A_12 = arith.muli %arg0, %mul3A_11 : i32
    %mul3A_13 = arith.constant 632 : i32
    %mul3A_14 = arith.muli %arg1, %mul3A_13 : i32
    %add3A_15 = arith.addi %mul3A_12, %mul3A_14 : i32
    "tpu.region"() ({
      %run_scoped3A = tpu.sem_alloc : memref<!tpu.dma_semaphore, #tpu.memory_space<semaphore_mem>>
      %dma_start3A = arith.constant 0 : i32
      %dma_start3A_16 = tpu.memref_slice %arg5[%add3A_15, %dma_start3A] : memref<20224x128xf32, #tpu.memory_space<hbm>> -> memref<632x128xf32, #tpu.memory_space<hbm>>
      %dma_start3A_17 = arith.constant 0 : i32
      %dma_start3A_18 = tpu.memref_slice %arg8[%mul3A_10, %dma_start3A_17] : memref<10112x128xf32, #tpu.memory_space<vmem_shared>> -> memref<632x128xf32, #tpu.memory_space<vmem_shared>>
      tpu.enqueue_dma source(%dma_start3A_18 : memref<632x128xf32, #tpu.memory_space<vmem_shared>>) target(%dma_start3A_16 : memref<632x128xf32, #tpu.memory_space<hbm>>) target_semaphore(%run_scoped3A : memref<!tpu.dma_semaphore, #tpu.memory_space<semaphore_mem>>)
      %dma_wait3A = arith.constant 0 : i32
      %dma_wait3A_19 = tpu.memref_slice %arg5[%add3A_15, %dma_wait3A] : memref<20224x128xf32, #tpu.memory_space<hbm>> -> memref<632x128xf32, #tpu.memory_space<hbm>>
      %dma_wait3A_20 = arith.constant 0 : i32
      %dma_wait3A_21 = tpu.memref_slice %arg8[%mul3A_10, %dma_wait3A_20] : memref<10112x128xf32, #tpu.memory_space<vmem_shared>> -> memref<632x128xf32, #tpu.memory_space<vmem_shared>>
      tpu.wait_dma2 semaphore(%run_scoped3A : memref<!tpu.dma_semaphore, #tpu.memory_space<semaphore_mem>>) src(%dma_wait3A_21 : memref<632x128xf32, #tpu.memory_space<vmem_shared>>) dst(%dma_wait3A_19 : memref<632x128xf32, #tpu.memory_space<hbm>>)
      tpu.yield
    }) : () -> ()
    return
  }
}

#map = affine_map<(d0, d1) -> (0, 0)>
#map1 = affine_map<(d0, d1) -> (0, 0, 0, 0)>
module attributes {stable_mosaic.version = 14 : i64} {
  func.func @_agg_body(%arg0: i32, %arg1: i32, %arg2: memref<60000x128xf32, #tpu.memory_space<hbm>>, %arg3: memref<32x157x2x128xi32, #tpu.memory_space<hbm>>, %arg4: memref<632x128xf32, #tpu.memory_space<hbm>>, %arg5: memref<20224x128xf32, #tpu.memory_space<hbm>>, %arg6: memref<2x128xi32, #tpu.memory_space<vmem>>, %arg7: memref<128x128xf32, #tpu.memory_space<vmem>>, %arg8: memref<10112x128xf32, #tpu.memory_space<vmem_shared>>, %arg9: memref<!tpu.dma_semaphore, #tpu.memory_space<semaphore_mem>>) attributes {dimension_semantics = [#tpu.dimension_semantics<core_parallel>, #tpu.dimension_semantics<subcore_parallel>], iteration_bounds = array<i64: 2, 16>, scalar_prefetch = 0 : i64, scratch_operands = 4 : i64, tpu.core_type = #tpu.core_type<sc_vector_subcore>, window_params = [{transform_indices = #map}, {transform_indices = #map1}, {transform_indices = #map}, {transform_indices = #map}]} {
    %mul3A = arith.constant 2 : i32
    %mul3A_0 = arith.muli %arg1, %mul3A : i32
    %add3A = arith.addi %mul3A_0, %arg0 : i32
    %mul3A_1 = arith.constant 632 : i32
    %mul3A_2 = arith.muli %arg1, %mul3A_1 : i32
    "tpu.region"() ({
      %run_scoped3A = tpu.sem_alloc : memref<!tpu.dma_semaphore, #tpu.memory_space<semaphore_mem>>
      %dma_start3A = arith.constant 0 : i32
      %dma_start3A_16 = tpu.memref_slice %arg8[%mul3A_2, %dma_start3A] : memref<10112x128xf32, #tpu.memory_space<vmem_shared>> -> memref<632x128xf32, #tpu.memory_space<vmem_shared>>
      tpu.enqueue_dma source(%arg4 : memref<632x128xf32, #tpu.memory_space<hbm>>) target(%dma_start3A_16 : memref<632x128xf32, #tpu.memory_space<vmem_shared>>) target_semaphore(%run_scoped3A : memref<!tpu.dma_semaphore, #tpu.memory_space<semaphore_mem>>)
      %dma_wait3A = arith.constant 0 : i32
      %dma_wait3A_17 = tpu.memref_slice %arg8[%mul3A_2, %dma_wait3A] : memref<10112x128xf32, #tpu.memory_space<vmem_shared>> -> memref<632x128xf32, #tpu.memory_space<vmem_shared>>
      tpu.wait_dma2 semaphore(%run_scoped3A : memref<!tpu.dma_semaphore, #tpu.memory_space<semaphore_mem>>) src(%arg4 : memref<632x128xf32, #tpu.memory_space<hbm>>) dst(%dma_wait3A_17 : memref<632x128xf32, #tpu.memory_space<vmem_shared>>)
      tpu.yield
    }) : () -> ()
    %barrier3A = arith.constant 0 : index
    tpu.barrier barrier_id(%barrier3A)
    %scan3A = arith.constant 0 : i32
    %scan3A_3 = arith.constant 0 : i32
    %scan3A_4 = arith.constant 157 : i32
    %scan3A_5 = arith.addi %scan3A_3, %scan3A_4 : i32
    %scan3A_6 = arith.constant 1 : i32
    scf.for %scan3A_16 = %scan3A_3 to %scan3A_5 step %scan3A_6  : i32 {
      "tpu.region"() ({
        %run_scoped3A_29 = tpu.sem_alloc : memref<!tpu.dma_semaphore, #tpu.memory_space<semaphore_mem>>
        %dma_start3A_30 = arith.constant 0 : i32
        %dma_start3A_31 = arith.constant 0 : i32
        %dma_start3A_32 = tpu.memref_slice %arg3[%add3A, %scan3A_16, %dma_start3A_30, %dma_start3A_31] : memref<32x157x2x128xi32, #tpu.memory_space<hbm>> -> memref<1x1x2x128xi32, #tpu.memory_space<hbm>>
        %dma_start3A_33 = tpu.memref_squeeze %dma_start3A_32 : memref<1x1x2x128xi32, #tpu.memory_space<hbm>> -> memref<2x128xi32, #tpu.memory_space<hbm>>
        %dma_start3A_34 = arith.constant 0 : i32
        %dma_start3A_35 = arith.constant 0 : i32
        %dma_start3A_36 = tpu.memref_slice %arg3[%add3A, %scan3A_16, %dma_start3A_34, %dma_start3A_35] : memref<32x157x2x128xi32, #tpu.memory_space<hbm>> -> memref<1x1x2x128xi32, #tpu.memory_space<hbm>>
        %dma_start3A_37 = tpu.memref_squeeze %dma_start3A_36 : memref<1x1x2x128xi32, #tpu.memory_space<hbm>> -> memref<2x128xi32, #tpu.memory_space<hbm>>
        tpu.enqueue_dma source(%dma_start3A_37 : memref<2x128xi32, #tpu.memory_space<hbm>>) target(%arg6 : memref<2x128xi32, #tpu.memory_space<vmem>>) target_semaphore(%run_scoped3A_29 : memref<!tpu.dma_semaphore, #tpu.memory_space<semaphore_mem>>)
        %dma_wait3A_38 = arith.constant 0 : i32
        %dma_wait3A_39 = arith.constant 0 : i32
        %dma_wait3A_40 = tpu.memref_slice %arg3[%add3A, %scan3A_16, %dma_wait3A_38, %dma_wait3A_39] : memref<32x157x2x128xi32, #tpu.memory_space<hbm>> -> memref<1x1x2x128xi32, #tpu.memory_space<hbm>>
        %dma_wait3A_41 = tpu.memref_squeeze %dma_wait3A_40 : memref<1x1x2x128xi32, #tpu.memory_space<hbm>> -> memref<2x128xi32, #tpu.memory_space<hbm>>
        %dma_wait3A_42 = arith.constant 0 : i32
        %dma_wait3A_43 = arith.constant 0 : i32
        %dma_wait3A_44 = tpu.memref_slice %arg3[%add3A, %scan3A_16, %dma_wait3A_42, %dma_wait3A_43] : memref<32x157x2x128xi32, #tpu.memory_space<hbm>> -> memref<1x1x2x128xi32, #tpu.memory_space<hbm>>
        %dma_wait3A_45 = tpu.memref_squeeze %dma_wait3A_44 : memref<1x1x2x128xi32, #tpu.memory_space<hbm>> -> memref<2x128xi32, #tpu.memory_space<hbm>>
        tpu.wait_dma2 semaphore(%run_scoped3A_29 : memref<!tpu.dma_semaphore, #tpu.memory_space<semaphore_mem>>) src(%dma_wait3A_45 : memref<2x128xi32, #tpu.memory_space<hbm>>) dst(%arg6 : memref<2x128xi32, #tpu.memory_space<vmem>>)
        tpu.yield
      }) : () -> ()
      %dma_start3A = arith.constant 0 : i32
      %dma_start3A_17 = arith.constant 0 : i32
      %dma_start3A_18 = tpu.memref_slice %arg6[%dma_start3A, %dma_start3A_17] : memref<2x128xi32, #tpu.memory_space<vmem>> -> memref<1x128xi32, #tpu.memory_space<vmem>>
      %dma_start3A_19 = tpu.memref_squeeze %dma_start3A_18 : memref<1x128xi32, #tpu.memory_space<vmem>> -> memref<128xi32, #tpu.memory_space<vmem>>
      %dma_start3A_20 = arith.constant 0 : i32
      %dma_start3A_21 = arith.constant 0 : i32
      %dma_start3A_22 = tpu.memref_slice %arg2[%dma_start3A_20, %dma_start3A_21] : memref<60000x128xf32, #tpu.memory_space<hbm>> -> memref<60000x128xf32, #tpu.memory_space<hbm>>
      tpu.enqueue_indirect_dma source(%dma_start3A_22 : memref<60000x128xf32, #tpu.memory_space<hbm>>) target(%arg7 : memref<128x128xf32, #tpu.memory_space<vmem>>) offsets(%dma_start3A_19 : memref<128xi32, #tpu.memory_space<vmem>>) semaphore(%arg9 : memref<!tpu.dma_semaphore, #tpu.memory_space<semaphore_mem>>)
      %dma_wait3A = arith.constant 0 : i32
      %dma_wait3A_23 = arith.constant 0 : i32
      %dma_wait3A_24 = tpu.memref_slice %arg6[%dma_wait3A, %dma_wait3A_23] : memref<2x128xi32, #tpu.memory_space<vmem>> -> memref<1x128xi32, #tpu.memory_space<vmem>>
      %dma_wait3A_25 = tpu.memref_squeeze %dma_wait3A_24 : memref<1x128xi32, #tpu.memory_space<vmem>> -> memref<128xi32, #tpu.memory_space<vmem>>
      %dma_wait3A_26 = arith.constant 0 : i32
      %dma_wait3A_27 = arith.constant 0 : i32
      %dma_wait3A_28 = tpu.memref_slice %arg2[%dma_wait3A_26, %dma_wait3A_27] : memref<60000x128xf32, #tpu.memory_space<hbm>> -> memref<60000x128xf32, #tpu.memory_space<hbm>>
      tpu.wait_indirect_dma semaphore(%arg9 : memref<!tpu.dma_semaphore, #tpu.memory_space<semaphore_mem>>) src(%dma_wait3A_28 : memref<60000x128xf32, #tpu.memory_space<hbm>>) dst(%arg7 : memref<128x128xf32, #tpu.memory_space<vmem>>)
      %run_scoped3A = arith.constant 1 : i32
      "tpu.region"() ({
        %run_scoped3A_29 = tpu.sem_alloc : memref<!tpu.dma_semaphore, #tpu.memory_space<semaphore_mem>>
        %dma_start3A_30 = arith.constant 0 : i32
        %dma_start3A_31 = tpu.memref_slice %arg6[%run_scoped3A, %dma_start3A_30] : memref<2x128xi32, #tpu.memory_space<vmem>> -> memref<1x128xi32, #tpu.memory_space<vmem>>
        %dma_start3A_32 = tpu.memref_squeeze %dma_start3A_31 : memref<1x128xi32, #tpu.memory_space<vmem>> -> memref<128xi32, #tpu.memory_space<vmem>>
        %dma_start3A_33 = arith.constant 0 : i32
        %dma_start3A_34 = arith.constant 0 : i32
        %dma_start3A_35 = tpu.memref_slice %arg8[%dma_start3A_33, %dma_start3A_34] : memref<10112x128xf32, #tpu.memory_space<vmem_shared>> -> memref<10112x128xf32, #tpu.memory_space<vmem_shared>>
        tpu.enqueue_indirect_dma source(%arg7 : memref<128x128xf32, #tpu.memory_space<vmem>>) target(%dma_start3A_35 : memref<10112x128xf32, #tpu.memory_space<vmem_shared>>) offsets(%dma_start3A_32 : memref<128xi32, #tpu.memory_space<vmem>>) semaphore(%run_scoped3A_29 : memref<!tpu.dma_semaphore, #tpu.memory_space<semaphore_mem>>) {add = true}
        %dma_wait3A_36 = arith.constant 0 : i32
        %dma_wait3A_37 = tpu.memref_slice %arg6[%run_scoped3A, %dma_wait3A_36] : memref<2x128xi32, #tpu.memory_space<vmem>> -> memref<1x128xi32, #tpu.memory_space<vmem>>
        %dma_wait3A_38 = tpu.memref_squeeze %dma_wait3A_37 : memref<1x128xi32, #tpu.memory_space<vmem>> -> memref<128xi32, #tpu.memory_space<vmem>>
        %dma_wait3A_39 = arith.constant 0 : i32
        %dma_wait3A_40 = arith.constant 0 : i32
        %dma_wait3A_41 = tpu.memref_slice %arg8[%dma_wait3A_39, %dma_wait3A_40] : memref<10112x128xf32, #tpu.memory_space<vmem_shared>> -> memref<10112x128xf32, #tpu.memory_space<vmem_shared>>
        tpu.wait_indirect_dma semaphore(%run_scoped3A_29 : memref<!tpu.dma_semaphore, #tpu.memory_space<semaphore_mem>>) src(%arg7 : memref<128x128xf32, #tpu.memory_space<vmem>>) dst(%dma_wait3A_41 : memref<10112x128xf32, #tpu.memory_space<vmem_shared>>)
        tpu.yield
      }) : () -> ()
    }
    %scan3A_7 = arith.constant 157 : i32
    %barrier3A_8 = arith.constant 0 : index
    tpu.barrier barrier_id(%barrier3A_8)
    %mul3A_9 = arith.constant 632 : i32
    %mul3A_10 = arith.muli %arg1, %mul3A_9 : i32
    %mul3A_11 = arith.constant 10112 : i32
    %mul3A_12 = arith.muli %arg0, %mul3A_11 : i32
    %mul3A_13 = arith.constant 632 : i32
    %mul3A_14 = arith.muli %arg1, %mul3A_13 : i32
    %add3A_15 = arith.addi %mul3A_12, %mul3A_14 : i32
    "tpu.region"() ({
      %run_scoped3A = tpu.sem_alloc : memref<!tpu.dma_semaphore, #tpu.memory_space<semaphore_mem>>
      %dma_start3A = arith.constant 0 : i32
      %dma_start3A_16 = tpu.memref_slice %arg5[%add3A_15, %dma_start3A] : memref<20224x128xf32, #tpu.memory_space<hbm>> -> memref<632x128xf32, #tpu.memory_space<hbm>>
      %dma_start3A_17 = arith.constant 0 : i32
      %dma_start3A_18 = tpu.memref_slice %arg8[%mul3A_10, %dma_start3A_17] : memref<10112x128xf32, #tpu.memory_space<vmem_shared>> -> memref<632x128xf32, #tpu.memory_space<vmem_shared>>
      tpu.enqueue_dma source(%dma_start3A_18 : memref<632x128xf32, #tpu.memory_space<vmem_shared>>) target(%dma_start3A_16 : memref<632x128xf32, #tpu.memory_space<hbm>>) target_semaphore(%run_scoped3A : memref<!tpu.dma_semaphore, #tpu.memory_space<semaphore_mem>>)
      %dma_wait3A = arith.constant 0 : i32
      %dma_wait3A_19 = tpu.memref_slice %arg5[%add3A_15, %dma_wait3A] : memref<20224x128xf32, #tpu.memory_space<hbm>> -> memref<632x128xf32, #tpu.memory_space<hbm>>
      %dma_wait3A_20 = arith.constant 0 : i32
      %dma_wait3A_21 = tpu.memref_slice %arg8[%mul3A_10, %dma_wait3A_20] : memref<10112x128xf32, #tpu.memory_space<vmem_shared>> -> memref<632x128xf32, #tpu.memory_space<vmem_shared>>
      tpu.wait_dma2 semaphore(%run_scoped3A : memref<!tpu.dma_semaphore, #tpu.memory_space<semaphore_mem>>) src(%dma_wait3A_21 : memref<632x128xf32, #tpu.memory_space<vmem_shared>>) dst(%dma_wait3A_19 : memref<632x128xf32, #tpu.memory_space<hbm>>)
      tpu.yield
    }) : () -> ()
    return
  }
}

module attributes {stable_mosaic.version = 14 : i64} {
  func.func @_hw_body(%arg0: i32, %arg1: i32, %arg2: memref<1000x128xf32, #tpu.memory_space<vmem>>, %arg3: memref<1x128x128xf32, #tpu.memory_space<vmem>>, %arg4: memref<1x1x128xf32, #tpu.memory_space<vmem>>, %arg5: memref<1x1000x128xf32, #tpu.memory_space<vmem>>) attributes {dimension_semantics = [#tpu.dimension_semantics<arbitrary>, #tpu.dimension_semantics<arbitrary>], iteration_bounds = array<i64: 6, 10>, scalar_prefetch = 0 : i64, scratch_operands = 0 : i64, tpu.core_type = #tpu.core_type<tc>, window_params = [{transform_indices = @transform_0, window_bounds = array<i64: 1000, 128>}, {transform_indices = @transform_1, window_bounds = array<i64: 1, 128, 128>}, {transform_indices = @transform_2, window_bounds = array<i64: 1, 1, 128>}, {transform_indices = @transform_3, window_bounds = array<i64: 1, 1000, 128>}]} {
    %get3A = arith.constant 0 : index
    %get3A_0 = arith.constant 0 : index
    %get3A_1 = vector.load %arg2[%get3A, %get3A_0] : memref<1000x128xf32, #tpu.memory_space<vmem>>, vector<1000x128xf32>
    %get3A_2 = arith.constant 0 : index
    %get3A_3 = arith.constant 0 : index
    %get3A_4 = arith.constant 0 : index
    %get3A_5 = vector.load %arg3[%get3A_2, %get3A_3, %get3A_4] : memref<1x128x128xf32, #tpu.memory_space<vmem>>, vector<1x128x128xf32>
    %get3A_6 = vector.shape_cast %get3A_5 : vector<1x128x128xf32> to vector<128x128xf32>
    %dot_general3A = arith.constant dense<0.000000e+00> : vector<1000x128xf32>
    %dot_general3A_7 = tpu.matmul %get3A_1, %get3A_6, %dot_general3A {dimension_numbers = #tpu.dot_dimension_numbers<[1], [0], [0], [1], [0, 0, 1, 1], [], []>, transpose_lhs_hint = false} : vector<1000x128xf32>, vector<128x128xf32>, vector<1000x128xf32> -> vector<1000x128xf32>
    %get3A_8 = arith.constant 0 : index
    %get3A_9 = arith.constant 0 : index
    %get3A_10 = arith.constant 0 : index
    %get3A_11 = vector.load %arg4[%get3A_8, %get3A_9, %get3A_10] : memref<1x1x128xf32, #tpu.memory_space<vmem>>, vector<1x1x128xf32>
    %get3A_12 = vector.shape_cast %get3A_11 : vector<1x1x128xf32> to vector<1x128xf32>
    %add3A = vector.broadcast %get3A_12 : vector<1x128xf32> to vector<1000x128xf32>
    %add3A_13 = arith.addf %dot_general3A_7, %add3A : vector<1000x128xf32>
    %swap3A = arith.constant 0 : index
    %swap3A_14 = arith.constant 0 : index
    %swap3A_15 = arith.constant 0 : index
    %swap3A_16 = vector.load %arg5[%swap3A, %swap3A_14, %swap3A_15] : memref<1x1000x128xf32, #tpu.memory_space<vmem>>, vector<1x1000x128xf32>
    %swap3A_17 = vector.shape_cast %swap3A_16 : vector<1x1000x128xf32> to vector<1000x128xf32>
    %swap3A_18 = vector.shape_cast %add3A_13 : vector<1000x128xf32> to vector<1x1000x128xf32>
    tpu.vector_store %arg5[%swap3A, %swap3A_14, %swap3A_15], %swap3A_18 {strides = array<i32>} : memref<1x1000x128xf32, #tpu.memory_space<vmem>>, vector<1x1000x128xf32>,
    return
  }
  func.func @transform_0(%arg0: i32, %arg1: i32) -> (i32, i32) {
    %c0_i32 = arith.constant 0 : i32
    %c0_i32_0 = arith.constant 0 : i32
    return %arg1, %c0_i32 : i32, i32
  }
  func.func @transform_1(%arg0: i32, %arg1: i32) -> (i32, i32, i32) {
    %c0_i32 = arith.constant 0 : i32
    %c0_i32_0 = arith.constant 0 : i32
    %c0_i32_1 = arith.constant 0 : i32
    return %arg0, %c0_i32, %c0_i32_0 : i32, i32, i32
  }
  func.func @transform_2(%arg0: i32, %arg1: i32) -> (i32, i32, i32) {
    %c0_i32 = arith.constant 0 : i32
    %c0_i32_0 = arith.constant 0 : i32
    %c0_i32_1 = arith.constant 0 : i32
    return %arg0, %c0_i32, %c0_i32_0 : i32, i32, i32
  }
  func.func @transform_3(%arg0: i32, %arg1: i32) -> (i32, i32, i32) {
    %c0_i32 = arith.constant 0 : i32
    %c0_i32_0 = arith.constant 0 : i32
    return %arg0, %arg1, %c0_i32 : i32, i32, i32
  }
}

module attributes {stable_mosaic.version = 14 : i64} {
  func.func @_gru_body(%arg0: i32, %arg1: memref<2x1000x128xf32, #tpu.memory_space<vmem>>, %arg2: memref<1000x128xf32, #tpu.memory_space<vmem>>, %arg3: memref<3x128x128xf32, #tpu.memory_space<vmem>>, %arg4: memref<3x128x128xf32, #tpu.memory_space<vmem>>, %arg5: memref<3x128xf32, #tpu.memory_space<vmem>>, %arg6: memref<1000x128xf32, #tpu.memory_space<vmem>>) attributes {dimension_semantics = [#tpu.dimension_semantics<arbitrary>], iteration_bounds = array<i64: 10>, scalar_prefetch = 0 : i64, scratch_operands = 0 : i64, tpu.core_type = #tpu.core_type<tc>, window_params = [{transform_indices = @transform_0, window_bounds = array<i64: 2, 1000, 128>}, {transform_indices = @transform_1, window_bounds = array<i64: 1000, 128>}, {pipeline_mode = #tpu.pipeline_mode<synchronous>, transform_indices = @transform_2, window_bounds = array<i64: 3, 128, 128>}, {pipeline_mode = #tpu.pipeline_mode<synchronous>, transform_indices = @transform_3, window_bounds = array<i64: 3, 128, 128>}, {pipeline_mode = #tpu.pipeline_mode<synchronous>, transform_indices = @transform_4, window_bounds = array<i64: 3, 128>}, {transform_indices = @transform_5, window_bounds = array<i64: 1000, 128>}]} {
    %get3A = arith.constant 0 : index
    %get3A_0 = arith.constant 0 : index
    %get3A_1 = arith.constant 0 : index
    %get3A_2 = vector.load %arg1[%get3A, %get3A_0, %get3A_1] : memref<2x1000x128xf32, #tpu.memory_space<vmem>>, vector<1x1000x128xf32>
    %get3A_3 = vector.shape_cast %get3A_2 : vector<1x1000x128xf32> to vector<1000x128xf32>
    %get3A_4 = arith.constant 1 : index
    %get3A_5 = arith.constant 0 : index
    %get3A_6 = arith.constant 0 : index
    %get3A_7 = vector.load %arg1[%get3A_4, %get3A_5, %get3A_6] : memref<2x1000x128xf32, #tpu.memory_space<vmem>>, vector<1x1000x128xf32>
    %get3A_8 = vector.shape_cast %get3A_7 : vector<1x1000x128xf32> to vector<1000x128xf32>
    %add3A = arith.addf %get3A_3, %get3A_8 : vector<1000x128xf32>
    %get3A_9 = arith.constant 0 : index
    %get3A_10 = arith.constant 0 : index
    %get3A_11 = vector.load %arg2[%get3A_9, %get3A_10] : memref<1000x128xf32, #tpu.memory_space<vmem>>, vector<1000x128xf32>
    %get3A_12 = arith.constant 0 : index
    %get3A_13 = arith.constant 0 : index
    %get3A_14 = arith.constant 0 : index
    %get3A_15 = vector.load %arg3[%get3A_12, %get3A_13, %get3A_14] : memref<3x128x128xf32, #tpu.memory_space<vmem>>, vector<1x128x128xf32>
    %get3A_16 = vector.shape_cast %get3A_15 : vector<1x128x128xf32> to vector<128x128xf32>
    %dot_general3A = arith.constant dense<0.000000e+00> : vector<1000x128xf32>
    %dot_general3A_17 = tpu.matmul %add3A, %get3A_16, %dot_general3A {dimension_numbers = #tpu.dot_dimension_numbers<[1], [0], [0], [1], [0, 0, 1, 1], [], []>, transpose_lhs_hint = false} : vector<1000x128xf32>, vector<128x128xf32>, vector<1000x128xf32> -> vector<1000x128xf32>
    %get3A_18 = arith.constant 0 : index
    %get3A_19 = arith.constant 0 : index
    %get3A_20 = arith.constant 0 : index
    %get3A_21 = vector.load %arg4[%get3A_18, %get3A_19, %get3A_20] : memref<3x128x128xf32, #tpu.memory_space<vmem>>, vector<1x128x128xf32>
    %get3A_22 = vector.shape_cast %get3A_21 : vector<1x128x128xf32> to vector<128x128xf32>
    %dot_general3A_23 = arith.constant dense<0.000000e+00> : vector<1000x128xf32>
    %dot_general3A_24 = tpu.matmul %get3A_11, %get3A_22, %dot_general3A_23 {dimension_numbers = #tpu.dot_dimension_numbers<[1], [0], [0], [1], [0, 0, 1, 1], [], []>, transpose_lhs_hint = false} : vector<1000x128xf32>, vector<128x128xf32>, vector<1000x128xf32> -> vector<1000x128xf32>
    %add3A_25 = arith.addf %dot_general3A_17, %dot_general3A_24 : vector<1000x128xf32>
    %get3A_26 = arith.constant 0 : index
    %get3A_27 = arith.constant 0 : index
    %get3A_28 = vector.load %arg5[%get3A_26, %get3A_27] : memref<3x128xf32, #tpu.memory_space<vmem>>, vector<1x128xf32>
    %get3A_29 = vector.shape_cast %get3A_28 : vector<1x128xf32> to vector<128xf32>
    %broadcast_in_dim3A = vector.shape_cast %get3A_29 : vector<128xf32> to vector<1x128xf32>
    %add3A_30 = vector.broadcast %broadcast_in_dim3A : vector<1x128xf32> to vector<1000x128xf32>
    %add3A_31 = arith.addf %add3A_25, %add3A_30 : vector<1000x128xf32>
    %logistic3A = arith.negf %add3A_31 : vector<1000x128xf32>
    %logistic3A_32 = math.exp %logistic3A : vector<1000x128xf32>
    %logistic3A_33 = arith.constant 1.000000e+00 : f32
    %logistic3A_34 = vector.broadcast %logistic3A_33 : f32 to vector<1000x128xf32>
    %logistic3A_35 = arith.addf %logistic3A_34, %logistic3A_32 : vector<1000x128xf32>
    %logistic3A_36 = arith.divf %logistic3A_34, %logistic3A_35 : vector<1000x128xf32>
    %get3A_37 = arith.constant 1 : index
    %get3A_38 = arith.constant 0 : index
    %get3A_39 = arith.constant 0 : index
    %get3A_40 = vector.load %arg3[%get3A_37, %get3A_38, %get3A_39] : memref<3x128x128xf32, #tpu.memory_space<vmem>>, vector<1x128x128xf32>
    %get3A_41 = vector.shape_cast %get3A_40 : vector<1x128x128xf32> to vector<128x128xf32>
    %dot_general3A_42 = arith.constant dense<0.000000e+00> : vector<1000x128xf32>
    %dot_general3A_43 = tpu.matmul %add3A, %get3A_41, %dot_general3A_42 {dimension_numbers = #tpu.dot_dimension_numbers<[1], [0], [0], [1], [0, 0, 1, 1], [], []>, transpose_lhs_hint = false} : vector<1000x128xf32>, vector<128x128xf32>, vector<1000x128xf32> -> vector<1000x128xf32>
    %get3A_44 = arith.constant 1 : index
    %get3A_45 = arith.constant 0 : index
    %get3A_46 = arith.constant 0 : index
    %get3A_47 = vector.load %arg4[%get3A_44, %get3A_45, %get3A_46] : memref<3x128x128xf32, #tpu.memory_space<vmem>>, vector<1x128x128xf32>
    %get3A_48 = vector.shape_cast %get3A_47 : vector<1x128x128xf32> to vector<128x128xf32>
    %dot_general3A_49 = arith.constant dense<0.000000e+00> : vector<1000x128xf32>
    %dot_general3A_50 = tpu.matmul %get3A_11, %get3A_48, %dot_general3A_49 {dimension_numbers = #tpu.dot_dimension_numbers<[1], [0], [0], [1], [0, 0, 1, 1], [], []>, transpose_lhs_hint = false} : vector<1000x128xf32>, vector<128x128xf32>, vector<1000x128xf32> -> vector<1000x128xf32>
    %add3A_51 = arith.addf %dot_general3A_43, %dot_general3A_50 : vector<1000x128xf32>
    %get3A_52 = arith.constant 1 : index
    %get3A_53 = arith.constant 0 : index
    %get3A_54 = vector.load %arg5[%get3A_52, %get3A_53] : memref<3x128xf32, #tpu.memory_space<vmem>>, vector<1x128xf32>
    %get3A_55 = vector.shape_cast %get3A_54 : vector<1x128xf32> to vector<128xf32>
    %broadcast_in_dim3A_56 = vector.shape_cast %get3A_55 : vector<128xf32> to vector<1x128xf32>
    %add3A_57 = vector.broadcast %broadcast_in_dim3A_56 : vector<1x128xf32> to vector<1000x128xf32>
    %add3A_58 = arith.addf %add3A_51, %add3A_57 : vector<1000x128xf32>
    %logistic3A_59 = arith.negf %add3A_58 : vector<1000x128xf32>
    %logistic3A_60 = math.exp %logistic3A_59 : vector<1000x128xf32>
    %logistic3A_61 = arith.constant 1.000000e+00 : f32
    %logistic3A_62 = vector.broadcast %logistic3A_61 : f32 to vector<1000x128xf32>
    %logistic3A_63 = arith.addf %logistic3A_62, %logistic3A_60 : vector<1000x128xf32>
    %logistic3A_64 = arith.divf %logistic3A_62, %logistic3A_63 : vector<1000x128xf32>
    %get3A_65 = arith.constant 2 : index
    %get3A_66 = arith.constant 0 : index
    %get3A_67 = arith.constant 0 : index
    %get3A_68 = vector.load %arg3[%get3A_65, %get3A_66, %get3A_67] : memref<3x128x128xf32, #tpu.memory_space<vmem>>, vector<1x128x128xf32>
    %get3A_69 = vector.shape_cast %get3A_68 : vector<1x128x128xf32> to vector<128x128xf32>
    %dot_general3A_70 = arith.constant dense<0.000000e+00> : vector<1000x128xf32>
    %dot_general3A_71 = tpu.matmul %add3A, %get3A_69, %dot_general3A_70 {dimension_numbers = #tpu.dot_dimension_numbers<[1], [0], [0], [1], [0, 0, 1, 1], [], []>, transpose_lhs_hint = false} : vector<1000x128xf32>, vector<128x128xf32>, vector<1000x128xf32> -> vector<1000x128xf32>
    %mul3A = arith.mulf %logistic3A_64, %get3A_11 : vector<1000x128xf32>
    %get3A_72 = arith.constant 2 : index
    %get3A_73 = arith.constant 0 : index
    %get3A_74 = arith.constant 0 : index
    %get3A_75 = vector.load %arg4[%get3A_72, %get3A_73, %get3A_74] : memref<3x128x128xf32, #tpu.memory_space<vmem>>, vector<1x128x128xf32>
    %get3A_76 = vector.shape_cast %get3A_75 : vector<1x128x128xf32> to vector<128x128xf32>
    %dot_general3A_77 = arith.constant dense<0.000000e+00> : vector<1000x128xf32>
    %dot_general3A_78 = tpu.matmul %mul3A, %get3A_76, %dot_general3A_77 {dimension_numbers = #tpu.dot_dimension_numbers<[1], [0], [0], [1], [0, 0, 1, 1], [], []>, transpose_lhs_hint = false} : vector<1000x128xf32>, vector<128x128xf32>, vector<1000x128xf32> -> vector<1000x128xf32>
    %add3A_79 = arith.addf %dot_general3A_71, %dot_general3A_78 : vector<1000x128xf32>
    %get3A_80 = arith.constant 2 : index
    %get3A_81 = arith.constant 0 : index
    %get3A_82 = vector.load %arg5[%get3A_80, %get3A_81] : memref<3x128xf32, #tpu.memory_space<vmem>>, vector<1x128xf32>
    %get3A_83 = vector.shape_cast %get3A_82 : vector<1x128xf32> to vector<128xf32>
    %broadcast_in_dim3A_84 = vector.shape_cast %get3A_83 : vector<128xf32> to vector<1x128xf32>
    %add3A_85 = vector.broadcast %broadcast_in_dim3A_84 : vector<1x128xf32> to vector<1000x128xf32>
    %add3A_86 = arith.addf %add3A_79, %add3A_85 : vector<1000x128xf32>
    %tanh3A = math.tanh %add3A_86 : vector<1000x128xf32>
    %sub3A = arith.constant 1.000000e+00 : f32
    %sub3A_87 = vector.broadcast %sub3A : f32 to vector<1000x128xf32>
    %sub3A_88 = arith.subf %sub3A_87, %logistic3A_36 : vector<1000x128xf32>
    %mul3A_89 = arith.mulf %sub3A_88, %get3A_11 : vector<1000x128xf32>
    %mul3A_90 = arith.mulf %logistic3A_36, %tanh3A : vector<1000x128xf32>
    %add3A_91 = arith.addf %mul3A_89, %mul3A_90 : vector<1000x128xf32>
    %swap3A = arith.constant 0 : index
    %swap3A_92 = arith.constant 0 : index
    %swap3A_93 = vector.load %arg6[%swap3A, %swap3A_92] : memref<1000x128xf32, #tpu.memory_space<vmem>>, vector<1000x128xf32>
    tpu.vector_store %arg6[%swap3A, %swap3A_92], %add3A_91 {strides = array<i32>} : memref<1000x128xf32, #tpu.memory_space<vmem>>, vector<1000x128xf32>,
    return
  }
  func.func @transform_0(%arg0: i32) -> (i32, i32, i32) {
    %c0_i32 = arith.constant 0 : i32
    %c0_i32_0 = arith.constant 0 : i32
    %c0_i32_1 = arith.constant 0 : i32
    return %c0_i32, %arg0, %c0_i32_0 : i32, i32, i32
  }
  func.func @transform_1(%arg0: i32) -> (i32, i32) {
    %c0_i32 = arith.constant 0 : i32
    %c0_i32_0 = arith.constant 0 : i32
    return %arg0, %c0_i32 : i32, i32
  }
  func.func @transform_2(%arg0: i32) -> (i32, i32, i32) {
    %c0_i32 = arith.constant 0 : i32
    %c0_i32_0 = arith.constant 0 : i32
    %c0_i32_1 = arith.constant 0 : i32
    %c0_i32_2 = arith.constant 0 : i32
    return %c0_i32, %c0_i32_0, %c0_i32_1 : i32, i32, i32
  }
  func.func @transform_3(%arg0: i32) -> (i32, i32, i32) {
    %c0_i32 = arith.constant 0 : i32
    %c0_i32_0 = arith.constant 0 : i32
    %c0_i32_1 = arith.constant 0 : i32
    %c0_i32_2 = arith.constant 0 : i32
    return %c0_i32, %c0_i32_0, %c0_i32_1 : i32, i32, i32
  }
  func.func @transform_4(%arg0: i32) -> (i32, i32) {
    %c0_i32 = arith.constant 0 : i32
    %c0_i32_0 = arith.constant 0 : i32
    %c0_i32_1 = arith.constant 0 : i32
    return %c0_i32, %c0_i32_0 : i32, i32
  }
  func.func @transform_5(%arg0: i32) -> (i32, i32) {
    %c0_i32 = arith.constant 0 : i32
    %c0_i32_0 = arith.constant 0 : i32
    return %arg0, %c0_i32 : i32, i32
  }
}

module attributes {stable_mosaic.version = 14 : i64} {
  func.func @_readout_body(%arg0: memref<10000x128xf32, #tpu.memory_space<vmem>>, %arg1: memref<10000x128xf32, #tpu.memory_space<vmem>>, %arg2: memref<1x10000xi32, #tpu.memory_space<vmem>>, %arg3: memref<256x2xf32, #tpu.memory_space<vmem>>, %arg4: memref<1x2xf32, #tpu.memory_space<vmem>>, %arg5: memref<128x2xf32, #tpu.memory_space<vmem>>, %arg6: memref<1x2xf32, #tpu.memory_space<vmem>>, %arg7: memref<32x2xf32, #tpu.memory_space<vmem>>, %arg8: memref<4x64xf32, #tpu.memory_space<vmem>>, %arg9: memref<1x64xf32, #tpu.memory_space<vmem>>, %arg10: memref<64x2xf32, #tpu.memory_space<vmem>>, %arg11: memref<1x2xf32, #tpu.memory_space<vmem>>, %arg12: memref<32x2xf32, #tpu.memory_space<vmem>>) attributes {dimension_semantics = [], scalar_prefetch = 0 : i64, scratch_operands = 0 : i64, tpu.core_type = #tpu.core_type<tc>} {
    %get3A = arith.constant 0 : index
    %get3A_0 = arith.constant 0 : index
    %get3A_1 = vector.load %arg0[%get3A, %get3A_0] : memref<10000x128xf32, #tpu.memory_space<vmem>>, vector<10000x128xf32>
    %get3A_2 = arith.constant 0 : index
    %get3A_3 = arith.constant 0 : index
    %get3A_4 = vector.load %arg1[%get3A_2, %get3A_3] : memref<10000x128xf32, #tpu.memory_space<vmem>>, vector<10000x128xf32>
    %get3A_5 = arith.constant 0 : index
    %get3A_6 = arith.constant 0 : index
    %get3A_7 = vector.load %arg3[%get3A_5, %get3A_6] : memref<256x2xf32, #tpu.memory_space<vmem>>, vector<128x2xf32>
    %dot_general3A = arith.constant dense<0.000000e+00> : vector<10000x2xf32>
    %dot_general3A_8 = tpu.matmul %get3A_1, %get3A_7, %dot_general3A {dimension_numbers = #tpu.dot_dimension_numbers<[1], [0], [0], [1], [0, 0, 1, 1], [], []>, transpose_lhs_hint = false} : vector<10000x128xf32>, vector<128x2xf32>, vector<10000x2xf32> -> vector<10000x2xf32>
    %get3A_9 = arith.constant 128 : index
    %get3A_10 = arith.constant 0 : index
    %get3A_11 = vector.load %arg3[%get3A_9, %get3A_10] : memref<256x2xf32, #tpu.memory_space<vmem>>, vector<128x2xf32>
    %dot_general3A_12 = arith.constant dense<0.000000e+00> : vector<10000x2xf32>
    %dot_general3A_13 = tpu.matmul %get3A_4, %get3A_11, %dot_general3A_12 {dimension_numbers = #tpu.dot_dimension_numbers<[1], [0], [0], [1], [0, 0, 1, 1], [], []>, transpose_lhs_hint = false} : vector<10000x128xf32>, vector<128x2xf32>, vector<10000x2xf32> -> vector<10000x2xf32>
    %add3A = arith.addf %dot_general3A_8, %dot_general3A_13 : vector<10000x2xf32>
    %get3A_14 = arith.constant 0 : index
    %get3A_15 = arith.constant 0 : index
    %get3A_16 = vector.load %arg4[%get3A_14, %get3A_15] : memref<1x2xf32, #tpu.memory_space<vmem>>, vector<1x2xf32>
    %get3A_17 = vector.shape_cast %get3A_16 : vector<1x2xf32> to vector<2xf32>
    %broadcast_in_dim3A = vector.shape_cast %get3A_17 : vector<2xf32> to vector<1x2xf32>
    %add3A_18 = vector.broadcast %broadcast_in_dim3A : vector<1x2xf32> to vector<10000x2xf32>
    %add3A_19 = arith.addf %add3A, %add3A_18 : vector<10000x2xf32>
    %logistic3A = arith.negf %add3A_19 : vector<10000x2xf32>
    %logistic3A_20 = math.exp %logistic3A : vector<10000x2xf32>
    %logistic3A_21 = arith.constant 1.000000e+00 : f32
    %logistic3A_22 = vector.broadcast %logistic3A_21 : f32 to vector<10000x2xf32>
    %logistic3A_23 = arith.addf %logistic3A_22, %logistic3A_20 : vector<10000x2xf32>
    %logistic3A_24 = arith.divf %logistic3A_22, %logistic3A_23 : vector<10000x2xf32>
    %get3A_25 = arith.constant 0 : index
    %get3A_26 = arith.constant 0 : index
    %get3A_27 = vector.load %arg5[%get3A_25, %get3A_26] : memref<128x2xf32, #tpu.memory_space<vmem>>, vector<128x2xf32>
    %dot_general3A_28 = arith.constant dense<0.000000e+00> : vector<10000x2xf32>
    %dot_general3A_29 = tpu.matmul %get3A_1, %get3A_27, %dot_general3A_28 {dimension_numbers = #tpu.dot_dimension_numbers<[1], [0], [0], [1], [0, 0, 1, 1], [], []>, transpose_lhs_hint = false} : vector<10000x128xf32>, vector<128x2xf32>, vector<10000x2xf32> -> vector<10000x2xf32>
    %get3A_30 = arith.constant 0 : index
    %get3A_31 = arith.constant 0 : index
    %get3A_32 = vector.load %arg6[%get3A_30, %get3A_31] : memref<1x2xf32, #tpu.memory_space<vmem>>, vector<1x2xf32>
    %get3A_33 = vector.shape_cast %get3A_32 : vector<1x2xf32> to vector<2xf32>
    %broadcast_in_dim3A_34 = vector.shape_cast %get3A_33 : vector<2xf32> to vector<1x2xf32>
    %add3A_35 = vector.broadcast %broadcast_in_dim3A_34 : vector<1x2xf32> to vector<10000x2xf32>
    %add3A_36 = arith.addf %dot_general3A_29, %add3A_35 : vector<10000x2xf32>
    %mul3A = arith.mulf %logistic3A_24, %add3A_36 : vector<10000x2xf32>
    %iota3A = tpu.iota {dimensions = array<i32: 0>} : vector<32x10000xi32>
    %get3A_37 = arith.constant 0 : index
    %get3A_38 = arith.constant 0 : index
    %get3A_39 = vector.load %arg2[%get3A_37, %get3A_38] : memref<1x10000xi32, #tpu.memory_space<vmem>>, vector<1x10000xi32>
    %eq3A = vector.broadcast %get3A_39 : vector<1x10000xi32> to vector<32x10000xi32>
    %eq3A_40 = arith.cmpi eq, %iota3A, %eq3A : vector<32x10000xi32>
    %convert_element_type3A = arith.extui %eq3A_40 : vector<32x10000xi1> to vector<32x10000xi32>
    %convert_element_type3A_41 = arith.sitofp %convert_element_type3A : vector<32x10000xi32> to vector<32x10000xf32>
    %dot_general3A_42 = arith.constant dense<0.000000e+00> : vector<32x2xf32>
    %dot_general3A_43 = tpu.matmul %convert_element_type3A_41, %mul3A, %dot_general3A_42 {dimension_numbers = #tpu.dot_dimension_numbers<[1], [0], [0], [1], [0, 0, 1, 1], [], []>, transpose_lhs_hint = false} : vector<32x10000xf32>, vector<10000x2xf32>, vector<32x2xf32> -> vector<32x2xf32>
    %get3A_44 = arith.constant 0 : index
    %get3A_45 = arith.constant 0 : index
    %get3A_46 = vector.load %arg7[%get3A_44, %get3A_45] : memref<32x2xf32, #tpu.memory_space<vmem>>, vector<32x2xf32>
    %slice3A = vector.extract_strided_slice %dot_general3A_43 {offsets = [0, 0], sizes = [32, 1], strides = [1, 1]} : vector<32x2xf32> to vector<32x1xf32>
    %get3A_47 = arith.constant 0 : index
    %get3A_48 = arith.constant 0 : index
    %get3A_49 = vector.load %arg8[%get3A_47, %get3A_48] : memref<4x64xf32, #tpu.memory_space<vmem>>, vector<1x64xf32>
    %mul3A_50 = vector.broadcast %slice3A : vector<32x1xf32> to vector<32x64xf32>
    %mul3A_51 = vector.broadcast %get3A_49 : vector<1x64xf32> to vector<32x64xf32>
    %mul3A_52 = arith.mulf %mul3A_50, %mul3A_51 : vector<32x64xf32>
    %slice3A_53 = vector.extract_strided_slice %dot_general3A_43 {offsets = [0, 1], sizes = [32, 1], strides = [1, 1]} : vector<32x2xf32> to vector<32x1xf32>
    %get3A_54 = arith.constant 1 : index
    %get3A_55 = arith.constant 0 : index
    %get3A_56 = vector.load %arg8[%get3A_54, %get3A_55] : memref<4x64xf32, #tpu.memory_space<vmem>>, vector<1x64xf32>
    %mul3A_57 = vector.broadcast %slice3A_53 : vector<32x1xf32> to vector<32x64xf32>
    %mul3A_58 = vector.broadcast %get3A_56 : vector<1x64xf32> to vector<32x64xf32>
    %mul3A_59 = arith.mulf %mul3A_57, %mul3A_58 : vector<32x64xf32>
    %add3A_60 = arith.addf %mul3A_52, %mul3A_59 : vector<32x64xf32>
    %slice3A_61 = vector.extract_strided_slice %get3A_46 {offsets = [0, 0], sizes = [32, 1], strides = [1, 1]} : vector<32x2xf32> to vector<32x1xf32>
    %get3A_62 = arith.constant 2 : index
    %get3A_63 = arith.constant 0 : index
    %get3A_64 = vector.load %arg8[%get3A_62, %get3A_63] : memref<4x64xf32, #tpu.memory_space<vmem>>, vector<1x64xf32>
    %mul3A_65 = vector.broadcast %slice3A_61 : vector<32x1xf32> to vector<32x64xf32>
    %mul3A_66 = vector.broadcast %get3A_64 : vector<1x64xf32> to vector<32x64xf32>
    %mul3A_67 = arith.mulf %mul3A_65, %mul3A_66 : vector<32x64xf32>
    %add3A_68 = arith.addf %add3A_60, %mul3A_67 : vector<32x64xf32>
    %slice3A_69 = vector.extract_strided_slice %get3A_46 {offsets = [0, 1], sizes = [32, 1], strides = [1, 1]} : vector<32x2xf32> to vector<32x1xf32>
    %get3A_70 = arith.constant 3 : index
    %get3A_71 = arith.constant 0 : index
    %get3A_72 = vector.load %arg8[%get3A_70, %get3A_71] : memref<4x64xf32, #tpu.memory_space<vmem>>, vector<1x64xf32>
    %mul3A_73 = vector.broadcast %slice3A_69 : vector<32x1xf32> to vector<32x64xf32>
    %mul3A_74 = vector.broadcast %get3A_72 : vector<1x64xf32> to vector<32x64xf32>
    %mul3A_75 = arith.mulf %mul3A_73, %mul3A_74 : vector<32x64xf32>
    %add3A_76 = arith.addf %add3A_68, %mul3A_75 : vector<32x64xf32>
    %get3A_77 = arith.constant 0 : index
    %get3A_78 = arith.constant 0 : index
    %get3A_79 = vector.load %arg9[%get3A_77, %get3A_78] : memref<1x64xf32, #tpu.memory_space<vmem>>, vector<1x64xf32>
    %add3A_80 = vector.broadcast %get3A_79 : vector<1x64xf32> to vector<32x64xf32>
    %add3A_81 = arith.addf %add3A_76, %add3A_80 : vector<32x64xf32>
    %max3A = arith.constant 0.000000e+00 : f32
    %max3A_82 = vector.broadcast %max3A : f32 to vector<32x64xf32>
    %max3A_83 = arith.maximumf %add3A_81, %max3A_82 : vector<32x64xf32>
    %get3A_84 = arith.constant 0 : index
    %get3A_85 = arith.constant 0 : index
    %get3A_86 = vector.load %arg10[%get3A_84, %get3A_85] : memref<64x2xf32, #tpu.memory_space<vmem>>, vector<64x2xf32>
    %dot_general3A_87 = arith.constant dense<0.000000e+00> : vector<32x2xf32>
    %dot_general3A_88 = tpu.matmul %max3A_83, %get3A_86, %dot_general3A_87 {dimension_numbers = #tpu.dot_dimension_numbers<[1], [0], [0], [1], [0, 0, 1, 1], [], []>, transpose_lhs_hint = false} : vector<32x64xf32>, vector<64x2xf32>, vector<32x2xf32> -> vector<32x2xf32>
    %get3A_89 = arith.constant 0 : index
    %get3A_90 = arith.constant 0 : index
    %get3A_91 = vector.load %arg11[%get3A_89, %get3A_90] : memref<1x2xf32, #tpu.memory_space<vmem>>, vector<1x2xf32>
    %add3A_92 = vector.broadcast %get3A_91 : vector<1x2xf32> to vector<32x2xf32>
    %add3A_93 = arith.addf %dot_general3A_88, %add3A_92 : vector<32x2xf32>
    %swap3A = arith.constant 0 : index
    %swap3A_94 = arith.constant 0 : index
    %swap3A_95 = vector.load %arg12[%swap3A, %swap3A_94] : memref<32x2xf32, #tpu.memory_space<vmem>>, vector<32x2xf32>
    tpu.vector_store %arg12[%swap3A, %swap3A_94], %add3A_93 {strides = array<i32>} : memref<32x2xf32, #tpu.memory_space<vmem>>, vector<32x2xf32>,
    return
  }
}

</mosaic_0001>

<sc_bundles>
// kernel: kernel.22.cloned.1.call-start
scs
__scs_entry_jumppad:
0x0: {  	(pc) =	sbr.rel $0x88, $3  }
0x1: {  	(tag) =	ssettag $0x0;
	lr =	simm.s32 $0x1  }
0x2: {  	[smem:$0x3F87] =	sst lr;
	_ =	strace $0xD0000000  }
0x3: {  	_ = 	snop  }
0x4: {  	_ = 	snop  }
0x5: {  	_ = 	snop  }
0x6: {  	_ = 	snop  }
0x7: {  	_ = 	snop  }
__scs_overlays_trampoline_lowered:
0x8: {  	[smem:$0x3F96] =	sst s0  }
0x9: {  	[smem:$0x3F97] =	sst s1  }
0xa: {  	[smem:$0x3F98] =	sst s2  }
0xb: {  	[smem:$0x3F99] =	sst s3  }
0xc: {  	[smem:$0x3F9A] =	sst s4  }
0xd: {  	[smem:$0x3F9B] =	sst s5  }
0xe: {  	[smem:$0x3F9C] =	sst s6  }
0xf: {  	[smem:$0x3F9D] =	sst s7  }
0x10: {  	[smem:$0x3F9E] =	sst s8  }
0x11: {  	[smem:$0x3F9F] =	sst s9;
	s0 =	simm.s32 @!p0 $0x0  }
0x12: {  	s1 =	sld [smem:$0x3F85];
	s0 =	simm.s32 @p0 $0x1  }
0x13: {  	[smem:$0x3FA0] =	sst s0;
	s0 =	simm.s32 @!p1 $0x0  }
0x14: {  	s2 =	sld [smem:$0x3F84];
	s0 =	simm.s32 @p1 $0x1  }
0x15: {  	[smem:$0x3FA1] =	sst s0;
	s0 =	simm.s32 @!p2 $0x0  }
0x16: {  	s3 =	sld [smem:$0x3FDB];
	s0 =	simm.s32 @p2 $0x1  }
0x17: {  	s4 =	simm.s32 $0x1BF5;
	[smem:$0x3FA3] =	sst s0  }
0x18: {  	s0 =	sld [smem:$0x3F86];
	_ =	swait.ge [sflag:s4], $0x0  }
0x19: {  	s7 =	sld [smem:$0x3F87]  }
0x1a: {  	s8 =	sadd.s32 $0xFFFFE003, lr  }
0x1b: {  	s9 =	sadd.s32 $0xFFFFFEF7, lr;
	s5 =	simm.s32 $0xFFFFFFFF;
	p2 =	slt.u32 s8, $0xFFFFF086  }
0x1c: {  	p1 =	slt.u32 s9, $0xF7A;
	s5 =	simm.s32 @!p2 $0x0  }
0x1d: {  	s5 =	simm.s32 @p1 $0x1;
	p0 =	seq.s32 s7, s2  }
0x1e: {  	s7 =	smul.u32 @!p0 $0xF7A, s2;
	p2 =	seq.s32 @!p0 s5, $0x0  }
0x1f: {  	s9 =	smul.u32 $0xF7A, s1;
	s8 =	simm.s32 @!p0 $0x1BF5;
	p2 =	por !p2, p0  }
0x20: {  	[sflag:s8] =	ssyncset.s32 @!p0 $0xFFFFF086;
	s6 =	sadd.s32 @!p0 s3, s7;
	s7 =	simm.s32 @!p0 $0x108  }
0x21: {  	s3 =	sadd.s32 s3, s9;
	s6 =	sadd.s32 @!p0 $0x88, s6;
	s7 =	simm.s32 @p2 $0x1082  }
0x22: {  	[simem:s7], [sflag:s8] =	dma.local @!p0 [hbm:s6], $0xF7A  }
0x23: {  	s9 =	sor.u32 $0xD0000000, s2;
	s6 =	simm.s32 $0x108;
	_ =	swait.ge @!p0 [sflag:s8], $0x0  }
0x24: {  	s3 =	sadd.s32 $0x88, s3;
	s6 =	simm.s32 @!p1 $0x1082;
	[sflag:s4] =	ssyncset.s32 $0xFFFFF086  }
0x25: {  	[simem:s6], [sflag:s4] =	dma.local [hbm:s3], $0xF7A  }
0x26: {  	[smem:$0x3F87] =	sst s1;
	(tag) =	ssettag s2;
	_ =	strace s9  }
0x27: {  	s1 =	sld [smem:$0x3F97]  }
0x28: {  	s2 =	sld [smem:$0x3F98]  }
0x29: {  	s4 =	sld [smem:$0x3F9A]  }
0x2a: {  	p0 =	seq.s32 s5, $0x0;
	s5 =	sld [smem:$0x3F9B]  }
0x2b: {  	s6 =	sld [smem:$0x3F9C]  }
0x2c: {  	s7 =	sld [smem:$0x3F9D]  }
0x2d: {  	s3 =	simm.s32 $0x108;
	s8 =	sld [smem:$0x3F9E]  }
0x2e: {  	s3 =	simm.s32 @!p0 $0x1082;
	s9 =	sld [smem:$0x3F9F]  }
0x2f: {  	lr =	sadd.s32 s0, s3;
	s0 =	sld [smem:$0x3F96]  }
0x30: {  	s3 =	sld [smem:$0x3F99]  }
0x31: {  	[smem:$0x3FA2] =	sst s10  }
0x32: {  	s10 =	sld [smem:$0x3FA0];
	_ =	sdelay $0x3  }
0x33: {  	p0 =	seq.s32 s10, $0x1;
	s10 =	sld [smem:$0x3FA2];
	_ =	sdelay $0x3  }
0x34: {  	[smem:$0x3FA2] =	sst s10  }
0x35: {  	s10 =	sld [smem:$0x3FA1];
	_ =	sdelay $0x3  }
0x36: {  	p1 =	seq.s32 s10, $0x1;
	s10 =	sld [smem:$0x3FA2];
	_ =	sdelay $0x3  }
0x37: {  	[smem:$0x3FA2] =	sst s10  }
0x38: {  	s10 =	sld [smem:$0x3FA3]  }
0x39: {  	_ = 	snop;
	(pc) =	sbr.ind lr, $3  }
0x3a: {  	_ = 	snop  }
0x3b: {  	_ = 	snop  }
0x3c: {  	p2 =	seq.s32 s10, $0x1;
	s10 =	sld [smem:$0x3FA2]  }
0x3d: {  	_ =	shalt  }
0x3e: {  	_ =	shalt  }
0x3f: {  	_ =	shalt  }
0x40: {  	_ =	shalt  }
0x41: {  	_ =	shalt  }
0x42: {  	_ =	shalt  }
0x43: {  	_ =	shalt  }
0x44: {  	_ =	shalt  }
0x45: {  	_ =	shalt  }
0x46: {  	_ =	shalt  }
0x47: {  	_ =	shalt  }
0x48: {  	_ =	shalt  }
0x49: {  	_ =	shalt  }
0x4a: {  	_ =	shalt  }
0x4b: {  	_ =	shalt  }
0x4c: {  	_ =	shalt  }
0x4d: {  	_ =	shalt  }
0x4e: {  	_ =	shalt  }
0x4f: {  	_ =	shalt  }
0x50: {  	_ =	shalt  }
0x51: {  	_ =	shalt  }
0x52: {  	_ =	shalt  }
0x53: {  	_ =	shalt  }
0x54: {  	_ =	shalt  }
0x55: {  	_ =	shalt  }
0x56: {  	_ =	shalt  }
0x57: {  	_ =	shalt  }
0x58: {  	_ =	shalt  }
0x59: {  	_ =	shalt  }
0x5a: {  	_ =	shalt  }
0x5b: {  	_ =	shalt  }
0x5c: {  	_ =	shalt  }
0x5d: {  	_ =	shalt  }
0x5e: {  	_ =	shalt  }
0x5f: {  	_ =	shalt  }
0x60: {  	_ =	shalt  }
0x61: {  	_ =	shalt  }
0x62: {  	_ =	shalt  }
0x63: {  	_ =	shalt  }
0x64: {  	_ =	shalt  }
0x65: {  	_ =	shalt  }
0x66: {  	_ =	shalt  }
0x67: {  	_ =	shalt  }
0x68: {  	_ =	shalt  }
0x69: {  	_ =	shalt  }
0x6a: {  	_ =	shalt  }
0x6b: {  	_ =	shalt  }
0x6c: {  	_ =	shalt  }
0x6d: {  	_ =	shalt  }
0x6e: {  	_ =	shalt  }
0x6f: {  	_ =	shalt  }
0x70: {  	_ =	shalt  }
0x71: {  	_ =	shalt  }
0x72: {  	_ =	shalt  }
0x73: {  	_ =	shalt  }
0x74: {  	_ =	shalt  }
0x75: {  	_ =	shalt  }
0x76: {  	_ =	shalt  }
0x77: {  	_ =	shalt  }
0x78: {  	_ =	shalt  }
0x79: {  	_ =	shalt  }
0x7a: {  	_ =	shalt  }
0x7b: {  	_ =	shalt  }
0x7c: {  	_ =	shalt  }
0x7d: {  	_ =	shalt  }
0x7e: {  	_ =	shalt  }
0x7f: {  	_ =	shalt  }
0x80: {  	_ =	shalt  }
0x81: {  	_ =	shalt  }
0x82: {  	_ =	shalt  }
0x83: {  	_ =	shalt  }
0x84: {  	_ =	shalt  }
0x85: {  	_ =	shalt  }
0x86: {  	_ =	shalt  }
0x87: {  	_ =	shalt  }
.Lfunc_end0:
.L_simem_size_0:
called_computation_lowered:
.L_overlay_start_0:
0x88: {  	s2 =	sld [smem:$0x3FD9]  }
0x89: {  	s3 =	sld [smem:$0x3FFE];
	_ =	sdelay $0x1  }
0x8a: {  	s1 =	srdreg.scid  }
0x8b: {  	s0 =	sand.u32 $0x1, s1  }
0x8c: {  	s17 =	sshll.u32 s0, $0xA;
	s2 =	sadd.s32 s3, s2  }
0x8d: {  	s2 =	sadd.s32 s2, s17  }
0x8e: {  	[smem:$0x3FAE] =	sst s2  }
0x8f: {  	_ = 	snop  }
0x90: {  	s2 =	sld [smem:$0x3FC2];
	(tm) =	ssettm $0x1  }
0x91: {  	s18 =	sld [smem:$0x3FFB];
	_ =	sdelay $0x3  }
0x92: {  	_ =	strace s18  }
0x93: {  	s3 =	sld [smem:$0x3FFC];
	_ =	sdelay $0x3  }
0x94: {  	_ =	strace s3  }
0x95: {  	s3 =	sld [smem:$0x3FFD];
	_ =	sdelay $0x3  }
0x96: {  	_ =	strace s3  }
0x97: {  	_ =	strace $0x8FFFFFFF  }
0x98: {  	s19 =	sld [smem:$0x3FDB];
	_ =	sdelay $0x1  }
0x99: {  	s4 =	simm.s32 $_scs_section_size  }
0x9a: {  	s5 =	simm.s32 $_size__tile_overlayer_lowered;
	s6 =	simm.s32 $_tile_overlayer_lowered  }
0x9b: {  	s22 =	simm.s32 $0x1BFF;
	s21 =	sshll.u32 s6, $0x1;
	s3 =	sadd.s32 s4, s19  }
0x9c: {  	s7 =	simm.s32 $0x0;
	s20 =	sshll.u32 s5, $0x1;
	s5 =	sadd.s32 s21, s3  }
0x9d: {  	[timem:s7], [sflag:s22] =	dma.local [hbm:s5], s20  }
0x9e: {  	_ =	swait.ge [sflag:s22], s20  }
0x9f: {  	s4 =	ssub.s32 $0x0, s20;
	[sflag:s22] =	ssyncset.done $0x0  }
0xa0: {  	[sflag:s22] =	ssyncadd.s32 s4;
	_ =	sdelay $0x1  }
0xa1: {  	s23 =	simm.s32 $0x1B8B  }
0xa2: {  	_ =	swait.ge [sflag:s23], $0x1  }
0xa3: {  	[sflag:s23] =	ssyncset.done $0x0  }
0xa4: {  	s25 =	simm.s32 $0x1B8E;
	s24 =	sld [smem:$0x3FFE];
	[sflag:s23] =	ssyncadd.s32 $0xFFFFFFFF  }
0xa5: {  	s26 =	simm.s32 $execute0_lowered;
	[smem:$0x3FD2] =	sst s25  }
0xa6: {  	s5 =	sshll.u32 s26, $0x1;
	_ =	strace $0x80000046;
	[dreg:$0x1] =	wrdreg $0xFFFFFFFF  }
0xa7: {  	s28 =	simm.s32 $_size_execute0_lowered;
	s3 =	sadd.s32 s3, s5;
	[dreg:$0x0] =	wrdreg $0x0  }
0xa8: {  	s5 =	sshll.u32 s28, $0x1;
	[dreg:$0x2] =	wrdreg s3  }
0xa9: {  	[dreg:$0x3] =	wrdreg s5  }
0xaa: {  	[dreg:$0x4] =	wrdreg $0xC0  }
0xab: {  	_ =	task [dreg:s7], $0x5FFFF  }
0xac: {  	[dreg:$0x1] =	wrdreg $0xFFFFFFFF  }
0xad: {  	[dreg:$0x0] =	wrdreg $0x60  }
0xae: {  	[dreg:$0x2] =	wrdreg s2  }
0xaf: {  	[dreg:$0x3] =	wrdreg s24  }
0xb0: {  	[dreg:$0x4] =	wrdreg $0x9  }
0xb1: {  	_ =	task.clear_ibuf [dreg:s7], $0x5FFFF;
	_ =	strace $0x90000046  }
0xb2: {  	s29 =	simm.s32 $0x9;
	_ =	strace $0x80000048  }
0xb3: {  	_ =	swait.ge [sflag:s29], $0x1  }
0xb4: {  	[sflag:s29] =	ssyncadd.s32 $0xFFFFFFFF  }
0xb5: {  	_ =	strace $0x90000048  }
0xb6: {  	_ =	sfence  }
0xb7: {  	s30 =	sld [smem:$0x0];
	_ =	sdelay $0x2  }
0xb8: {  	s31 =	sshll.u32 s1, $0xD;
	s1 =	sshrl.u32 s1, $0x2  }
0xb9: {  	s3 =	sand.u32 $0x4000, s31;
	s1 =	sadd.s32 s1, s30  }
0xba: {  	s0 =	sor.u32 s3, s0;
	s1 =	sshll.u32 s1, $0x11  }
0xbb: {  	s0 =	sor.u32 s1, s0  }
0xbc: {  	s0 =	sadd.s32 $0x8F2B, s0  }
0xbd: {  	[sflag:s0] =	ssyncadd.remote.s32 $0x1  }
0xbe: {  	_ =	sfence.sel $0xFFFF  }
0xbf: {  	[dreg:$0x0] =	wrdreg $0xFFFFFFFF;
	(pc) =	sbr.abs _section_cstart, $3  }
0xc0: {  	[dreg:$0x1] =	wrdreg $0xFFFFFFFF  }
0xc1: {  	_ =	task.clear_ibuf [dreg:s7], $0x2FFFF;
	_ =	strace $0x9FFFFFFF  }
0xc2: {  	(tm) =	ssettm $0x7FFFFFFF  }
0xc3: {  	_ =	shalt  }
tec
execute0_lowered:
.L_overlay_start_1:
0x0: {  	(tag) =	ssettag $0x1  }
0x1: {  	s1 =	srdreg.scid;
	s0 =	stileid.u32  }
0x2: {  	s2 =	rddreg [dreg:$0x0];
	s12 =	sand.u32 $0x1, s1;
	s25 =	sshll.u32 s0, $0x1  }
0x3: {  	s8 =	rddreg [dreg:$0x1];
	s9 =	sor.u32 s12, s25  }
0x4: {  	s3 =	simm.s32 $0x0;
	s1 =	rddreg [dreg:$0x2];
	s4 =	smul.u32 $0x30, s9  }
0x5: {  	[smem:$0x7FF] =	sst s3;
	s11 =	sadd.s32 $0x4A00, s8  }
0x6: {  	_ =	strace $0x80000047;
	s5 =	sadd.s32 s11, s4;
	s4 =	simm.s32 $0x2  }
0x7: {  	[tilespmem:s3], [sflag:$0x2] =	stream.linear.gather [hbm4b:s5+s3], $0x80, $0x38;
	[tilespmem:$0x4080] =	vst v63  }
0x8: {  	_ =	swait.ge [sflag:s4], $0x80  }
0x9: {  	[sflag:s4] =	ssyncset.done $0x0  }
0xa: {  	s6 =	simm.s32 $0x80;
	s7 =	simm.s32 $0x1;
	[sflag:s4] =	ssyncadd.s32 $0xFFFFFF80  }
0xb: {  	[tilespmem:s6], [sflag:$0x1] =	stream.indirect.gather [hbm4b:s2+s6], $0x80, s3, s6, $0xb8;
	[tilespmem:$0x4080] =	vst v63  }
0xc: {  	s10 =	smul.u32 $0x1800, s9;
	_ =	swait.ge [sflag:s7], $0x4000  }
0xd: {  	s13 =	sadd.s32 $0x5000, s8;
	[sflag:s7] =	ssyncset.done $0x0  }
0xe: {  	s14 =	smul.u32 $0x180, s9;
	s8 =	sadd.s32 s13, s10;
	[sflag:s7] =	ssyncadd.s32 $0xFFFFC000  }
0xf: {  	[hbm4b:s8+s3] =	stream.linear.scatter [tilespmem:s6], [sflag:$0x2], $0x4000, $0x38;
	[tilespmem:$0x4080] =	vst v63  }
0x10: {  	s26 =	sadd.s32 $0x80, s14;
	_ =	swait.ge [sflag:s4], $0x4000  }
0x11: {  	s28 =	sshrl.u32 s26, $0x3;
	[sflag:s4] =	ssyncset.done $0x0  }
0x12: {  	s9 =	sadd.s32 s11, s28;
	[sflag:s4] =	ssyncadd.s32 $0xFFFFC000  }
0x13: {  	[tilespmem:s3], [sflag:$0x2] =	stream.linear.gather [hbm4b:s9+s3], $0x80, $0x38;
	[tilespmem:$0x4080] =	vst v63  }
0x14: {  	_ =	swait.ge [sflag:s4], $0x80  }
0x15: {  	[sflag:s4] =	ssyncset.done $0x0  }
0x16: {  	[sflag:s4] =	ssyncadd.s32 $0xFFFFFF80  }
0x17: {  	[tilespmem:s6], [sflag:$0x1] =	stream.indirect.gather [hbm4b:s2+s6], $0x80, s3, s6, $0xb8;
	[tilespmem:$0x4080] =	vst v63  }
0x18: {  	_ =	swait.ge [sflag:s7], $0x4000  }
0x19: {  	s10 =	sshll.u32 s26, $0x4;
	[sflag:s7] =	ssyncset.done $0x0  }
0x1a: {  	s10 =	sadd.s32 s13, s10;
	[sflag:s7] =	ssyncadd.s32 $0xFFFFC000  }
0x1b: {  	[hbm4b:s10+s3] =	stream.linear.scatter [tilespmem:s6], [sflag:$0x2], $0x4000, $0x38;
	[tilespmem:$0x4080] =	vst v63  }
0x1c: {  	s14 =	sadd.s32 $0x100, s14;
	_ =	swait.ge [sflag:s4], $0x4000  }
0x1d: {  	s15 =	sshrl.u32 s14, $0x3;
	[sflag:s4] =	ssyncset.done $0x0  }
0x1e: {  	s12 =	ssub.s32 $0x2, s12;
	s11 =	sadd.s32 s11, s15;
	[sflag:s4] =	ssyncadd.s32 $0xFFFFC000  }
0x1f: {  	[tilespmem:s3], [sflag:$0x2] =	stream.linear.gather [hbm4b:s11+s3], $0x80, $0x38;
	[tilespmem:$0x4080] =	vst v63  }
0x20: {  	s29 =	sshrl.u32 s12, $0x1;
	_ =	swait.ge [sflag:s4], $0x80  }
0x21: {  	s15 =	ssub.s32 s12, s29;
	[sflag:s4] =	ssyncset.done $0x0  }
0x22: {  	s31 =	smax.u32 s15, $0x1;
	[sflag:s4] =	ssyncadd.s32 $0xFFFFFF80  }
0x23: {  	[tilespmem:s6], [sflag:$0x1] =	stream.indirect.gather [hbm4b:s2+s6], $0x80, s3, s6, $0xb8;
	[tilespmem:$0x4080] =	vst v63  }
0x24: {  	p0 =	sne.s32 s31, $0x1;
	_ =	swait.ge [sflag:s7], $0x4000  }
.Ltmp0:
0x25: {  	s30 =	sshll.u32 s14, $0x4;
	[sflag:s7] =	ssyncset.done $0x0;
	(pc) =	sbr.rel @!p0 .LBB2_2-.Ltmp0, $4  }
0x26: {  	s12 =	sadd.s32 s13, s30;
	[sflag:s7] =	ssyncadd.s32 $0xFFFFC000  }
0x27: {  	[hbm4b:s12+s3] =	stream.linear.scatter [tilespmem:s6], [sflag:$0x2], $0x4000, $0x38;
	[tilespmem:$0x4080] =	vst v63  }
0x28: {  	_ =	swait.ge [sflag:s4], $0x4000  }
0x29: {  	s13 =	sadd.s32 $0xFFFFFFFF, s31;
	[sflag:s4] =	ssyncset.done $0x0  }
.LBB2_1:
0x2a: {  	p0 =	sne.s32 s13, $0x1;
	s13 =	sadd.s32 $0xFFFFFFFF, s13;
	[sflag:s4] =	ssyncadd.s32 $0xFFFFC000  }
0x2b: {  	[tilespmem:s3], [sflag:$0x2] =	stream.linear.gather [hbm4b:s5+s3], $0x80, $0x38;
	[tilespmem:$0x4080] =	vst v63  }
0x2c: {  	_ =	swait.ge [sflag:s4], $0x80  }
0x2d: {  	[sflag:s4] =	ssyncset.done $0x0  }
0x2e: {  	[sflag:s4] =	ssyncadd.s32 $0xFFFFFF80  }
0x2f: {  	[tilespmem:s6], [sflag:$0x1] =	stream.indirect.gather [hbm4b:s2+s6], $0x80, s3, s6, $0xb8;
	[tilespmem:$0x4080] =	vst v63  }
0x30: {  	_ =	swait.ge [sflag:s7], $0x4000  }
0x31: {  	[sflag:s7] =	ssyncset.done $0x0  }
0x32: {  	[sflag:s7] =	ssyncadd.s32 $0xFFFFC000  }
0x33: {  	[hbm4b:s8+s3] =	stream.linear.scatter [tilespmem:s6], [sflag:$0x2], $0x4000, $0x38;
	[tilespmem:$0x4080] =	vst v63  }
0x34: {  	_ =	swait.ge [sflag:s4], $0x4000  }
0x35: {  	[sflag:s4] =	ssyncset.done $0x0  }
0x36: {  	[sflag:s4] =	ssyncadd.s32 $0xFFFFC000  }
0x37: {  	[tilespmem:s3], [sflag:$0x2] =	stream.linear.gather [hbm4b:s9+s3], $0x80, $0x38;
	[tilespmem:$0x4080] =	vst v63  }
0x38: {  	_ =	swait.ge [sflag:s4], $0x80  }
0x39: {  	[sflag:s4] =	ssyncset.done $0x0  }
0x3a: {  	[sflag:s4] =	ssyncadd.s32 $0xFFFFFF80  }
0x3b: {  	[tilespmem:s6], [sflag:$0x1] =	stream.indirect.gather [hbm4b:s2+s6], $0x80, s3, s6, $0xb8;
	[tilespmem:$0x4080] =	vst v63  }
0x3c: {  	_ =	swait.ge [sflag:s7], $0x4000  }
0x3d: {  	[sflag:s7] =	ssyncset.done $0x0  }
0x3e: {  	[sflag:s7] =	ssyncadd.s32 $0xFFFFC000  }
0x3f: {  	[hbm4b:s10+s3] =	stream.linear.scatter [tilespmem:s6], [sflag:$0x2], $0x4000, $0x38;
	[tilespmem:$0x4080] =	vst v63  }
0x40: {  	_ =	swait.ge [sflag:s4], $0x4000  }
0x41: {  	[sflag:s4] =	ssyncset.done $0x0  }
0x42: {  	[sflag:s4] =	ssyncadd.s32 $0xFFFFC000  }
0x43: {  	[tilespmem:s3], [sflag:$0x2] =	stream.linear.gather [hbm4b:s11+s3], $0x80, $0x38;
	[tilespmem:$0x4080] =	vst v63  }
0x44: {  	_ =	swait.ge [sflag:s4], $0x80  }
0x45: {  	[sflag:s4] =	ssyncset.done $0x0  }
0x46: {  	[sflag:s4] =	ssyncadd.s32 $0xFFFFFF80  }
0x47: {  	[tilespmem:s6], [sflag:$0x1] =	stream.indirect.gather [hbm4b:s2+s6], $0x80, s3, s6, $0xb8;
	[tilespmem:$0x4080] =	vst v63  }
0x48: {  	_ =	swait.ge [sflag:s7], $0x4000  }
.Ltmp1:
0x49: {  	[sflag:s7] =	ssyncset.done $0x0;
	(pc) =	sbr.rel @p0 .LBB2_1-.Ltmp1, $4  }
0x4a: {  	[sflag:s7] =	ssyncadd.s32 $0xFFFFC000  }
0x4b: {  	[hbm4b:s12+s3] =	stream.linear.scatter [tilespmem:s6], [sflag:$0x2], $0x4000, $0x38;
	[tilespmem:$0x4080] =	vst v63  }
0x4c: {  	_ =	swait.ge [sflag:s4], $0x4000  }
0x4d: {  	[sflag:s4] =	ssyncset.done $0x0  }
.LBB2_2:
0x4e: {  	[sflag:s4] =	ssyncadd.s32 $0xFFFFC000  }
0x4f: {  	_ =	sfence.sel $0x180000  }
0x50: {  	[bflag:$0x0] =	sbarrier.arrive $0xFFFF  }
0x51: {  	p0 =	sne.s32 s0, $0x0;
	_ =	strace $0x90000047  }
0x52: {  	s0 =	sadd.s32 @!p0 $0x100000, s1;
	[bflag:$0x2] =	sbarrier.arrive $0xFFFF  }
0x53: {  	[sflag:s0] =	ssyncadd.tile.s32 @!p0 $0x1;
	_ =	shalt  }
.Lfunc_end2:
_tile_overlayer_lowered:
.L_overlay_start_2:
0x54: {  	(tag) =	ssettag $0x2  }
0x55: {  	s0 =	rddreg [dreg:$0x0];
	s2 =	stileid.u32  }
0x56: {  	s1 =	rddreg [dreg:$0x1];
	p0 =	sne.s32 s2, $0x0  }
0x57: {  	s3 =	rddreg [dreg:$0x2];
	[bflag:$0x3] =	sbarrier.arrive $0xFFFF;
	s2 =	simm.s32 @!p0 $0x1C02  }
0x58: {  	[timem:s3], [sflag:s2] =	dma.local @!p0 [hbm:s0], s1  }
0x59: {  	s0 =	simm.s32 @!p0 $0x2  }
0x5a: {  	_ =	swait.ge @!p0 [sflag:s0], s1  }
0x5b: {  	s1 =	ssub.s32 @!p0 $0x0, s1;
	[sflag:s0] =	ssyncset.done @!p0 $0x0  }
0x5c: {  	[sflag:s0] =	ssyncadd.s32 @!p0 s1  }
0x5d: {  	[bflag:$0x3] =	sbarrier.arrive $0xFFFF  }
0x5e: {  	_ =	shalt  }

// kernel: kernel.25.cloned.1.call-start
scs
__scs_entry_jumppad:
0x0: {  	(pc) =	sbr.rel $0x88, $3  }
0x1: {  	(tag) =	ssettag $0x0;
	lr =	simm.s32 $0x1  }
0x2: {  	[smem:$0x3F87] =	sst lr;
	_ =	strace $0xD0000000  }
0x3: {  	_ = 	snop  }
0x4: {  	_ = 	snop  }
0x5: {  	_ = 	snop  }
0x6: {  	_ = 	snop  }
0x7: {  	_ = 	snop  }
__scs_overlays_trampoline_lowered:
0x8: {  	[smem:$0x3F96] =	sst s0  }
0x9: {  	[smem:$0x3F97] =	sst s1  }
0xa: {  	[smem:$0x3F98] =	sst s2  }
0xb: {  	[smem:$0x3F99] =	sst s3  }
0xc: {  	[smem:$0x3F9A] =	sst s4  }
0xd: {  	[smem:$0x3F9B] =	sst s5  }
0xe: {  	[smem:$0x3F9C] =	sst s6  }
0xf: {  	[smem:$0x3F9D] =	sst s7  }
0x10: {  	[smem:$0x3F9E] =	sst s8  }
0x11: {  	[smem:$0x3F9F] =	sst s9;
	s0 =	simm.s32 @!p0 $0x0  }
0x12: {  	s1 =	sld [smem:$0x3F85];
	s0 =	simm.s32 @p0 $0x1  }
0x13: {  	[smem:$0x3FA0] =	sst s0;
	s0 =	simm.s32 @!p1 $0x0  }
0x14: {  	s2 =	sld [smem:$0x3F84];
	s0 =	simm.s32 @p1 $0x1  }
0x15: {  	[smem:$0x3FA1] =	sst s0;
	s0 =	simm.s32 @!p2 $0x0  }
0x16: {  	s3 =	sld [smem:$0x3FDB];
	s0 =	simm.s32 @p2 $0x1  }
0x17: {  	s4 =	simm.s32 $0x1BF5;
	[smem:$0x3FA3] =	sst s0  }
0x18: {  	s0 =	sld [smem:$0x3F86];
	_ =	swait.ge [sflag:s4], $0x0  }
0x19: {  	s7 =	sld [smem:$0x3F87]  }
0x1a: {  	s8 =	sadd.s32 $0xFFFFE003, lr  }
0x1b: {  	s9 =	sadd.s32 $0xFFFFFEF7, lr;
	s5 =	simm.s32 $0xFFFFFFFF;
	p2 =	slt.u32 s8, $0xFFFFF086  }
0x1c: {  	p1 =	slt.u32 s9, $0xF7A;
	s5 =	simm.s32 @!p2 $0x0  }
0x1d: {  	s5 =	simm.s32 @p1 $0x1;
	p0 =	seq.s32 s7, s2  }
0x1e: {  	s7 =	smul.u32 @!p0 $0xF7A, s2;
	p2 =	seq.s32 @!p0 s5, $0x0  }
0x1f: {  	s9 =	smul.u32 $0xF7A, s1;
	s8 =	simm.s32 @!p0 $0x1BF5;
	p2 =	por !p2, p0  }
0x20: {  	[sflag:s8] =	ssyncset.s32 @!p0 $0xFFFFF086;
	s6 =	sadd.s32 @!p0 s3, s7;
	s7 =	simm.s32 @!p0 $0x108  }
0x21: {  	s3 =	sadd.s32 s3, s9;
	s6 =	sadd.s32 @!p0 $0x88, s6;
	s7 =	simm.s32 @p2 $0x1082  }
0x22: {  	[simem:s7], [sflag:s8] =	dma.local @!p0 [hbm:s6], $0xF7A  }
0x23: {  	s9 =	sor.u32 $0xD0000000, s2;
	s6 =	simm.s32 $0x108;
	_ =	swait.ge @!p0 [sflag:s8], $0x0  }
0x24: {  	s3 =	sadd.s32 $0x88, s3;
	s6 =	simm.s32 @!p1 $0x1082;
	[sflag:s4] =	ssyncset.s32 $0xFFFFF086  }
0x25: {  	[simem:s6], [sflag:s4] =	dma.local [hbm:s3], $0xF7A  }
0x26: {  	[smem:$0x3F87] =	sst s1;
	(tag) =	ssettag s2;
	_ =	strace s9  }
0x27: {  	s1 =	sld [smem:$0x3F97]  }
0x28: {  	s2 =	sld [smem:$0x3F98]  }
0x29: {  	s4 =	sld [smem:$0x3F9A]  }
0x2a: {  	p0 =	seq.s32 s5, $0x0;
	s5 =	sld [smem:$0x3F9B]  }
0x2b: {  	s6 =	sld [smem:$0x3F9C]  }
0x2c: {  	s7 =	sld [smem:$0x3F9D]  }
0x2d: {  	s3 =	simm.s32 $0x108;
	s8 =	sld [smem:$0x3F9E]  }
0x2e: {  	s3 =	simm.s32 @!p0 $0x1082;
	s9 =	sld [smem:$0x3F9F]  }
0x2f: {  	lr =	sadd.s32 s0, s3;
	s0 =	sld [smem:$0x3F96]  }
0x30: {  	s3 =	sld [smem:$0x3F99]  }
0x31: {  	[smem:$0x3FA2] =	sst s10  }
0x32: {  	s10 =	sld [smem:$0x3FA0];
	_ =	sdelay $0x3  }
0x33: {  	p0 =	seq.s32 s10, $0x1;
	s10 =	sld [smem:$0x3FA2];
	_ =	sdelay $0x3  }
0x34: {  	[smem:$0x3FA2] =	sst s10  }
0x35: {  	s10 =	sld [smem:$0x3FA1];
	_ =	sdelay $0x3  }
0x36: {  	p1 =	seq.s32 s10, $0x1;
	s10 =	sld [smem:$0x3FA2];
	_ =	sdelay $0x3  }
0x37: {  	[smem:$0x3FA2] =	sst s10  }
0x38: {  	s10 =	sld [smem:$0x3FA3]  }
0x39: {  	_ = 	snop;
	(pc) =	sbr.ind lr, $3  }
0x3a: {  	_ = 	snop  }
0x3b: {  	_ = 	snop  }
0x3c: {  	p2 =	seq.s32 s10, $0x1;
	s10 =	sld [smem:$0x3FA2]  }
0x3d: {  	_ =	shalt  }
0x3e: {  	_ =	shalt  }
0x3f: {  	_ =	shalt  }
0x40: {  	_ =	shalt  }
0x41: {  	_ =	shalt  }
0x42: {  	_ =	shalt  }
0x43: {  	_ =	shalt  }
0x44: {  	_ =	shalt  }
0x45: {  	_ =	shalt  }
0x46: {  	_ =	shalt  }
0x47: {  	_ =	shalt  }
0x48: {  	_ =	shalt  }
0x49: {  	_ =	shalt  }
0x4a: {  	_ =	shalt  }
0x4b: {  	_ =	shalt  }
0x4c: {  	_ =	shalt  }
0x4d: {  	_ =	shalt  }
0x4e: {  	_ =	shalt  }
0x4f: {  	_ =	shalt  }
0x50: {  	_ =	shalt  }
0x51: {  	_ =	shalt  }
0x52: {  	_ =	shalt  }
0x53: {  	_ =	shalt  }
0x54: {  	_ =	shalt  }
0x55: {  	_ =	shalt  }
0x56: {  	_ =	shalt  }
0x57: {  	_ =	shalt  }
0x58: {  	_ =	shalt  }
0x59: {  	_ =	shalt  }
0x5a: {  	_ =	shalt  }
0x5b: {  	_ =	shalt  }
0x5c: {  	_ =	shalt  }
0x5d: {  	_ =	shalt  }
0x5e: {  	_ =	shalt  }
0x5f: {  	_ =	shalt  }
0x60: {  	_ =	shalt  }
0x61: {  	_ =	shalt  }
0x62: {  	_ =	shalt  }
0x63: {  	_ =	shalt  }
0x64: {  	_ =	shalt  }
0x65: {  	_ =	shalt  }
0x66: {  	_ =	shalt  }
0x67: {  	_ =	shalt  }
0x68: {  	_ =	shalt  }
0x69: {  	_ =	shalt  }
0x6a: {  	_ =	shalt  }
0x6b: {  	_ =	shalt  }
0x6c: {  	_ =	shalt  }
0x6d: {  	_ =	shalt  }
0x6e: {  	_ =	shalt  }
0x6f: {  	_ =	shalt  }
0x70: {  	_ =	shalt  }
0x71: {  	_ =	shalt  }
0x72: {  	_ =	shalt  }
0x73: {  	_ =	shalt  }
0x74: {  	_ =	shalt  }
0x75: {  	_ =	shalt  }
0x76: {  	_ =	shalt  }
0x77: {  	_ =	shalt  }
0x78: {  	_ =	shalt  }
0x79: {  	_ =	shalt  }
0x7a: {  	_ =	shalt  }
0x7b: {  	_ =	shalt  }
0x7c: {  	_ =	shalt  }
0x7d: {  	_ =	shalt  }
0x7e: {  	_ =	shalt  }
0x7f: {  	_ =	shalt  }
0x80: {  	_ =	shalt  }
0x81: {  	_ =	shalt  }
0x82: {  	_ =	shalt  }
0x83: {  	_ =	shalt  }
0x84: {  	_ =	shalt  }
0x85: {  	_ =	shalt  }
0x86: {  	_ =	shalt  }
0x87: {  	_ =	shalt  }
.Lfunc_end0:
.L_simem_size_0:
called_computation.1_lowered:
.L_overlay_start_0:
0x88: {  	s2 =	sld [smem:$0x3FD9]  }
0x89: {  	s3 =	sld [smem:$0x3FFE];
	_ =	sdelay $0x1  }
0x8a: {  	s1 =	srdreg.scid  }
0x8b: {  	s0 =	sand.u32 $0x1, s1  }
0x8c: {  	s16 =	sshll.u32 s0, $0xA;
	s2 =	sadd.s32 s3, s2  }
0x8d: {  	s2 =	sadd.s32 s2, s16  }
0x8e: {  	[smem:$0x3FAE] =	sst s2  }
0x8f: {  	_ = 	snop  }
0x90: {  	(tm) =	ssettm $0x1  }
0x91: {  	s17 =	sld [smem:$0x3FFB];
	_ =	sdelay $0x3  }
0x92: {  	_ =	strace s17  }
0x93: {  	s2 =	sld [smem:$0x3FFC];
	_ =	sdelay $0x3  }
0x94: {  	_ =	strace s2  }
0x95: {  	s2 =	sld [smem:$0x3FFD];
	_ =	sdelay $0x3  }
0x96: {  	_ =	strace s2  }
0x97: {  	_ =	strace $0x8FFFFFFF  }
0x98: {  	s18 =	sld [smem:$0x3FDB];
	_ =	sdelay $0x1  }
0x99: {  	s19 =	simm.s32 $_scs_section_size  }
0x9a: {  	s4 =	simm.s32 $_size__tile_overlayer_lowered;
	s5 =	simm.s32 $_tile_overlayer_lowered  }
0x9b: {  	s22 =	simm.s32 $0x1BFF;
	s21 =	sshll.u32 s5, $0x1;
	s2 =	sadd.s32 s19, s18  }
0x9c: {  	s6 =	simm.s32 $0x0;
	s20 =	sshll.u32 s4, $0x1;
	s4 =	sadd.s32 s21, s2  }
0x9d: {  	[timem:s6], [sflag:s22] =	dma.local [hbm:s4], s20  }
0x9e: {  	_ =	swait.ge [sflag:s22], s20  }
0x9f: {  	s3 =	ssub.s32 $0x0, s20;
	[sflag:s22] =	ssyncset.done $0x0  }
0xa0: {  	[sflag:s22] =	ssyncadd.s32 s3;
	_ =	sdelay $0x1  }
0xa1: {  	s23 =	simm.s32 $0x1B8B  }
0xa2: {  	_ =	swait.ge [sflag:s23], $0x1  }
0xa3: {  	[sflag:s23] =	ssyncset.done $0x0  }
0xa4: {  	s25 =	simm.s32 $0x1B8E;
	s24 =	sld [smem:$0x3FFE];
	[sflag:s23] =	ssyncadd.s32 $0xFFFFFFFF  }
0xa5: {  	s26 =	simm.s32 $execute0_lowered;
	[smem:$0x3FD2] =	sst s25  }
0xa6: {  	s4 =	sshll.u32 s26, $0x1;
	_ =	strace $0x80000049;
	[dreg:$0x1] =	wrdreg $0xFFFFFFFF  }
0xa7: {  	s28 =	simm.s32 $_size_execute0_lowered;
	s2 =	sadd.s32 s2, s4;
	[dreg:$0x0] =	wrdreg $0x0  }
0xa8: {  	s4 =	sshll.u32 s28, $0x1;
	[dreg:$0x2] =	wrdreg s2  }
0xa9: {  	[dreg:$0x3] =	wrdreg s4  }
0xaa: {  	[dreg:$0x4] =	wrdreg $0xC0  }
0xab: {  	_ =	task [dreg:s6], $0x5FFFF  }
0xac: {  	[dreg:$0x1] =	wrdreg $0xFFFFFFFF  }
0xad: {  	[dreg:$0x0] =	wrdreg $0x60  }
0xae: {  	[dreg:$0x2] =	wrdreg s24  }
0xaf: {  	[dreg:$0x3] =	wrdreg $0x41000  }
0xb0: {  	[dreg:$0x4] =	wrdreg $0x9  }
0xb1: {  	_ =	task.clear_ibuf [dreg:s6], $0x5FFFF;
	_ =	strace $0x90000049  }
0xb2: {  	s29 =	simm.s32 $0x9;
	_ =	strace $0x8000004B  }
0xb3: {  	_ =	swait.ge [sflag:s29], $0x1  }
0xb4: {  	[sflag:s29] =	ssyncadd.s32 $0xFFFFFFFF  }
0xb5: {  	_ =	strace $0x9000004B  }
0xb6: {  	_ =	sfence  }
0xb7: {  	s30 =	sld [smem:$0x0];
	_ =	sdelay $0x2  }
0xb8: {  	s31 =	sshll.u32 s1, $0xD;
	s1 =	sshrl.u32 s1, $0x2  }
0xb9: {  	s3 =	sand.u32 $0x4000, s31;
	s1 =	sadd.s32 s1, s30  }
0xba: {  	s0 =	sor.u32 s3, s0;
	s1 =	sshll.u32 s1, $0x11  }
0xbb: {  	s0 =	sor.u32 s1, s0  }
0xbc: {  	s0 =	sadd.s32 $0x8F2B, s0  }
0xbd: {  	[sflag:s0] =	ssyncadd.remote.s32 $0x1  }
0xbe: {  	_ =	sfence.sel $0xFFFF  }
0xbf: {  	[dreg:$0x0] =	wrdreg $0xFFFFFFFF;
	(pc) =	sbr.abs _section_cstart, $3  }
0xc0: {  	[dreg:$0x1] =	wrdreg $0xFFFFFFFF  }
0xc1: {  	_ =	task.clear_ibuf [dreg:s6], $0x2FFFF;
	_ =	strace $0x9FFFFFFF  }
0xc2: {  	(tm) =	ssettm $0x7FFFFFFF  }
0xc3: {  	_ =	shalt  }
tec
execute0_lowered:
.L_overlay_start_1:
0x0: {  	(tag) =	ssettag $0x1  }
0x1: {  	s1 =	srdreg.scid;
	s0 =	stileid.u32  }
0x2: {  	s6 =	rddreg [dreg:$0x0];
	s4 =	smul.u32 $0x13A00, s0  }
0x3: {  	s2 =	rddreg [dreg:$0x1];
	s3 =	simm.s32 $0x0;
	s8 =	smul.u32 $0x2780, s0  }
0x4: {  	s14 =	simm.s32 $0x1;
	s7 =	sand.u32 $0x1, s1;
	s30 =	smul.u32 $0x4F000, s0  }
0x5: {  	s15 =	simm.s32 $0x0;
	s1 =	rddreg [dreg:$0x2];
	s5 =	smul.u32 $0x9D00, s7  }
0x6: {  	[smem:$0x7FF] =	sst s3;
	s9 =	smul.u32 $0x27800, s7;
	s31 =	ssub.s32 $0x2, s7  }
0x7: {  	s11 =	sshll.u32 s0, $0x6;
	_ =	strace $0x8000004A;
	s7 =	sshrl.u32 s31, $0x1  }
0x8: {  	s5 =	sadd.s32 s5, s4;
	s4 =	sadd.s32 $0x5C400, s6;
	s8 =	sadd.s32 s8, s9  }
0x9: {  	s9 =	sshrl.u32 s30, $0x2;
	s12 =	ssub.s32 s31, s7;
	s5 =	sshrl.u32 s5, $0x3  }
0xa: {  	s8 =	sadd.s32 s8, s6;
	s13 =	sadd.s32 s9, s2;
	s10 =	sadd.s32 s5, s6  }
0xb: {  	s5 =	sadd.s32 $0x2BC00, s6;
	s6 =	sor.u32 $0x1C02, s11;
	s7 =	sadd.s32 $0x146A00, s8  }
0xc: {  	s8 =	smax.u32 s12, $0x1;
	s11 =	simm.s32 $0x2;
	s12 =	simm.s32 $0x80  }
0xd: {  	s9 =	sadd.s32 $0x35000, s10;
	s10 =	sshrl.u32 s13, $0x3;
	s13 =	simm.s32 $0x100  }
.LBB2_1:
0xe: {  	[spmem:s10], [sflag:s6] =	dma.local [hbm:s5], $0x2780  }
0xf: {  	_ =	swait.ge [sflag:s11], $0x2780  }
0x10: {  	[sflag:s11] =	ssyncset.done $0x0  }
0x11: {  	[sflag:s11] =	ssyncadd.s32 $0xFFFFD880  }
0x12: {  	s16 =	sadd.s32 $0x0, s9;
	[bflag:$0x0] =	sbarrier.arrive $0xFFFF  }
0x13: {  	[tilespmem:s3], [sflag:$0x2] =	stream.linear.gather [hbm4b:s16+s3], $0x100, $0x38;
	[tilespmem:$0x17D00] =	vst v63  }
0x14: {  	_ =	swait.ge [sflag:s11], $0x100  }
0x15: {  	[sflag:s11] =	ssyncset.done $0x0  }
0x16: {  	[sflag:s11] =	ssyncadd.s32 $0xFFFFFF00  }
0x17: {  	[tilespmem:s13], [sflag:$0x1] =	stream.indirect.gather [hbm4b:s4+s12], $0x80, s3, s12, $0xb8;
	[tilespmem:$0x17D00] =	vst v63  }
0x18: {  	_ =	swait.ge [sflag:s14], $0x4000  }
0x19: {  	[sflag:s14] =	ssyncset.done $0x0  }
0x1a: {  	[sflag:s14] =	ssyncadd.s32 $0xFFFFC000  }
0x1b: {  	[spmem:s2] =	stream.indirect.scatter.add.f32 [tilespmem:s13], [sflag:$0x2], $0x80, s12, s12, $0xb8;
	[tilespmem:$0x17D00] =	vst v63  }
0x1c: {  	_ =	swait.ge [sflag:s11], $0x4000  }
0x1d: {  	s17 =	simm.s32 $0x40;
	s16 =	simm.s32 $0x20;
	[sflag:s11] =	ssyncset.done $0x0  }
.LBB2_2:
0x1e: {  	s18 =	sadd.s32 s16, s9  }
0x1f: {  	[sflag:s11] =	ssyncadd.s32 $0xFFFFC000;
	s16 =	smov.u32 s17;
	s19 =	sadd.s32 $0x20, s17  }
0x20: {  	[tilespmem:s3], [sflag:$0x2] =	stream.linear.gather [hbm4b:s18+s3], $0x100, $0x38;
	[tilespmem:$0x17D00] =	vst v63  }
0x21: {  	p0 =	sne.s32 s17, $0x1380;
	_ =	swait.ge [sflag:s11], $0x100  }
0x22: {  	[sflag:s11] =	ssyncset.done $0x0  }
0x23: {  	[sflag:s11] =	ssyncadd.s32 $0xFFFFFF00  }
0x24: {  	[tilespmem:s13], [sflag:$0x1] =	stream.indirect.gather [hbm4b:s4+s12], $0x80, s3, s12, $0xb8;
	[tilespmem:$0x17D00] =	vst v63  }
0x25: {  	_ =	swait.ge [sflag:s14], $0x4000  }
.Ltmp0:
0x26: {  	[sflag:s14] =	ssyncset.done $0x0;
	(pc) =	sbr.rel @p0 .LBB2_2-.Ltmp0, $4  }
0x27: {  	[sflag:s14] =	ssyncadd.s32 $0xFFFFC000  }
0x28: {  	[spmem:s2] =	stream.indirect.scatter.add.f32 [tilespmem:s13], [sflag:$0x2], $0x80, s12, s12, $0xb8;
	[tilespmem:$0x17D00] =	vst v63  }
0x29: {  	_ =	swait.ge [sflag:s11], $0x4000  }
0x2a: {  	s17 =	smov.u32 s19;
	[sflag:s11] =	ssyncset.done $0x0  }
0x2b: {  	s16 =	sadd.s32 s16, s9;
	[sflag:s11] =	ssyncadd.s32 $0xFFFFC000  }
0x2c: {  	[tilespmem:s3], [sflag:$0x2] =	stream.linear.gather [hbm4b:s16+s3], $0x100, $0x38;
	[tilespmem:$0x17D00] =	vst v63  }
0x2d: {  	_ =	swait.ge [sflag:s11], $0x100  }
0x2e: {  	[sflag:s11] =	ssyncset.done $0x0  }
0x2f: {  	[sflag:s11] =	ssyncadd.s32 $0xFFFFFF00  }
0x30: {  	[tilespmem:s13], [sflag:$0x1] =	stream.indirect.gather [hbm4b:s4+s12], $0x80, s3, s12, $0xb8;
	[tilespmem:$0x17D00] =	vst v63  }
0x31: {  	_ =	swait.ge [sflag:s14], $0x4000  }
0x32: {  	[sflag:s14] =	ssyncset.done $0x0  }
0x33: {  	[sflag:s14] =	ssyncadd.s32 $0xFFFFC000  }
0x34: {  	[spmem:s2] =	stream.indirect.scatter.add.f32 [tilespmem:s13], [sflag:$0x2], $0x80, s12, s12, $0xb8;
	[tilespmem:$0x17D00] =	vst v63  }
0x35: {  	_ =	swait.ge [sflag:s11], $0x4000  }
0x36: {  	s15 =	sadd.s32 $0x1, s15;
	[sflag:s11] =	ssyncset.done $0x0  }
0x37: {  	p0 =	sne.s32 s15, s8;
	[sflag:s11] =	ssyncadd.s32 $0xFFFFC000  }
.Ltmp1:
0x38: {  	[bflag:$0x0] =	sbarrier.arrive $0xFFFF;
	(pc) =	sbr.rel @p0 .LBB2_1-.Ltmp1, $4  }
0x39: {  	[hbm:s7], [sflag:s6] =	dma.local [spmem:s10], $0x2780  }
0x3a: {  	_ =	swait.ge [sflag:s11], $0x2780  }
0x3b: {  	[sflag:s11] =	ssyncset.done $0x0  }
0x3c: {  	[sflag:s11] =	ssyncadd.s32 $0xFFFFD880  }
0x3d: {  	_ =	sfence.sel $0x180000  }
0x3e: {  	[bflag:$0x0] =	sbarrier.arrive $0xFFFF  }
0x3f: {  	p0 =	sne.s32 s0, $0x0;
	_ =	strace $0x9000004A  }
0x40: {  	s0 =	sadd.s32 @!p0 $0x100000, s1;
	[bflag:$0x2] =	sbarrier.arrive $0xFFFF  }
0x41: {  	[sflag:s0] =	ssyncadd.tile.s32 @!p0 $0x1;
	_ =	shalt  }
.Lfunc_end2:
_tile_overlayer_lowered:
.L_overlay_start_2:
0x42: {  	(tag) =	ssettag $0x2  }
0x43: {  	s0 =	rddreg [dreg:$0x0];
	s2 =	stileid.u32  }
0x44: {  	s1 =	rddreg [dreg:$0x1];
	p0 =	sne.s32 s2, $0x0  }
0x45: {  	s3 =	rddreg [dreg:$0x2];
	[bflag:$0x3] =	sbarrier.arrive $0xFFFF;
	s2 =	simm.s32 @!p0 $0x1C02  }
0x46: {  	[timem:s3], [sflag:s2] =	dma.local @!p0 [hbm:s0], s1  }
0x47: {  	s0 =	simm.s32 @!p0 $0x2  }
0x48: {  	_ =	swait.ge @!p0 [sflag:s0], s1  }
0x49: {  	s1 =	ssub.s32 @!p0 $0x0, s1;
	[sflag:s0] =	ssyncset.done @!p0 $0x0  }
0x4a: {  	[sflag:s0] =	ssyncadd.s32 @!p0 s1  }
0x4b: {  	[bflag:$0x3] =	sbarrier.arrive $0xFFFF  }
0x4c: {  	_ =	shalt  }

// kernel: kernel.28.cloned.1.call-start
scs
__scs_entry_jumppad:
0x0: {  	(pc) =	sbr.rel $0x88, $3  }
0x1: {  	(tag) =	ssettag $0x0;
	lr =	simm.s32 $0x1  }
0x2: {  	[smem:$0x3F87] =	sst lr;
	_ =	strace $0xD0000000  }
0x3: {  	_ = 	snop  }
0x4: {  	_ = 	snop  }
0x5: {  	_ = 	snop  }
0x6: {  	_ = 	snop  }
0x7: {  	_ = 	snop  }
__scs_overlays_trampoline_lowered:
0x8: {  	[smem:$0x3F96] =	sst s0  }
0x9: {  	[smem:$0x3F97] =	sst s1  }
0xa: {  	[smem:$0x3F98] =	sst s2  }
0xb: {  	[smem:$0x3F99] =	sst s3  }
0xc: {  	[smem:$0x3F9A] =	sst s4  }
0xd: {  	[smem:$0x3F9B] =	sst s5  }
0xe: {  	[smem:$0x3F9C] =	sst s6  }
0xf: {  	[smem:$0x3F9D] =	sst s7  }
0x10: {  	[smem:$0x3F9E] =	sst s8  }
0x11: {  	[smem:$0x3F9F] =	sst s9;
	s0 =	simm.s32 @!p0 $0x0  }
0x12: {  	s1 =	sld [smem:$0x3F85];
	s0 =	simm.s32 @p0 $0x1  }
0x13: {  	[smem:$0x3FA0] =	sst s0;
	s0 =	simm.s32 @!p1 $0x0  }
0x14: {  	s2 =	sld [smem:$0x3F84];
	s0 =	simm.s32 @p1 $0x1  }
0x15: {  	[smem:$0x3FA1] =	sst s0;
	s0 =	simm.s32 @!p2 $0x0  }
0x16: {  	s3 =	sld [smem:$0x3FDB];
	s0 =	simm.s32 @p2 $0x1  }
0x17: {  	s4 =	simm.s32 $0x1BF5;
	[smem:$0x3FA3] =	sst s0  }
0x18: {  	s0 =	sld [smem:$0x3F86];
	_ =	swait.ge [sflag:s4], $0x0  }
0x19: {  	s7 =	sld [smem:$0x3F87]  }
0x1a: {  	s8 =	sadd.s32 $0xFFFFE003, lr  }
0x1b: {  	s9 =	sadd.s32 $0xFFFFFEF7, lr;
	s5 =	simm.s32 $0xFFFFFFFF;
	p2 =	slt.u32 s8, $0xFFFFF086  }
0x1c: {  	p1 =	slt.u32 s9, $0xF7A;
	s5 =	simm.s32 @!p2 $0x0  }
0x1d: {  	s5 =	simm.s32 @p1 $0x1;
	p0 =	seq.s32 s7, s2  }
0x1e: {  	s7 =	smul.u32 @!p0 $0xF7A, s2;
	p2 =	seq.s32 @!p0 s5, $0x0  }
0x1f: {  	s9 =	smul.u32 $0xF7A, s1;
	s8 =	simm.s32 @!p0 $0x1BF5;
	p2 =	por !p2, p0  }
0x20: {  	[sflag:s8] =	ssyncset.s32 @!p0 $0xFFFFF086;
	s6 =	sadd.s32 @!p0 s3, s7;
	s7 =	simm.s32 @!p0 $0x108  }
0x21: {  	s3 =	sadd.s32 s3, s9;
	s6 =	sadd.s32 @!p0 $0x88, s6;
	s7 =	simm.s32 @p2 $0x1082  }
0x22: {  	[simem:s7], [sflag:s8] =	dma.local @!p0 [hbm:s6], $0xF7A  }
0x23: {  	s9 =	sor.u32 $0xD0000000, s2;
	s6 =	simm.s32 $0x108;
	_ =	swait.ge @!p0 [sflag:s8], $0x0  }
0x24: {  	s3 =	sadd.s32 $0x88, s3;
	s6 =	simm.s32 @!p1 $0x1082;
	[sflag:s4] =	ssyncset.s32 $0xFFFFF086  }
0x25: {  	[simem:s6], [sflag:s4] =	dma.local [hbm:s3], $0xF7A  }
0x26: {  	[smem:$0x3F87] =	sst s1;
	(tag) =	ssettag s2;
	_ =	strace s9  }
0x27: {  	s1 =	sld [smem:$0x3F97]  }
0x28: {  	s2 =	sld [smem:$0x3F98]  }
0x29: {  	s4 =	sld [smem:$0x3F9A]  }
0x2a: {  	p0 =	seq.s32 s5, $0x0;
	s5 =	sld [smem:$0x3F9B]  }
0x2b: {  	s6 =	sld [smem:$0x3F9C]  }
0x2c: {  	s7 =	sld [smem:$0x3F9D]  }
0x2d: {  	s3 =	simm.s32 $0x108;
	s8 =	sld [smem:$0x3F9E]  }
0x2e: {  	s3 =	simm.s32 @!p0 $0x1082;
	s9 =	sld [smem:$0x3F9F]  }
0x2f: {  	lr =	sadd.s32 s0, s3;
	s0 =	sld [smem:$0x3F96]  }
0x30: {  	s3 =	sld [smem:$0x3F99]  }
0x31: {  	[smem:$0x3FA2] =	sst s10  }
0x32: {  	s10 =	sld [smem:$0x3FA0];
	_ =	sdelay $0x3  }
0x33: {  	p0 =	seq.s32 s10, $0x1;
	s10 =	sld [smem:$0x3FA2];
	_ =	sdelay $0x3  }
0x34: {  	[smem:$0x3FA2] =	sst s10  }
0x35: {  	s10 =	sld [smem:$0x3FA1];
	_ =	sdelay $0x3  }
0x36: {  	p1 =	seq.s32 s10, $0x1;
	s10 =	sld [smem:$0x3FA2];
	_ =	sdelay $0x3  }
0x37: {  	[smem:$0x3FA2] =	sst s10  }
0x38: {  	s10 =	sld [smem:$0x3FA3]  }
0x39: {  	_ = 	snop;
	(pc) =	sbr.ind lr, $3  }
0x3a: {  	_ = 	snop  }
0x3b: {  	_ = 	snop  }
0x3c: {  	p2 =	seq.s32 s10, $0x1;
	s10 =	sld [smem:$0x3FA2]  }
0x3d: {  	_ =	shalt  }
0x3e: {  	_ =	shalt  }
0x3f: {  	_ =	shalt  }
0x40: {  	_ =	shalt  }
0x41: {  	_ =	shalt  }
0x42: {  	_ =	shalt  }
0x43: {  	_ =	shalt  }
0x44: {  	_ =	shalt  }
0x45: {  	_ =	shalt  }
0x46: {  	_ =	shalt  }
0x47: {  	_ =	shalt  }
0x48: {  	_ =	shalt  }
0x49: {  	_ =	shalt  }
0x4a: {  	_ =	shalt  }
0x4b: {  	_ =	shalt  }
0x4c: {  	_ =	shalt  }
0x4d: {  	_ =	shalt  }
0x4e: {  	_ =	shalt  }
0x4f: {  	_ =	shalt  }
0x50: {  	_ =	shalt  }
0x51: {  	_ =	shalt  }
0x52: {  	_ =	shalt  }
0x53: {  	_ =	shalt  }
0x54: {  	_ =	shalt  }
0x55: {  	_ =	shalt  }
0x56: {  	_ =	shalt  }
0x57: {  	_ =	shalt  }
0x58: {  	_ =	shalt  }
0x59: {  	_ =	shalt  }
0x5a: {  	_ =	shalt  }
0x5b: {  	_ =	shalt  }
0x5c: {  	_ =	shalt  }
0x5d: {  	_ =	shalt  }
0x5e: {  	_ =	shalt  }
0x5f: {  	_ =	shalt  }
0x60: {  	_ =	shalt  }
0x61: {  	_ =	shalt  }
0x62: {  	_ =	shalt  }
0x63: {  	_ =	shalt  }
0x64: {  	_ =	shalt  }
0x65: {  	_ =	shalt  }
0x66: {  	_ =	shalt  }
0x67: {  	_ =	shalt  }
0x68: {  	_ =	shalt  }
0x69: {  	_ =	shalt  }
0x6a: {  	_ =	shalt  }
0x6b: {  	_ =	shalt  }
0x6c: {  	_ =	shalt  }
0x6d: {  	_ =	shalt  }
0x6e: {  	_ =	shalt  }
0x6f: {  	_ =	shalt  }
0x70: {  	_ =	shalt  }
0x71: {  	_ =	shalt  }
0x72: {  	_ =	shalt  }
0x73: {  	_ =	shalt  }
0x74: {  	_ =	shalt  }
0x75: {  	_ =	shalt  }
0x76: {  	_ =	shalt  }
0x77: {  	_ =	shalt  }
0x78: {  	_ =	shalt  }
0x79: {  	_ =	shalt  }
0x7a: {  	_ =	shalt  }
0x7b: {  	_ =	shalt  }
0x7c: {  	_ =	shalt  }
0x7d: {  	_ =	shalt  }
0x7e: {  	_ =	shalt  }
0x7f: {  	_ =	shalt  }
0x80: {  	_ =	shalt  }
0x81: {  	_ =	shalt  }
0x82: {  	_ =	shalt  }
0x83: {  	_ =	shalt  }
0x84: {  	_ =	shalt  }
0x85: {  	_ =	shalt  }
0x86: {  	_ =	shalt  }
0x87: {  	_ =	shalt  }
.Lfunc_end0:
.L_simem_size_0:
called_computation.2_lowered:
.L_overlay_start_0:
0x88: {  	s2 =	sld [smem:$0x3FD9]  }
0x89: {  	s3 =	sld [smem:$0x3FFE];
	_ =	sdelay $0x1  }
0x8a: {  	s1 =	srdreg.scid  }
0x8b: {  	s0 =	sand.u32 $0x1, s1  }
0x8c: {  	s16 =	sshll.u32 s0, $0xA;
	s2 =	sadd.s32 s3, s2  }
0x8d: {  	s2 =	sadd.s32 s2, s16  }
0x8e: {  	[smem:$0x3FAE] =	sst s2  }
0x8f: {  	_ = 	snop  }
0x90: {  	(tm) =	ssettm $0x1  }
0x91: {  	s17 =	sld [smem:$0x3FFB];
	_ =	sdelay $0x3  }
0x92: {  	_ =	strace s17  }
0x93: {  	s2 =	sld [smem:$0x3FFC];
	_ =	sdelay $0x3  }
0x94: {  	_ =	strace s2  }
0x95: {  	s2 =	sld [smem:$0x3FFD];
	_ =	sdelay $0x3  }
0x96: {  	_ =	strace s2  }
0x97: {  	_ =	strace $0x8FFFFFFF  }
0x98: {  	s18 =	sld [smem:$0x3FDB];
	_ =	sdelay $0x1  }
0x99: {  	s19 =	simm.s32 $_scs_section_size  }
0x9a: {  	s4 =	simm.s32 $_size__tile_overlayer_lowered;
	s5 =	simm.s32 $_tile_overlayer_lowered  }
0x9b: {  	s22 =	simm.s32 $0x1BFF;
	s21 =	sshll.u32 s5, $0x1;
	s2 =	sadd.s32 s19, s18  }
0x9c: {  	s6 =	simm.s32 $0x0;
	s20 =	sshll.u32 s4, $0x1;
	s4 =	sadd.s32 s21, s2  }
0x9d: {  	[timem:s6], [sflag:s22] =	dma.local [hbm:s4], s20  }
0x9e: {  	_ =	swait.ge [sflag:s22], s20  }
0x9f: {  	s3 =	ssub.s32 $0x0, s20;
	[sflag:s22] =	ssyncset.done $0x0  }
0xa0: {  	[sflag:s22] =	ssyncadd.s32 s3;
	_ =	sdelay $0x1  }
0xa1: {  	s23 =	simm.s32 $0x1B8B  }
0xa2: {  	_ =	swait.ge [sflag:s23], $0x1  }
0xa3: {  	[sflag:s23] =	ssyncset.done $0x0  }
0xa4: {  	s25 =	simm.s32 $0x1B8E;
	s24 =	sld [smem:$0x3FFE];
	[sflag:s23] =	ssyncadd.s32 $0xFFFFFFFF  }
0xa5: {  	s26 =	simm.s32 $execute0_lowered;
	[smem:$0x3FD2] =	sst s25  }
0xa6: {  	s4 =	sshll.u32 s26, $0x1;
	_ =	strace $0x8000004C;
	[dreg:$0x1] =	wrdreg $0xFFFFFFFF  }
0xa7: {  	s28 =	simm.s32 $_size_execute0_lowered;
	s2 =	sadd.s32 s2, s4;
	[dreg:$0x0] =	wrdreg $0x0  }
0xa8: {  	s4 =	sshll.u32 s28, $0x1;
	[dreg:$0x2] =	wrdreg s2  }
0xa9: {  	[dreg:$0x3] =	wrdreg s4  }
0xaa: {  	[dreg:$0x4] =	wrdreg $0xC0  }
0xab: {  	_ =	task [dreg:s6], $0x5FFFF  }
0xac: {  	[dreg:$0x1] =	wrdreg $0xFFFFFFFF  }
0xad: {  	[dreg:$0x0] =	wrdreg $0x60  }
0xae: {  	[dreg:$0x2] =	wrdreg s24  }
0xaf: {  	[dreg:$0x3] =	wrdreg $0x41000  }
0xb0: {  	[dreg:$0x4] =	wrdreg $0x9  }
0xb1: {  	_ =	task.clear_ibuf [dreg:s6], $0x5FFFF;
	_ =	strace $0x9000004C  }
0xb2: {  	s29 =	simm.s32 $0x9;
	_ =	strace $0x8000004E  }
0xb3: {  	_ =	swait.ge [sflag:s29], $0x1  }
0xb4: {  	[sflag:s29] =	ssyncadd.s32 $0xFFFFFFFF  }
0xb5: {  	_ =	strace $0x9000004E  }
0xb6: {  	_ =	sfence  }
0xb7: {  	s30 =	sld [smem:$0x0];
	_ =	sdelay $0x2  }
0xb8: {  	s31 =	sshll.u32 s1, $0xD;
	s1 =	sshrl.u32 s1, $0x2  }
0xb9: {  	s3 =	sand.u32 $0x4000, s31;
	s1 =	sadd.s32 s1, s30  }
0xba: {  	s0 =	sor.u32 s3, s0;
	s1 =	sshll.u32 s1, $0x11  }
0xbb: {  	s0 =	sor.u32 s1, s0  }
0xbc: {  	s0 =	sadd.s32 $0x8F2B, s0  }
0xbd: {  	[sflag:s0] =	ssyncadd.remote.s32 $0x1  }
0xbe: {  	_ =	sfence.sel $0xFFFF  }
0xbf: {  	[dreg:$0x0] =	wrdreg $0xFFFFFFFF;
	(pc) =	sbr.abs _section_cstart, $3  }
0xc0: {  	[dreg:$0x1] =	wrdreg $0xFFFFFFFF  }
0xc1: {  	_ =	task.clear_ibuf [dreg:s6], $0x2FFFF;
	_ =	strace $0x9FFFFFFF  }
0xc2: {  	(tm) =	ssettm $0x7FFFFFFF  }
0xc3: {  	_ =	shalt  }
tec
execute0_lowered:
.L_overlay_start_1:
0x0: {  	(tag) =	ssettag $0x1  }
0x1: {  	s1 =	srdreg.scid;
	s0 =	stileid.u32  }
0x2: {  	s6 =	rddreg [dreg:$0x0];
	s4 =	smul.u32 $0x13A00, s0  }
0x3: {  	s2 =	rddreg [dreg:$0x1];
	s3 =	simm.s32 $0x0;
	s8 =	smul.u32 $0x2780, s0  }
0x4: {  	s14 =	simm.s32 $0x1;
	s7 =	sand.u32 $0x1, s1;
	s30 =	smul.u32 $0x4F000, s0  }
0x5: {  	s15 =	simm.s32 $0x0;
	s1 =	rddreg [dreg:$0x2];
	s5 =	smul.u32 $0x9D00, s7  }
0x6: {  	[smem:$0x7FF] =	sst s3;
	s9 =	smul.u32 $0x27800, s7;
	s31 =	ssub.s32 $0x2, s7  }
0x7: {  	s11 =	sshll.u32 s0, $0x6;
	_ =	strace $0x8000004D;
	s7 =	sshrl.u32 s31, $0x1  }
0x8: {  	s5 =	sadd.s32 s5, s4;
	s4 =	sadd.s32 $0x5C400, s6;
	s8 =	sadd.s32 s8, s9  }
0x9: {  	s9 =	sshrl.u32 s30, $0x2;
	s12 =	ssub.s32 s31, s7;
	s5 =	sshrl.u32 s5, $0x3  }
0xa: {  	s8 =	sadd.s32 s8, s6;
	s13 =	sadd.s32 s9, s2;
	s10 =	sadd.s32 s5, s6  }
0xb: {  	s5 =	sadd.s32 $0x2BC00, s6;
	s6 =	sor.u32 $0x1C02, s11;
	s7 =	sadd.s32 $0x146A00, s8  }
0xc: {  	s8 =	smax.u32 s12, $0x1;
	s11 =	simm.s32 $0x2;
	s12 =	simm.s32 $0x80  }
0xd: {  	s9 =	sadd.s32 $0x35000, s10;
	s10 =	sshrl.u32 s13, $0x3;
	s13 =	simm.s32 $0x100  }
.LBB2_1:
0xe: {  	[spmem:s10], [sflag:s6] =	dma.local [hbm:s5], $0x2780  }
0xf: {  	_ =	swait.ge [sflag:s11], $0x2780  }
0x10: {  	[sflag:s11] =	ssyncset.done $0x0  }
0x11: {  	[sflag:s11] =	ssyncadd.s32 $0xFFFFD880  }
0x12: {  	s16 =	sadd.s32 $0x0, s9;
	[bflag:$0x0] =	sbarrier.arrive $0xFFFF  }
0x13: {  	[tilespmem:s3], [sflag:$0x2] =	stream.linear.gather [hbm4b:s16+s3], $0x100, $0x38;
	[tilespmem:$0x17D00] =	vst v63  }
0x14: {  	_ =	swait.ge [sflag:s11], $0x100  }
0x15: {  	[sflag:s11] =	ssyncset.done $0x0  }
0x16: {  	[sflag:s11] =	ssyncadd.s32 $0xFFFFFF00  }
0x17: {  	[tilespmem:s13], [sflag:$0x1] =	stream.indirect.gather [hbm4b:s4+s12], $0x80, s3, s12, $0xb8;
	[tilespmem:$0x17D00] =	vst v63  }
0x18: {  	_ =	swait.ge [sflag:s14], $0x4000  }
0x19: {  	[sflag:s14] =	ssyncset.done $0x0  }
0x1a: {  	[sflag:s14] =	ssyncadd.s32 $0xFFFFC000  }
0x1b: {  	[spmem:s2] =	stream.indirect.scatter.add.f32 [tilespmem:s13], [sflag:$0x2], $0x80, s12, s12, $0xb8;
	[tilespmem:$0x17D00] =	vst v63  }
0x1c: {  	_ =	swait.ge [sflag:s11], $0x4000  }
0x1d: {  	s17 =	simm.s32 $0x40;
	s16 =	simm.s32 $0x20;
	[sflag:s11] =	ssyncset.done $0x0  }
.LBB2_2:
0x1e: {  	s18 =	sadd.s32 s16, s9  }
0x1f: {  	[sflag:s11] =	ssyncadd.s32 $0xFFFFC000;
	s16 =	smov.u32 s17;
	s19 =	sadd.s32 $0x20, s17  }
0x20: {  	[tilespmem:s3], [sflag:$0x2] =	stream.linear.gather [hbm4b:s18+s3], $0x100, $0x38;
	[tilespmem:$0x17D00] =	vst v63  }
0x21: {  	p0 =	sne.s32 s17, $0x1380;
	_ =	swait.ge [sflag:s11], $0x100  }
0x22: {  	[sflag:s11] =	ssyncset.done $0x0  }
0x23: {  	[sflag:s11] =	ssyncadd.s32 $0xFFFFFF00  }
0x24: {  	[tilespmem:s13], [sflag:$0x1] =	stream.indirect.gather [hbm4b:s4+s12], $0x80, s3, s12, $0xb8;
	[tilespmem:$0x17D00] =	vst v63  }
0x25: {  	_ =	swait.ge [sflag:s14], $0x4000  }
.Ltmp0:
0x26: {  	[sflag:s14] =	ssyncset.done $0x0;
	(pc) =	sbr.rel @p0 .LBB2_2-.Ltmp0, $4  }
0x27: {  	[sflag:s14] =	ssyncadd.s32 $0xFFFFC000  }
0x28: {  	[spmem:s2] =	stream.indirect.scatter.add.f32 [tilespmem:s13], [sflag:$0x2], $0x80, s12, s12, $0xb8;
	[tilespmem:$0x17D00] =	vst v63  }
0x29: {  	_ =	swait.ge [sflag:s11], $0x4000  }
0x2a: {  	s17 =	smov.u32 s19;
	[sflag:s11] =	ssyncset.done $0x0  }
0x2b: {  	s16 =	sadd.s32 s16, s9;
	[sflag:s11] =	ssyncadd.s32 $0xFFFFC000  }
0x2c: {  	[tilespmem:s3], [sflag:$0x2] =	stream.linear.gather [hbm4b:s16+s3], $0x100, $0x38;
	[tilespmem:$0x17D00] =	vst v63  }
0x2d: {  	_ =	swait.ge [sflag:s11], $0x100  }
0x2e: {  	[sflag:s11] =	ssyncset.done $0x0  }
0x2f: {  	[sflag:s11] =	ssyncadd.s32 $0xFFFFFF00  }
0x30: {  	[tilespmem:s13], [sflag:$0x1] =	stream.indirect.gather [hbm4b:s4+s12], $0x80, s3, s12, $0xb8;
	[tilespmem:$0x17D00] =	vst v63  }
0x31: {  	_ =	swait.ge [sflag:s14], $0x4000  }
0x32: {  	[sflag:s14] =	ssyncset.done $0x0  }
0x33: {  	[sflag:s14] =	ssyncadd.s32 $0xFFFFC000  }
0x34: {  	[spmem:s2] =	stream.indirect.scatter.add.f32 [tilespmem:s13], [sflag:$0x2], $0x80, s12, s12, $0xb8;
	[tilespmem:$0x17D00] =	vst v63  }
0x35: {  	_ =	swait.ge [sflag:s11], $0x4000  }
0x36: {  	s15 =	sadd.s32 $0x1, s15;
	[sflag:s11] =	ssyncset.done $0x0  }
0x37: {  	p0 =	sne.s32 s15, s8;
	[sflag:s11] =	ssyncadd.s32 $0xFFFFC000  }
.Ltmp1:
0x38: {  	[bflag:$0x0] =	sbarrier.arrive $0xFFFF;
	(pc) =	sbr.rel @p0 .LBB2_1-.Ltmp1, $4  }
0x39: {  	[hbm:s7], [sflag:s6] =	dma.local [spmem:s10], $0x2780  }
0x3a: {  	_ =	swait.ge [sflag:s11], $0x2780  }
0x3b: {  	[sflag:s11] =	ssyncset.done $0x0  }
0x3c: {  	[sflag:s11] =	ssyncadd.s32 $0xFFFFD880  }
0x3d: {  	_ =	sfence.sel $0x180000  }
0x3e: {  	[bflag:$0x0] =	sbarrier.arrive $0xFFFF  }
0x3f: {  	p0 =	sne.s32 s0, $0x0;
	_ =	strace $0x9000004D  }
0x40: {  	s0 =	sadd.s32 @!p0 $0x100000, s1;
	[bflag:$0x2] =	sbarrier.arrive $0xFFFF  }
0x41: {  	[sflag:s0] =	ssyncadd.tile.s32 @!p0 $0x1;
	_ =	shalt  }
.Lfunc_end2:
_tile_overlayer_lowered:
.L_overlay_start_2:
0x42: {  	(tag) =	ssettag $0x2  }
0x43: {  	s0 =	rddreg [dreg:$0x0];
	s2 =	stileid.u32  }
0x44: {  	s1 =	rddreg [dreg:$0x1];
	p0 =	sne.s32 s2, $0x0  }
0x45: {  	s3 =	rddreg [dreg:$0x2];
	[bflag:$0x3] =	sbarrier.arrive $0xFFFF;
	s2 =	simm.s32 @!p0 $0x1C02  }
0x46: {  	[timem:s3], [sflag:s2] =	dma.local @!p0 [hbm:s0], s1  }
0x47: {  	s0 =	simm.s32 @!p0 $0x2  }
0x48: {  	_ =	swait.ge @!p0 [sflag:s0], s1  }
0x49: {  	s1 =	ssub.s32 @!p0 $0x0, s1;
	[sflag:s0] =	ssyncset.done @!p0 $0x0  }
0x4a: {  	[sflag:s0] =	ssyncadd.s32 @!p0 s1  }
0x4b: {  	[bflag:$0x3] =	sbarrier.arrive $0xFFFF  }
0x4c: {  	_ =	shalt  }

// kernel: kernel.31.cloned.1.call-start
scs
__scs_entry_jumppad:
0x0: {  	(pc) =	sbr.rel $0x88, $3  }
0x1: {  	(tag) =	ssettag $0x0;
	lr =	simm.s32 $0x1  }
0x2: {  	[smem:$0x3F87] =	sst lr;
	_ =	strace $0xD0000000  }
0x3: {  	_ = 	snop  }
0x4: {  	_ = 	snop  }
0x5: {  	_ = 	snop  }
0x6: {  	_ = 	snop  }
0x7: {  	_ = 	snop  }
__scs_overlays_trampoline_lowered:
0x8: {  	[smem:$0x3F96] =	sst s0  }
0x9: {  	[smem:$0x3F97] =	sst s1  }
0xa: {  	[smem:$0x3F98] =	sst s2  }
0xb: {  	[smem:$0x3F99] =	sst s3  }
0xc: {  	[smem:$0x3F9A] =	sst s4  }
0xd: {  	[smem:$0x3F9B] =	sst s5  }
0xe: {  	[smem:$0x3F9C] =	sst s6  }
0xf: {  	[smem:$0x3F9D] =	sst s7  }
0x10: {  	[smem:$0x3F9E] =	sst s8  }
0x11: {  	[smem:$0x3F9F] =	sst s9;
	s0 =	simm.s32 @!p0 $0x0  }
0x12: {  	s1 =	sld [smem:$0x3F85];
	s0 =	simm.s32 @p0 $0x1  }
0x13: {  	[smem:$0x3FA0] =	sst s0;
	s0 =	simm.s32 @!p1 $0x0  }
0x14: {  	s2 =	sld [smem:$0x3F84];
	s0 =	simm.s32 @p1 $0x1  }
0x15: {  	[smem:$0x3FA1] =	sst s0;
	s0 =	simm.s32 @!p2 $0x0  }
0x16: {  	s3 =	sld [smem:$0x3FDB];
	s0 =	simm.s32 @p2 $0x1  }
0x17: {  	s4 =	simm.s32 $0x1BF5;
	[smem:$0x3FA3] =	sst s0  }
0x18: {  	s0 =	sld [smem:$0x3F86];
	_ =	swait.ge [sflag:s4], $0x0  }
0x19: {  	s7 =	sld [smem:$0x3F87]  }
0x1a: {  	s8 =	sadd.s32 $0xFFFFE003, lr  }
0x1b: {  	s9 =	sadd.s32 $0xFFFFFEF7, lr;
	s5 =	simm.s32 $0xFFFFFFFF;
	p2 =	slt.u32 s8, $0xFFFFF086  }
0x1c: {  	p1 =	slt.u32 s9, $0xF7A;
	s5 =	simm.s32 @!p2 $0x0  }
0x1d: {  	s5 =	simm.s32 @p1 $0x1;
	p0 =	seq.s32 s7, s2  }
0x1e: {  	s7 =	smul.u32 @!p0 $0xF7A, s2;
	p2 =	seq.s32 @!p0 s5, $0x0  }
0x1f: {  	s9 =	smul.u32 $0xF7A, s1;
	s8 =	simm.s32 @!p0 $0x1BF5;
	p2 =	por !p2, p0  }
0x20: {  	[sflag:s8] =	ssyncset.s32 @!p0 $0xFFFFF086;
	s6 =	sadd.s32 @!p0 s3, s7;
	s7 =	simm.s32 @!p0 $0x108  }
0x21: {  	s3 =	sadd.s32 s3, s9;
	s6 =	sadd.s32 @!p0 $0x88, s6;
	s7 =	simm.s32 @p2 $0x1082  }
0x22: {  	[simem:s7], [sflag:s8] =	dma.local @!p0 [hbm:s6], $0xF7A  }
0x23: {  	s9 =	sor.u32 $0xD0000000, s2;
	s6 =	simm.s32 $0x108;
	_ =	swait.ge @!p0 [sflag:s8], $0x0  }
0x24: {  	s3 =	sadd.s32 $0x88, s3;
	s6 =	simm.s32 @!p1 $0x1082;
	[sflag:s4] =	ssyncset.s32 $0xFFFFF086  }
0x25: {  	[simem:s6], [sflag:s4] =	dma.local [hbm:s3], $0xF7A  }
0x26: {  	[smem:$0x3F87] =	sst s1;
	(tag) =	ssettag s2;
	_ =	strace s9  }
0x27: {  	s1 =	sld [smem:$0x3F97]  }
0x28: {  	s2 =	sld [smem:$0x3F98]  }
0x29: {  	s4 =	sld [smem:$0x3F9A]  }
0x2a: {  	p0 =	seq.s32 s5, $0x0;
	s5 =	sld [smem:$0x3F9B]  }
0x2b: {  	s6 =	sld [smem:$0x3F9C]  }
0x2c: {  	s7 =	sld [smem:$0x3F9D]  }
0x2d: {  	s3 =	simm.s32 $0x108;
	s8 =	sld [smem:$0x3F9E]  }
0x2e: {  	s3 =	simm.s32 @!p0 $0x1082;
	s9 =	sld [smem:$0x3F9F]  }
0x2f: {  	lr =	sadd.s32 s0, s3;
	s0 =	sld [smem:$0x3F96]  }
0x30: {  	s3 =	sld [smem:$0x3F99]  }
0x31: {  	[smem:$0x3FA2] =	sst s10  }
0x32: {  	s10 =	sld [smem:$0x3FA0];
	_ =	sdelay $0x3  }
0x33: {  	p0 =	seq.s32 s10, $0x1;
	s10 =	sld [smem:$0x3FA2];
	_ =	sdelay $0x3  }
0x34: {  	[smem:$0x3FA2] =	sst s10  }
0x35: {  	s10 =	sld [smem:$0x3FA1];
	_ =	sdelay $0x3  }
0x36: {  	p1 =	seq.s32 s10, $0x1;
	s10 =	sld [smem:$0x3FA2];
	_ =	sdelay $0x3  }
0x37: {  	[smem:$0x3FA2] =	sst s10  }
0x38: {  	s10 =	sld [smem:$0x3FA3]  }
0x39: {  	_ = 	snop;
	(pc) =	sbr.ind lr, $3  }
0x3a: {  	_ = 	snop  }
0x3b: {  	_ = 	snop  }
0x3c: {  	p2 =	seq.s32 s10, $0x1;
	s10 =	sld [smem:$0x3FA2]  }
0x3d: {  	_ =	shalt  }
0x3e: {  	_ =	shalt  }
0x3f: {  	_ =	shalt  }
0x40: {  	_ =	shalt  }
0x41: {  	_ =	shalt  }
0x42: {  	_ =	shalt  }
0x43: {  	_ =	shalt  }
0x44: {  	_ =	shalt  }
0x45: {  	_ =	shalt  }
0x46: {  	_ =	shalt  }
0x47: {  	_ =	shalt  }
0x48: {  	_ =	shalt  }
0x49: {  	_ =	shalt  }
0x4a: {  	_ =	shalt  }
0x4b: {  	_ =	shalt  }
0x4c: {  	_ =	shalt  }
0x4d: {  	_ =	shalt  }
0x4e: {  	_ =	shalt  }
0x4f: {  	_ =	shalt  }
0x50: {  	_ =	shalt  }
0x51: {  	_ =	shalt  }
0x52: {  	_ =	shalt  }
0x53: {  	_ =	shalt  }
0x54: {  	_ =	shalt  }
0x55: {  	_ =	shalt  }
0x56: {  	_ =	shalt  }
0x57: {  	_ =	shalt  }
0x58: {  	_ =	shalt  }
0x59: {  	_ =	shalt  }
0x5a: {  	_ =	shalt  }
0x5b: {  	_ =	shalt  }
0x5c: {  	_ =	shalt  }
0x5d: {  	_ =	shalt  }
0x5e: {  	_ =	shalt  }
0x5f: {  	_ =	shalt  }
0x60: {  	_ =	shalt  }
0x61: {  	_ =	shalt  }
0x62: {  	_ =	shalt  }
0x63: {  	_ =	shalt  }
0x64: {  	_ =	shalt  }
0x65: {  	_ =	shalt  }
0x66: {  	_ =	shalt  }
0x67: {  	_ =	shalt  }
0x68: {  	_ =	shalt  }
0x69: {  	_ =	shalt  }
0x6a: {  	_ =	shalt  }
0x6b: {  	_ =	shalt  }
0x6c: {  	_ =	shalt  }
0x6d: {  	_ =	shalt  }
0x6e: {  	_ =	shalt  }
0x6f: {  	_ =	shalt  }
0x70: {  	_ =	shalt  }
0x71: {  	_ =	shalt  }
0x72: {  	_ =	shalt  }
0x73: {  	_ =	shalt  }
0x74: {  	_ =	shalt  }
0x75: {  	_ =	shalt  }
0x76: {  	_ =	shalt  }
0x77: {  	_ =	shalt  }
0x78: {  	_ =	shalt  }
0x79: {  	_ =	shalt  }
0x7a: {  	_ =	shalt  }
0x7b: {  	_ =	shalt  }
0x7c: {  	_ =	shalt  }
0x7d: {  	_ =	shalt  }
0x7e: {  	_ =	shalt  }
0x7f: {  	_ =	shalt  }
0x80: {  	_ =	shalt  }
0x81: {  	_ =	shalt  }
0x82: {  	_ =	shalt  }
0x83: {  	_ =	shalt  }
0x84: {  	_ =	shalt  }
0x85: {  	_ =	shalt  }
0x86: {  	_ =	shalt  }
0x87: {  	_ =	shalt  }
.Lfunc_end0:
.L_simem_size_0:
called_computation.3_lowered:
.L_overlay_start_0:
0x88: {  	s2 =	sld [smem:$0x3FD9]  }
0x89: {  	s3 =	sld [smem:$0x3FFE];
	_ =	sdelay $0x1  }
0x8a: {  	s1 =	srdreg.scid  }
0x8b: {  	s0 =	sand.u32 $0x1, s1  }
0x8c: {  	s16 =	sshll.u32 s0, $0xA;
	s2 =	sadd.s32 s3, s2  }
0x8d: {  	s2 =	sadd.s32 s2, s16  }
0x8e: {  	[smem:$0x3FAE] =	sst s2  }
0x8f: {  	_ = 	snop  }
0x90: {  	(tm) =	ssettm $0x1  }
0x91: {  	s17 =	sld [smem:$0x3FFB];
	_ =	sdelay $0x3  }
0x92: {  	_ =	strace s17  }
0x93: {  	s2 =	sld [smem:$0x3FFC];
	_ =	sdelay $0x3  }
0x94: {  	_ =	strace s2  }
0x95: {  	s2 =	sld [smem:$0x3FFD];
	_ =	sdelay $0x3  }
0x96: {  	_ =	strace s2  }
0x97: {  	_ =	strace $0x8FFFFFFF  }
0x98: {  	s18 =	sld [smem:$0x3FDB];
	_ =	sdelay $0x1  }
0x99: {  	s19 =	simm.s32 $_scs_section_size  }
0x9a: {  	s4 =	simm.s32 $_size__tile_overlayer_lowered;
	s5 =	simm.s32 $_tile_overlayer_lowered  }
0x9b: {  	s22 =	simm.s32 $0x1BFF;
	s21 =	sshll.u32 s5, $0x1;
	s2 =	sadd.s32 s19, s18  }
0x9c: {  	s6 =	simm.s32 $0x0;
	s20 =	sshll.u32 s4, $0x1;
	s4 =	sadd.s32 s21, s2  }
0x9d: {  	[timem:s6], [sflag:s22] =	dma.local [hbm:s4], s20  }
0x9e: {  	_ =	swait.ge [sflag:s22], s20  }
0x9f: {  	s3 =	ssub.s32 $0x0, s20;
	[sflag:s22] =	ssyncset.done $0x0  }
0xa0: {  	[sflag:s22] =	ssyncadd.s32 s3;
	_ =	sdelay $0x1  }
0xa1: {  	s23 =	simm.s32 $0x1B8B  }
0xa2: {  	_ =	swait.ge [sflag:s23], $0x1  }
0xa3: {  	[sflag:s23] =	ssyncset.done $0x0  }
0xa4: {  	s25 =	simm.s32 $0x1B8E;
	s24 =	sld [smem:$0x3FFE];
	[sflag:s23] =	ssyncadd.s32 $0xFFFFFFFF  }
0xa5: {  	s26 =	simm.s32 $execute0_lowered;
	[smem:$0x3FD2] =	sst s25  }
0xa6: {  	s4 =	sshll.u32 s26, $0x1;
	_ =	strace $0x8000004F;
	[dreg:$0x1] =	wrdreg $0xFFFFFFFF  }
0xa7: {  	s28 =	simm.s32 $_size_execute0_lowered;
	s2 =	sadd.s32 s2, s4;
	[dreg:$0x0] =	wrdreg $0x0  }
0xa8: {  	s4 =	sshll.u32 s28, $0x1;
	[dreg:$0x2] =	wrdreg s2  }
0xa9: {  	[dreg:$0x3] =	wrdreg s4  }
0xaa: {  	[dreg:$0x4] =	wrdreg $0xC0  }
0xab: {  	_ =	task [dreg:s6], $0x5FFFF  }
0xac: {  	[dreg:$0x1] =	wrdreg $0xFFFFFFFF  }
0xad: {  	[dreg:$0x0] =	wrdreg $0x60  }
0xae: {  	[dreg:$0x2] =	wrdreg s24  }
0xaf: {  	[dreg:$0x3] =	wrdreg $0x41000  }
0xb0: {  	[dreg:$0x4] =	wrdreg $0x9  }
0xb1: {  	_ =	task.clear_ibuf [dreg:s6], $0x5FFFF;
	_ =	strace $0x9000004F  }
0xb2: {  	s29 =	simm.s32 $0x9;
	_ =	strace $0x80000051  }
0xb3: {  	_ =	swait.ge [sflag:s29], $0x1  }
0xb4: {  	[sflag:s29] =	ssyncadd.s32 $0xFFFFFFFF  }
0xb5: {  	_ =	strace $0x90000051  }
0xb6: {  	_ =	sfence  }
0xb7: {  	s30 =	sld [smem:$0x0];
	_ =	sdelay $0x2  }
0xb8: {  	s31 =	sshll.u32 s1, $0xD;
	s1 =	sshrl.u32 s1, $0x2  }
0xb9: {  	s3 =	sand.u32 $0x4000, s31;
	s1 =	sadd.s32 s1, s30  }
0xba: {  	s0 =	sor.u32 s3, s0;
	s1 =	sshll.u32 s1, $0x11  }
0xbb: {  	s0 =	sor.u32 s1, s0  }
0xbc: {  	s0 =	sadd.s32 $0x8F2B, s0  }
0xbd: {  	[sflag:s0] =	ssyncadd.remote.s32 $0x1  }
0xbe: {  	_ =	sfence.sel $0xFFFF  }
0xbf: {  	[dreg:$0x0] =	wrdreg $0xFFFFFFFF;
	(pc) =	sbr.abs _section_cstart, $3  }
0xc0: {  	[dreg:$0x1] =	wrdreg $0xFFFFFFFF  }
0xc1: {  	_ =	task.clear_ibuf [dreg:s6], $0x2FFFF;
	_ =	strace $0x9FFFFFFF  }
0xc2: {  	(tm) =	ssettm $0x7FFFFFFF  }
0xc3: {  	_ =	shalt  }
tec
execute0_lowered:
.L_overlay_start_1:
0x0: {  	(tag) =	ssettag $0x1  }
0x1: {  	s1 =	srdreg.scid;
	s0 =	stileid.u32  }
0x2: {  	s6 =	rddreg [dreg:$0x0];
	s4 =	smul.u32 $0x13A00, s0  }
0x3: {  	s2 =	rddreg [dreg:$0x1];
	s3 =	simm.s32 $0x0;
	s8 =	smul.u32 $0x2780, s0  }
0x4: {  	s14 =	simm.s32 $0x1;
	s7 =	sand.u32 $0x1, s1;
	s30 =	smul.u32 $0x4F000, s0  }
0x5: {  	s15 =	simm.s32 $0x0;
	s1 =	rddreg [dreg:$0x2];
	s5 =	smul.u32 $0x9D00, s7  }
0x6: {  	[smem:$0x7FF] =	sst s3;
	s9 =	smul.u32 $0x27800, s7;
	s31 =	ssub.s32 $0x2, s7  }
0x7: {  	s11 =	sshll.u32 s0, $0x6;
	_ =	strace $0x80000050;
	s7 =	sshrl.u32 s31, $0x1  }
0x8: {  	s5 =	sadd.s32 s5, s4;
	s4 =	sadd.s32 $0x5C400, s6;
	s8 =	sadd.s32 s8, s9  }
0x9: {  	s9 =	sshrl.u32 s30, $0x2;
	s12 =	ssub.s32 s31, s7;
	s5 =	sshrl.u32 s5, $0x3  }
0xa: {  	s8 =	sadd.s32 s8, s6;
	s13 =	sadd.s32 s9, s2;
	s10 =	sadd.s32 s5, s6  }
0xb: {  	s5 =	sadd.s32 $0x2BC00, s6;
	s6 =	sor.u32 $0x1C02, s11;
	s7 =	sadd.s32 $0x146A00, s8  }
0xc: {  	s8 =	smax.u32 s12, $0x1;
	s11 =	simm.s32 $0x2;
	s12 =	simm.s32 $0x80  }
0xd: {  	s9 =	sadd.s32 $0x35000, s10;
	s10 =	sshrl.u32 s13, $0x3;
	s13 =	simm.s32 $0x100  }
.LBB2_1:
0xe: {  	[spmem:s10], [sflag:s6] =	dma.local [hbm:s5], $0x2780  }
0xf: {  	_ =	swait.ge [sflag:s11], $0x2780  }
0x10: {  	[sflag:s11] =	ssyncset.done $0x0  }
0x11: {  	[sflag:s11] =	ssyncadd.s32 $0xFFFFD880  }
0x12: {  	s16 =	sadd.s32 $0x0, s9;
	[bflag:$0x0] =	sbarrier.arrive $0xFFFF  }
0x13: {  	[tilespmem:s3], [sflag:$0x2] =	stream.linear.gather [hbm4b:s16+s3], $0x100, $0x38;
	[tilespmem:$0x17D00] =	vst v63  }
0x14: {  	_ =	swait.ge [sflag:s11], $0x100  }
0x15: {  	[sflag:s11] =	ssyncset.done $0x0  }
0x16: {  	[sflag:s11] =	ssyncadd.s32 $0xFFFFFF00  }
0x17: {  	[tilespmem:s13], [sflag:$0x1] =	stream.indirect.gather [hbm4b:s4+s12], $0x80, s3, s12, $0xb8;
	[tilespmem:$0x17D00] =	vst v63  }
0x18: {  	_ =	swait.ge [sflag:s14], $0x4000  }
0x19: {  	[sflag:s14] =	ssyncset.done $0x0  }
0x1a: {  	[sflag:s14] =	ssyncadd.s32 $0xFFFFC000  }
0x1b: {  	[spmem:s2] =	stream.indirect.scatter.add.f32 [tilespmem:s13], [sflag:$0x2], $0x80, s12, s12, $0xb8;
	[tilespmem:$0x17D00] =	vst v63  }
0x1c: {  	_ =	swait.ge [sflag:s11], $0x4000  }
0x1d: {  	s17 =	simm.s32 $0x40;
	s16 =	simm.s32 $0x20;
	[sflag:s11] =	ssyncset.done $0x0  }
.LBB2_2:
0x1e: {  	s18 =	sadd.s32 s16, s9  }
0x1f: {  	[sflag:s11] =	ssyncadd.s32 $0xFFFFC000;
	s16 =	smov.u32 s17;
	s19 =	sadd.s32 $0x20, s17  }
0x20: {  	[tilespmem:s3], [sflag:$0x2] =	stream.linear.gather [hbm4b:s18+s3], $0x100, $0x38;
	[tilespmem:$0x17D00] =	vst v63  }
0x21: {  	p0 =	sne.s32 s17, $0x1380;
	_ =	swait.ge [sflag:s11], $0x100  }
0x22: {  	[sflag:s11] =	ssyncset.done $0x0  }
0x23: {  	[sflag:s11] =	ssyncadd.s32 $0xFFFFFF00  }
0x24: {  	[tilespmem:s13], [sflag:$0x1] =	stream.indirect.gather [hbm4b:s4+s12], $0x80, s3, s12, $0xb8;
	[tilespmem:$0x17D00] =	vst v63  }
0x25: {  	_ =	swait.ge [sflag:s14], $0x4000  }
.Ltmp0:
0x26: {  	[sflag:s14] =	ssyncset.done $0x0;
	(pc) =	sbr.rel @p0 .LBB2_2-.Ltmp0, $4  }
0x27: {  	[sflag:s14] =	ssyncadd.s32 $0xFFFFC000  }
0x28: {  	[spmem:s2] =	stream.indirect.scatter.add.f32 [tilespmem:s13], [sflag:$0x2], $0x80, s12, s12, $0xb8;
	[tilespmem:$0x17D00] =	vst v63  }
0x29: {  	_ =	swait.ge [sflag:s11], $0x4000  }
0x2a: {  	s17 =	smov.u32 s19;
	[sflag:s11] =	ssyncset.done $0x0  }
0x2b: {  	s16 =	sadd.s32 s16, s9;
	[sflag:s11] =	ssyncadd.s32 $0xFFFFC000  }
0x2c: {  	[tilespmem:s3], [sflag:$0x2] =	stream.linear.gather [hbm4b:s16+s3], $0x100, $0x38;
	[tilespmem:$0x17D00] =	vst v63  }
0x2d: {  	_ =	swait.ge [sflag:s11], $0x100  }
0x2e: {  	[sflag:s11] =	ssyncset.done $0x0  }
0x2f: {  	[sflag:s11] =	ssyncadd.s32 $0xFFFFFF00  }
0x30: {  	[tilespmem:s13], [sflag:$0x1] =	stream.indirect.gather [hbm4b:s4+s12], $0x80, s3, s12, $0xb8;
	[tilespmem:$0x17D00] =	vst v63  }
0x31: {  	_ =	swait.ge [sflag:s14], $0x4000  }
0x32: {  	[sflag:s14] =	ssyncset.done $0x0  }
0x33: {  	[sflag:s14] =	ssyncadd.s32 $0xFFFFC000  }
0x34: {  	[spmem:s2] =	stream.indirect.scatter.add.f32 [tilespmem:s13], [sflag:$0x2], $0x80, s12, s12, $0xb8;
	[tilespmem:$0x17D00] =	vst v63  }
0x35: {  	_ =	swait.ge [sflag:s11], $0x4000  }
0x36: {  	s15 =	sadd.s32 $0x1, s15;
	[sflag:s11] =	ssyncset.done $0x0  }
0x37: {  	p0 =	sne.s32 s15, s8;
	[sflag:s11] =	ssyncadd.s32 $0xFFFFC000  }
.Ltmp1:
0x38: {  	[bflag:$0x0] =	sbarrier.arrive $0xFFFF;
	(pc) =	sbr.rel @p0 .LBB2_1-.Ltmp1, $4  }
0x39: {  	[hbm:s7], [sflag:s6] =	dma.local [spmem:s10], $0x2780  }
0x3a: {  	_ =	swait.ge [sflag:s11], $0x2780  }
0x3b: {  	[sflag:s11] =	ssyncset.done $0x0  }
0x3c: {  	[sflag:s11] =	ssyncadd.s32 $0xFFFFD880  }
0x3d: {  	_ =	sfence.sel $0x180000  }
0x3e: {  	[bflag:$0x0] =	sbarrier.arrive $0xFFFF  }
0x3f: {  	p0 =	sne.s32 s0, $0x0;
	_ =	strace $0x90000050  }
0x40: {  	s0 =	sadd.s32 @!p0 $0x100000, s1;
	[bflag:$0x2] =	sbarrier.arrive $0xFFFF  }
0x41: {  	[sflag:s0] =	ssyncadd.tile.s32 @!p0 $0x1;
	_ =	shalt  }
.Lfunc_end2:
_tile_overlayer_lowered:
.L_overlay_start_2:
0x42: {  	(tag) =	ssettag $0x2  }
0x43: {  	s0 =	rddreg [dreg:$0x0];
	s2 =	stileid.u32  }
0x44: {  	s1 =	rddreg [dreg:$0x1];
	p0 =	sne.s32 s2, $0x0  }
0x45: {  	s3 =	rddreg [dreg:$0x2];
	[bflag:$0x3] =	sbarrier.arrive $0xFFFF;
	s2 =	simm.s32 @!p0 $0x1C02  }
0x46: {  	[timem:s3], [sflag:s2] =	dma.local @!p0 [hbm:s0], s1  }
0x47: {  	s0 =	simm.s32 @!p0 $0x2  }
0x48: {  	_ =	swait.ge @!p0 [sflag:s0], s1  }
0x49: {  	s1 =	ssub.s32 @!p0 $0x0, s1;
	[sflag:s0] =	ssyncset.done @!p0 $0x0  }
0x4a: {  	[sflag:s0] =	ssyncadd.s32 @!p0 s1  }
0x4b: {  	[bflag:$0x3] =	sbarrier.arrive $0xFFFF  }
0x4c: {  	_ =	shalt  }

// kernel: kernel.34.cloned.1.call-start
scs
__scs_entry_jumppad:
0x0: {  	(pc) =	sbr.rel $0x88, $3  }
0x1: {  	(tag) =	ssettag $0x0;
	lr =	simm.s32 $0x1  }
0x2: {  	[smem:$0x3F87] =	sst lr;
	_ =	strace $0xD0000000  }
0x3: {  	_ = 	snop  }
0x4: {  	_ = 	snop  }
0x5: {  	_ = 	snop  }
0x6: {  	_ = 	snop  }
0x7: {  	_ = 	snop  }
__scs_overlays_trampoline_lowered:
0x8: {  	[smem:$0x3F96] =	sst s0  }
0x9: {  	[smem:$0x3F97] =	sst s1  }
0xa: {  	[smem:$0x3F98] =	sst s2  }
0xb: {  	[smem:$0x3F99] =	sst s3  }
0xc: {  	[smem:$0x3F9A] =	sst s4  }
0xd: {  	[smem:$0x3F9B] =	sst s5  }
0xe: {  	[smem:$0x3F9C] =	sst s6  }
0xf: {  	[smem:$0x3F9D] =	sst s7  }
0x10: {  	[smem:$0x3F9E] =	sst s8  }
0x11: {  	[smem:$0x3F9F] =	sst s9;
	s0 =	simm.s32 @!p0 $0x0  }
0x12: {  	s1 =	sld [smem:$0x3F85];
	s0 =	simm.s32 @p0 $0x1  }
0x13: {  	[smem:$0x3FA0] =	sst s0;
	s0 =	simm.s32 @!p1 $0x0  }
0x14: {  	s2 =	sld [smem:$0x3F84];
	s0 =	simm.s32 @p1 $0x1  }
0x15: {  	[smem:$0x3FA1] =	sst s0;
	s0 =	simm.s32 @!p2 $0x0  }
0x16: {  	s3 =	sld [smem:$0x3FDB];
	s0 =	simm.s32 @p2 $0x1  }
0x17: {  	s4 =	simm.s32 $0x1BF5;
	[smem:$0x3FA3] =	sst s0  }
0x18: {  	s0 =	sld [smem:$0x3F86];
	_ =	swait.ge [sflag:s4], $0x0  }
0x19: {  	s7 =	sld [smem:$0x3F87]  }
0x1a: {  	s8 =	sadd.s32 $0xFFFFE003, lr  }
0x1b: {  	s9 =	sadd.s32 $0xFFFFFEF7, lr;
	s5 =	simm.s32 $0xFFFFFFFF;
	p2 =	slt.u32 s8, $0xFFFFF086  }
0x1c: {  	p1 =	slt.u32 s9, $0xF7A;
	s5 =	simm.s32 @!p2 $0x0  }
0x1d: {  	s5 =	simm.s32 @p1 $0x1;
	p0 =	seq.s32 s7, s2  }
0x1e: {  	s7 =	smul.u32 @!p0 $0xF7A, s2;
	p2 =	seq.s32 @!p0 s5, $0x0  }
0x1f: {  	s9 =	smul.u32 $0xF7A, s1;
	s8 =	simm.s32 @!p0 $0x1BF5;
	p2 =	por !p2, p0  }
0x20: {  	[sflag:s8] =	ssyncset.s32 @!p0 $0xFFFFF086;
	s6 =	sadd.s32 @!p0 s3, s7;
	s7 =	simm.s32 @!p0 $0x108  }
0x21: {  	s3 =	sadd.s32 s3, s9;
	s6 =	sadd.s32 @!p0 $0x88, s6;
	s7 =	simm.s32 @p2 $0x1082  }
0x22: {  	[simem:s7], [sflag:s8] =	dma.local @!p0 [hbm:s6], $0xF7A  }
0x23: {  	s9 =	sor.u32 $0xD0000000, s2;
	s6 =	simm.s32 $0x108;
	_ =	swait.ge @!p0 [sflag:s8], $0x0  }
0x24: {  	s3 =	sadd.s32 $0x88, s3;
	s6 =	simm.s32 @!p1 $0x1082;
	[sflag:s4] =	ssyncset.s32 $0xFFFFF086  }
0x25: {  	[simem:s6], [sflag:s4] =	dma.local [hbm:s3], $0xF7A  }
0x26: {  	[smem:$0x3F87] =	sst s1;
	(tag) =	ssettag s2;
	_ =	strace s9  }
0x27: {  	s1 =	sld [smem:$0x3F97]  }
0x28: {  	s2 =	sld [smem:$0x3F98]  }
0x29: {  	s4 =	sld [smem:$0x3F9A]  }
0x2a: {  	p0 =	seq.s32 s5, $0x0;
	s5 =	sld [smem:$0x3F9B]  }
0x2b: {  	s6 =	sld [smem:$0x3F9C]  }
0x2c: {  	s7 =	sld [smem:$0x3F9D]  }
0x2d: {  	s3 =	simm.s32 $0x108;
	s8 =	sld [smem:$0x3F9E]  }
0x2e: {  	s3 =	simm.s32 @!p0 $0x1082;
	s9 =	sld [smem:$0x3F9F]  }
0x2f: {  	lr =	sadd.s32 s0, s3;
	s0 =	sld [smem:$0x3F96]  }
0x30: {  	s3 =	sld [smem:$0x3F99]  }
0x31: {  	[smem:$0x3FA2] =	sst s10  }
0x32: {  	s10 =	sld [smem:$0x3FA0];
	_ =	sdelay $0x3  }
0x33: {  	p0 =	seq.s32 s10, $0x1;
	s10 =	sld [smem:$0x3FA2];
	_ =	sdelay $0x3  }
0x34: {  	[smem:$0x3FA2] =	sst s10  }
0x35: {  	s10 =	sld [smem:$0x3FA1];
	_ =	sdelay $0x3  }
0x36: {  	p1 =	seq.s32 s10, $0x1;
	s10 =	sld [smem:$0x3FA2];
	_ =	sdelay $0x3  }
0x37: {  	[smem:$0x3FA2] =	sst s10  }
0x38: {  	s10 =	sld [smem:$0x3FA3]  }
0x39: {  	_ = 	snop;
	(pc) =	sbr.ind lr, $3  }
0x3a: {  	_ = 	snop  }
0x3b: {  	_ = 	snop  }
0x3c: {  	p2 =	seq.s32 s10, $0x1;
	s10 =	sld [smem:$0x3FA2]  }
0x3d: {  	_ =	shalt  }
0x3e: {  	_ =	shalt  }
0x3f: {  	_ =	shalt  }
0x40: {  	_ =	shalt  }
0x41: {  	_ =	shalt  }
0x42: {  	_ =	shalt  }
0x43: {  	_ =	shalt  }
0x44: {  	_ =	shalt  }
0x45: {  	_ =	shalt  }
0x46: {  	_ =	shalt  }
0x47: {  	_ =	shalt  }
0x48: {  	_ =	shalt  }
0x49: {  	_ =	shalt  }
0x4a: {  	_ =	shalt  }
0x4b: {  	_ =	shalt  }
0x4c: {  	_ =	shalt  }
0x4d: {  	_ =	shalt  }
0x4e: {  	_ =	shalt  }
0x4f: {  	_ =	shalt  }
0x50: {  	_ =	shalt  }
0x51: {  	_ =	shalt  }
0x52: {  	_ =	shalt  }
0x53: {  	_ =	shalt  }
0x54: {  	_ =	shalt  }
0x55: {  	_ =	shalt  }
0x56: {  	_ =	shalt  }
0x57: {  	_ =	shalt  }
0x58: {  	_ =	shalt  }
0x59: {  	_ =	shalt  }
0x5a: {  	_ =	shalt  }
0x5b: {  	_ =	shalt  }
0x5c: {  	_ =	shalt  }
0x5d: {  	_ =	shalt  }
0x5e: {  	_ =	shalt  }
0x5f: {  	_ =	shalt  }
0x60: {  	_ =	shalt  }
0x61: {  	_ =	shalt  }
0x62: {  	_ =	shalt  }
0x63: {  	_ =	shalt  }
0x64: {  	_ =	shalt  }
0x65: {  	_ =	shalt  }
0x66: {  	_ =	shalt  }
0x67: {  	_ =	shalt  }
0x68: {  	_ =	shalt  }
0x69: {  	_ =	shalt  }
0x6a: {  	_ =	shalt  }
0x6b: {  	_ =	shalt  }
0x6c: {  	_ =	shalt  }
0x6d: {  	_ =	shalt  }
0x6e: {  	_ =	shalt  }
0x6f: {  	_ =	shalt  }
0x70: {  	_ =	shalt  }
0x71: {  	_ =	shalt  }
0x72: {  	_ =	shalt  }
0x73: {  	_ =	shalt  }
0x74: {  	_ =	shalt  }
0x75: {  	_ =	shalt  }
0x76: {  	_ =	shalt  }
0x77: {  	_ =	shalt  }
0x78: {  	_ =	shalt  }
0x79: {  	_ =	shalt  }
0x7a: {  	_ =	shalt  }
0x7b: {  	_ =	shalt  }
0x7c: {  	_ =	shalt  }
0x7d: {  	_ =	shalt  }
0x7e: {  	_ =	shalt  }
0x7f: {  	_ =	shalt  }
0x80: {  	_ =	shalt  }
0x81: {  	_ =	shalt  }
0x82: {  	_ =	shalt  }
0x83: {  	_ =	shalt  }
0x84: {  	_ =	shalt  }
0x85: {  	_ =	shalt  }
0x86: {  	_ =	shalt  }
0x87: {  	_ =	shalt  }
.Lfunc_end0:
.L_simem_size_0:
called_computation.4_lowered:
.L_overlay_start_0:
0x88: {  	s2 =	sld [smem:$0x3FD9]  }
0x89: {  	s3 =	sld [smem:$0x3FFE];
	_ =	sdelay $0x1  }
0x8a: {  	s1 =	srdreg.scid  }
0x8b: {  	s0 =	sand.u32 $0x1, s1  }
0x8c: {  	s16 =	sshll.u32 s0, $0xA;
	s2 =	sadd.s32 s3, s2  }
0x8d: {  	s2 =	sadd.s32 s2, s16  }
0x8e: {  	[smem:$0x3FAE] =	sst s2  }
0x8f: {  	_ = 	snop  }
0x90: {  	(tm) =	ssettm $0x1  }
0x91: {  	s17 =	sld [smem:$0x3FFB];
	_ =	sdelay $0x3  }
0x92: {  	_ =	strace s17  }
0x93: {  	s2 =	sld [smem:$0x3FFC];
	_ =	sdelay $0x3  }
0x94: {  	_ =	strace s2  }
0x95: {  	s2 =	sld [smem:$0x3FFD];
	_ =	sdelay $0x3  }
0x96: {  	_ =	strace s2  }
0x97: {  	_ =	strace $0x8FFFFFFF  }
0x98: {  	s18 =	sld [smem:$0x3FDB];
	_ =	sdelay $0x1  }
0x99: {  	s19 =	simm.s32 $_scs_section_size  }
0x9a: {  	s4 =	simm.s32 $_size__tile_overlayer_lowered;
	s5 =	simm.s32 $_tile_overlayer_lowered  }
0x9b: {  	s22 =	simm.s32 $0x1BFF;
	s21 =	sshll.u32 s5, $0x1;
	s2 =	sadd.s32 s19, s18  }
0x9c: {  	s6 =	simm.s32 $0x0;
	s20 =	sshll.u32 s4, $0x1;
	s4 =	sadd.s32 s21, s2  }
0x9d: {  	[timem:s6], [sflag:s22] =	dma.local [hbm:s4], s20  }
0x9e: {  	_ =	swait.ge [sflag:s22], s20  }
0x9f: {  	s3 =	ssub.s32 $0x0, s20;
	[sflag:s22] =	ssyncset.done $0x0  }
0xa0: {  	[sflag:s22] =	ssyncadd.s32 s3;
	_ =	sdelay $0x1  }
0xa1: {  	s23 =	simm.s32 $0x1B8B  }
0xa2: {  	_ =	swait.ge [sflag:s23], $0x1  }
0xa3: {  	[sflag:s23] =	ssyncset.done $0x0  }
0xa4: {  	s25 =	simm.s32 $0x1B8E;
	s24 =	sld [smem:$0x3FFE];
	[sflag:s23] =	ssyncadd.s32 $0xFFFFFFFF  }
0xa5: {  	s26 =	simm.s32 $execute0_lowered;
	[smem:$0x3FD2] =	sst s25  }
0xa6: {  	s4 =	sshll.u32 s26, $0x1;
	_ =	strace $0x80000052;
	[dreg:$0x1] =	wrdreg $0xFFFFFFFF  }
0xa7: {  	s28 =	simm.s32 $_size_execute0_lowered;
	s2 =	sadd.s32 s2, s4;
	[dreg:$0x0] =	wrdreg $0x0  }
0xa8: {  	s4 =	sshll.u32 s28, $0x1;
	[dreg:$0x2] =	wrdreg s2  }
0xa9: {  	[dreg:$0x3] =	wrdreg s4  }
0xaa: {  	[dreg:$0x4] =	wrdreg $0xC0  }
0xab: {  	_ =	task [dreg:s6], $0x5FFFF  }
0xac: {  	[dreg:$0x1] =	wrdreg $0xFFFFFFFF  }
0xad: {  	[dreg:$0x0] =	wrdreg $0x60  }
0xae: {  	[dreg:$0x2] =	wrdreg s24  }
0xaf: {  	[dreg:$0x3] =	wrdreg $0x41000  }
0xb0: {  	[dreg:$0x4] =	wrdreg $0x9  }
0xb1: {  	_ =	task.clear_ibuf [dreg:s6], $0x5FFFF;
	_ =	strace $0x90000052  }
0xb2: {  	s29 =	simm.s32 $0x9;
	_ =	strace $0x80000054  }
0xb3: {  	_ =	swait.ge [sflag:s29], $0x1  }
0xb4: {  	[sflag:s29] =	ssyncadd.s32 $0xFFFFFFFF  }
0xb5: {  	_ =	strace $0x90000054  }
0xb6: {  	_ =	sfence  }
0xb7: {  	s30 =	sld [smem:$0x0];
	_ =	sdelay $0x2  }
0xb8: {  	s31 =	sshll.u32 s1, $0xD;
	s1 =	sshrl.u32 s1, $0x2  }
0xb9: {  	s3 =	sand.u32 $0x4000, s31;
	s1 =	sadd.s32 s1, s30  }
0xba: {  	s0 =	sor.u32 s3, s0;
	s1 =	sshll.u32 s1, $0x11  }
0xbb: {  	s0 =	sor.u32 s1, s0  }
0xbc: {  	s0 =	sadd.s32 $0x8F2B, s0  }
0xbd: {  	[sflag:s0] =	ssyncadd.remote.s32 $0x1  }
0xbe: {  	_ =	sfence.sel $0xFFFF  }
0xbf: {  	[dreg:$0x0] =	wrdreg $0xFFFFFFFF;
	(pc) =	sbr.abs _section_cstart, $3  }
0xc0: {  	[dreg:$0x1] =	wrdreg $0xFFFFFFFF  }
0xc1: {  	_ =	task.clear_ibuf [dreg:s6], $0x2FFFF;
	_ =	strace $0x9FFFFFFF  }
0xc2: {  	(tm) =	ssettm $0x7FFFFFFF  }
0xc3: {  	_ =	shalt  }
tec
execute0_lowered:
.L_overlay_start_1:
0x0: {  	(tag) =	ssettag $0x1  }
0x1: {  	s1 =	srdreg.scid;
	s0 =	stileid.u32  }
0x2: {  	s6 =	rddreg [dreg:$0x0];
	s4 =	smul.u32 $0x13A00, s0  }
0x3: {  	s2 =	rddreg [dreg:$0x1];
	s3 =	simm.s32 $0x0;
	s8 =	smul.u32 $0x2780, s0  }
0x4: {  	s14 =	simm.s32 $0x1;
	s7 =	sand.u32 $0x1, s1;
	s30 =	smul.u32 $0x4F000, s0  }
0x5: {  	s15 =	simm.s32 $0x0;
	s1 =	rddreg [dreg:$0x2];
	s5 =	smul.u32 $0x9D00, s7  }
0x6: {  	[smem:$0x7FF] =	sst s3;
	s9 =	smul.u32 $0x27800, s7;
	s31 =	ssub.s32 $0x2, s7  }
0x7: {  	s11 =	sshll.u32 s0, $0x6;
	_ =	strace $0x80000053;
	s7 =	sshrl.u32 s31, $0x1  }
0x8: {  	s5 =	sadd.s32 s5, s4;
	s4 =	sadd.s32 $0x5C400, s6;
	s8 =	sadd.s32 s8, s9  }
0x9: {  	s9 =	sshrl.u32 s30, $0x2;
	s12 =	ssub.s32 s31, s7;
	s5 =	sshrl.u32 s5, $0x3  }
0xa: {  	s8 =	sadd.s32 s8, s6;
	s13 =	sadd.s32 s9, s2;
	s10 =	sadd.s32 s5, s6  }
0xb: {  	s5 =	sadd.s32 $0x2BC00, s6;
	s6 =	sor.u32 $0x1C02, s11;
	s7 =	sadd.s32 $0x146A00, s8  }
0xc: {  	s8 =	smax.u32 s12, $0x1;
	s11 =	simm.s32 $0x2;
	s12 =	simm.s32 $0x80  }
0xd: {  	s9 =	sadd.s32 $0x35000, s10;
	s10 =	sshrl.u32 s13, $0x3;
	s13 =	simm.s32 $0x100  }
.LBB2_1:
0xe: {  	[spmem:s10], [sflag:s6] =	dma.local [hbm:s5], $0x2780  }
0xf: {  	_ =	swait.ge [sflag:s11], $0x2780  }
0x10: {  	[sflag:s11] =	ssyncset.done $0x0  }
0x11: {  	[sflag:s11] =	ssyncadd.s32 $0xFFFFD880  }
0x12: {  	s16 =	sadd.s32 $0x0, s9;
	[bflag:$0x0] =	sbarrier.arrive $0xFFFF  }
0x13: {  	[tilespmem:s3], [sflag:$0x2] =	stream.linear.gather [hbm4b:s16+s3], $0x100, $0x38;
	[tilespmem:$0x17D00] =	vst v63  }
0x14: {  	_ =	swait.ge [sflag:s11], $0x100  }
0x15: {  	[sflag:s11] =	ssyncset.done $0x0  }
0x16: {  	[sflag:s11] =	ssyncadd.s32 $0xFFFFFF00  }
0x17: {  	[tilespmem:s13], [sflag:$0x1] =	stream.indirect.gather [hbm4b:s4+s12], $0x80, s3, s12, $0xb8;
	[tilespmem:$0x17D00] =	vst v63  }
0x18: {  	_ =	swait.ge [sflag:s14], $0x4000  }
0x19: {  	[sflag:s14] =	ssyncset.done $0x0  }
0x1a: {  	[sflag:s14] =	ssyncadd.s32 $0xFFFFC000  }
0x1b: {  	[spmem:s2] =	stream.indirect.scatter.add.f32 [tilespmem:s13], [sflag:$0x2], $0x80, s12, s12, $0xb8;
	[tilespmem:$0x17D00] =	vst v63  }
0x1c: {  	_ =	swait.ge [sflag:s11], $0x4000  }
0x1d: {  	s17 =	simm.s32 $0x40;
	s16 =	simm.s32 $0x20;
	[sflag:s11] =	ssyncset.done $0x0  }
.LBB2_2:
0x1e: {  	s18 =	sadd.s32 s16, s9  }
0x1f: {  	[sflag:s11] =	ssyncadd.s32 $0xFFFFC000;
	s16 =	smov.u32 s17;
	s19 =	sadd.s32 $0x20, s17  }
0x20: {  	[tilespmem:s3], [sflag:$0x2] =	stream.linear.gather [hbm4b:s18+s3], $0x100, $0x38;
	[tilespmem:$0x17D00] =	vst v63  }
0x21: {  	p0 =	sne.s32 s17, $0x1380;
	_ =	swait.ge [sflag:s11], $0x100  }
0x22: {  	[sflag:s11] =	ssyncset.done $0x0  }
0x23: {  	[sflag:s11] =	ssyncadd.s32 $0xFFFFFF00  }
0x24: {  	[tilespmem:s13], [sflag:$0x1] =	stream.indirect.gather [hbm4b:s4+s12], $0x80, s3, s12, $0xb8;
	[tilespmem:$0x17D00] =	vst v63  }
0x25: {  	_ =	swait.ge [sflag:s14], $0x4000  }
.Ltmp0:
0x26: {  	[sflag:s14] =	ssyncset.done $0x0;
	(pc) =	sbr.rel @p0 .LBB2_2-.Ltmp0, $4  }
0x27: {  	[sflag:s14] =	ssyncadd.s32 $0xFFFFC000  }
0x28: {  	[spmem:s2] =	stream.indirect.scatter.add.f32 [tilespmem:s13], [sflag:$0x2], $0x80, s12, s12, $0xb8;
	[tilespmem:$0x17D00] =	vst v63  }
0x29: {  	_ =	swait.ge [sflag:s11], $0x4000  }
0x2a: {  	s17 =	smov.u32 s19;
	[sflag:s11] =	ssyncset.done $0x0  }
0x2b: {  	s16 =	sadd.s32 s16, s9;
	[sflag:s11] =	ssyncadd.s32 $0xFFFFC000  }
0x2c: {  	[tilespmem:s3], [sflag:$0x2] =	stream.linear.gather [hbm4b:s16+s3], $0x100, $0x38;
	[tilespmem:$0x17D00] =	vst v63  }
0x2d: {  	_ =	swait.ge [sflag:s11], $0x100  }
0x2e: {  	[sflag:s11] =	ssyncset.done $0x0  }
0x2f: {  	[sflag:s11] =	ssyncadd.s32 $0xFFFFFF00  }
0x30: {  	[tilespmem:s13], [sflag:$0x1] =	stream.indirect.gather [hbm4b:s4+s12], $0x80, s3, s12, $0xb8;
	[tilespmem:$0x17D00] =	vst v63  }
0x31: {  	_ =	swait.ge [sflag:s14], $0x4000  }
0x32: {  	[sflag:s14] =	ssyncset.done $0x0  }
0x33: {  	[sflag:s14] =	ssyncadd.s32 $0xFFFFC000  }
0x34: {  	[spmem:s2] =	stream.indirect.scatter.add.f32 [tilespmem:s13], [sflag:$0x2], $0x80, s12, s12, $0xb8;
	[tilespmem:$0x17D00] =	vst v63  }
0x35: {  	_ =	swait.ge [sflag:s11], $0x4000  }
0x36: {  	s15 =	sadd.s32 $0x1, s15;
	[sflag:s11] =	ssyncset.done $0x0  }
0x37: {  	p0 =	sne.s32 s15, s8;
	[sflag:s11] =	ssyncadd.s32 $0xFFFFC000  }
.Ltmp1:
0x38: {  	[bflag:$0x0] =	sbarrier.arrive $0xFFFF;
	(pc) =	sbr.rel @p0 .LBB2_1-.Ltmp1, $4  }
0x39: {  	[hbm:s7], [sflag:s6] =	dma.local [spmem:s10], $0x2780  }
0x3a: {  	_ =	swait.ge [sflag:s11], $0x2780  }
0x3b: {  	[sflag:s11] =	ssyncset.done $0x0  }
0x3c: {  	[sflag:s11] =	ssyncadd.s32 $0xFFFFD880  }
0x3d: {  	_ =	sfence.sel $0x180000  }
0x3e: {  	[bflag:$0x0] =	sbarrier.arrive $0xFFFF  }
0x3f: {  	p0 =	sne.s32 s0, $0x0;
	_ =	strace $0x90000053  }
0x40: {  	s0 =	sadd.s32 @!p0 $0x100000, s1;
	[bflag:$0x2] =	sbarrier.arrive $0xFFFF  }
0x41: {  	[sflag:s0] =	ssyncadd.tile.s32 @!p0 $0x1;
	_ =	shalt  }
.Lfunc_end2:
_tile_overlayer_lowered:
.L_overlay_start_2:
0x42: {  	(tag) =	ssettag $0x2  }
0x43: {  	s0 =	rddreg [dreg:$0x0];
	s2 =	stileid.u32  }
0x44: {  	s1 =	rddreg [dreg:$0x1];
	p0 =	sne.s32 s2, $0x0  }
0x45: {  	s3 =	rddreg [dreg:$0x2];
	[bflag:$0x3] =	sbarrier.arrive $0xFFFF;
	s2 =	simm.s32 @!p0 $0x1C02  }
0x46: {  	[timem:s3], [sflag:s2] =	dma.local @!p0 [hbm:s0], s1  }
0x47: {  	s0 =	simm.s32 @!p0 $0x2  }
0x48: {  	_ =	swait.ge @!p0 [sflag:s0], s1  }
0x49: {  	s1 =	ssub.s32 @!p0 $0x0, s1;
	[sflag:s0] =	ssyncset.done @!p0 $0x0  }
0x4a: {  	[sflag:s0] =	ssyncadd.s32 @!p0 s1  }
0x4b: {  	[bflag:$0x3] =	sbarrier.arrive $0xFFFF  }
0x4c: {  	_ =	shalt  }

// kernel: kernel.37.cloned.1.call-start
scs
__scs_entry_jumppad:
0x0: {  	(pc) =	sbr.rel $0x88, $3  }
0x1: {  	(tag) =	ssettag $0x0;
	lr =	simm.s32 $0x1  }
0x2: {  	[smem:$0x3F87] =	sst lr;
	_ =	strace $0xD0000000  }
0x3: {  	_ = 	snop  }
0x4: {  	_ = 	snop  }
0x5: {  	_ = 	snop  }
0x6: {  	_ = 	snop  }
0x7: {  	_ = 	snop  }
__scs_overlays_trampoline_lowered:
0x8: {  	[smem:$0x3F96] =	sst s0  }
0x9: {  	[smem:$0x3F97] =	sst s1  }
0xa: {  	[smem:$0x3F98] =	sst s2  }
0xb: {  	[smem:$0x3F99] =	sst s3  }
0xc: {  	[smem:$0x3F9A] =	sst s4  }
0xd: {  	[smem:$0x3F9B] =	sst s5  }
0xe: {  	[smem:$0x3F9C] =	sst s6  }
0xf: {  	[smem:$0x3F9D] =	sst s7  }
0x10: {  	[smem:$0x3F9E] =	sst s8  }
0x11: {  	[smem:$0x3F9F] =	sst s9;
	s0 =	simm.s32 @!p0 $0x0  }
0x12: {  	s1 =	sld [smem:$0x3F85];
	s0 =	simm.s32 @p0 $0x1  }
0x13: {  	[smem:$0x3FA0] =	sst s0;
	s0 =	simm.s32 @!p1 $0x0  }
0x14: {  	s2 =	sld [smem:$0x3F84];
	s0 =	simm.s32 @p1 $0x1  }
0x15: {  	[smem:$0x3FA1] =	sst s0;
	s0 =	simm.s32 @!p2 $0x0  }
0x16: {  	s3 =	sld [smem:$0x3FDB];
	s0 =	simm.s32 @p2 $0x1  }
0x17: {  	s4 =	simm.s32 $0x1BF5;
	[smem:$0x3FA3] =	sst s0  }
0x18: {  	s0 =	sld [smem:$0x3F86];
	_ =	swait.ge [sflag:s4], $0x0  }
0x19: {  	s7 =	sld [smem:$0x3F87]  }
0x1a: {  	s8 =	sadd.s32 $0xFFFFE003, lr  }
0x1b: {  	s9 =	sadd.s32 $0xFFFFFEF7, lr;
	s5 =	simm.s32 $0xFFFFFFFF;
	p2 =	slt.u32 s8, $0xFFFFF086  }
0x1c: {  	p1 =	slt.u32 s9, $0xF7A;
	s5 =	simm.s32 @!p2 $0x0  }
0x1d: {  	s5 =	simm.s32 @p1 $0x1;
	p0 =	seq.s32 s7, s2  }
0x1e: {  	s7 =	smul.u32 @!p0 $0xF7A, s2;
	p2 =	seq.s32 @!p0 s5, $0x0  }
0x1f: {  	s9 =	smul.u32 $0xF7A, s1;
	s8 =	simm.s32 @!p0 $0x1BF5;
	p2 =	por !p2, p0  }
0x20: {  	[sflag:s8] =	ssyncset.s32 @!p0 $0xFFFFF086;
	s6 =	sadd.s32 @!p0 s3, s7;
	s7 =	simm.s32 @!p0 $0x108  }
0x21: {  	s3 =	sadd.s32 s3, s9;
	s6 =	sadd.s32 @!p0 $0x88, s6;
	s7 =	simm.s32 @p2 $0x1082  }
0x22: {  	[simem:s7], [sflag:s8] =	dma.local @!p0 [hbm:s6], $0xF7A  }
0x23: {  	s9 =	sor.u32 $0xD0000000, s2;
	s6 =	simm.s32 $0x108;
	_ =	swait.ge @!p0 [sflag:s8], $0x0  }
0x24: {  	s3 =	sadd.s32 $0x88, s3;
	s6 =	simm.s32 @!p1 $0x1082;
	[sflag:s4] =	ssyncset.s32 $0xFFFFF086  }
0x25: {  	[simem:s6], [sflag:s4] =	dma.local [hbm:s3], $0xF7A  }
0x26: {  	[smem:$0x3F87] =	sst s1;
	(tag) =	ssettag s2;
	_ =	strace s9  }
0x27: {  	s1 =	sld [smem:$0x3F97]  }
0x28: {  	s2 =	sld [smem:$0x3F98]  }
0x29: {  	s4 =	sld [smem:$0x3F9A]  }
0x2a: {  	p0 =	seq.s32 s5, $0x0;
	s5 =	sld [smem:$0x3F9B]  }
0x2b: {  	s6 =	sld [smem:$0x3F9C]  }
0x2c: {  	s7 =	sld [smem:$0x3F9D]  }
0x2d: {  	s3 =	simm.s32 $0x108;
	s8 =	sld [smem:$0x3F9E]  }
0x2e: {  	s3 =	simm.s32 @!p0 $0x1082;
	s9 =	sld [smem:$0x3F9F]  }
0x2f: {  	lr =	sadd.s32 s0, s3;
	s0 =	sld [smem:$0x3F96]  }
0x30: {  	s3 =	sld [smem:$0x3F99]  }
0x31: {  	[smem:$0x3FA2] =	sst s10  }
0x32: {  	s10 =	sld [smem:$0x3FA0];
	_ =	sdelay $0x3  }
0x33: {  	p0 =	seq.s32 s10, $0x1;
	s10 =	sld [smem:$0x3FA2];
	_ =	sdelay $0x3  }
0x34: {  	[smem:$0x3FA2] =	sst s10  }
0x35: {  	s10 =	sld [smem:$0x3FA1];
	_ =	sdelay $0x3  }
0x36: {  	p1 =	seq.s32 s10, $0x1;
	s10 =	sld [smem:$0x3FA2];
	_ =	sdelay $0x3  }
0x37: {  	[smem:$0x3FA2] =	sst s10  }
0x38: {  	s10 =	sld [smem:$0x3FA3]  }
0x39: {  	_ = 	snop;
	(pc) =	sbr.ind lr, $3  }
0x3a: {  	_ = 	snop  }
0x3b: {  	_ = 	snop  }
0x3c: {  	p2 =	seq.s32 s10, $0x1;
	s10 =	sld [smem:$0x3FA2]  }
0x3d: {  	_ =	shalt  }
0x3e: {  	_ =	shalt  }
0x3f: {  	_ =	shalt  }
0x40: {  	_ =	shalt  }
0x41: {  	_ =	shalt  }
0x42: {  	_ =	shalt  }
0x43: {  	_ =	shalt  }
0x44: {  	_ =	shalt  }
0x45: {  	_ =	shalt  }
0x46: {  	_ =	shalt  }
0x47: {  	_ =	shalt  }
0x48: {  	_ =	shalt  }
0x49: {  	_ =	shalt  }
0x4a: {  	_ =	shalt  }
0x4b: {  	_ =	shalt  }
0x4c: {  	_ =	shalt  }
0x4d: {  	_ =	shalt  }
0x4e: {  	_ =	shalt  }
0x4f: {  	_ =	shalt  }
0x50: {  	_ =	shalt  }
0x51: {  	_ =	shalt  }
0x52: {  	_ =	shalt  }
0x53: {  	_ =	shalt  }
0x54: {  	_ =	shalt  }
0x55: {  	_ =	shalt  }
0x56: {  	_ =	shalt  }
0x57: {  	_ =	shalt  }
0x58: {  	_ =	shalt  }
0x59: {  	_ =	shalt  }
0x5a: {  	_ =	shalt  }
0x5b: {  	_ =	shalt  }
0x5c: {  	_ =	shalt  }
0x5d: {  	_ =	shalt  }
0x5e: {  	_ =	shalt  }
0x5f: {  	_ =	shalt  }
0x60: {  	_ =	shalt  }
0x61: {  	_ =	shalt  }
0x62: {  	_ =	shalt  }
0x63: {  	_ =	shalt  }
0x64: {  	_ =	shalt  }
0x65: {  	_ =	shalt  }
0x66: {  	_ =	shalt  }
0x67: {  	_ =	shalt  }
0x68: {  	_ =	shalt  }
0x69: {  	_ =	shalt  }
0x6a: {  	_ =	shalt  }
0x6b: {  	_ =	shalt  }
0x6c: {  	_ =	shalt  }
0x6d: {  	_ =	shalt  }
0x6e: {  	_ =	shalt  }
0x6f: {  	_ =	shalt  }
0x70: {  	_ =	shalt  }
0x71: {  	_ =	shalt  }
0x72: {  	_ =	shalt  }
0x73: {  	_ =	shalt  }
0x74: {  	_ =	shalt  }
0x75: {  	_ =	shalt  }
0x76: {  	_ =	shalt  }
0x77: {  	_ =	shalt  }
0x78: {  	_ =	shalt  }
0x79: {  	_ =	shalt  }
0x7a: {  	_ =	shalt  }
0x7b: {  	_ =	shalt  }
0x7c: {  	_ =	shalt  }
0x7d: {  	_ =	shalt  }
0x7e: {  	_ =	shalt  }
0x7f: {  	_ =	shalt  }
0x80: {  	_ =	shalt  }
0x81: {  	_ =	shalt  }
0x82: {  	_ =	shalt  }
0x83: {  	_ =	shalt  }
0x84: {  	_ =	shalt  }
0x85: {  	_ =	shalt  }
0x86: {  	_ =	shalt  }
0x87: {  	_ =	shalt  }
.Lfunc_end0:
.L_simem_size_0:
called_computation.5_lowered:
.L_overlay_start_0:
0x88: {  	s2 =	sld [smem:$0x3FD9]  }
0x89: {  	s3 =	sld [smem:$0x3FFE];
	_ =	sdelay $0x1  }
0x8a: {  	s1 =	srdreg.scid  }
0x8b: {  	s0 =	sand.u32 $0x1, s1  }
0x8c: {  	s16 =	sshll.u32 s0, $0xA;
	s2 =	sadd.s32 s3, s2  }
0x8d: {  	s2 =	sadd.s32 s2, s16  }
0x8e: {  	[smem:$0x3FAE] =	sst s2  }
0x8f: {  	_ = 	snop  }
0x90: {  	(tm) =	ssettm $0x1  }
0x91: {  	s17 =	sld [smem:$0x3FFB];
	_ =	sdelay $0x3  }
0x92: {  	_ =	strace s17  }
0x93: {  	s2 =	sld [smem:$0x3FFC];
	_ =	sdelay $0x3  }
0x94: {  	_ =	strace s2  }
0x95: {  	s2 =	sld [smem:$0x3FFD];
	_ =	sdelay $0x3  }
0x96: {  	_ =	strace s2  }
0x97: {  	_ =	strace $0x8FFFFFFF  }
0x98: {  	s18 =	sld [smem:$0x3FDB];
	_ =	sdelay $0x1  }
0x99: {  	s19 =	simm.s32 $_scs_section_size  }
0x9a: {  	s4 =	simm.s32 $_size__tile_overlayer_lowered;
	s5 =	simm.s32 $_tile_overlayer_lowered  }
0x9b: {  	s22 =	simm.s32 $0x1BFF;
	s21 =	sshll.u32 s5, $0x1;
	s2 =	sadd.s32 s19, s18  }
0x9c: {  	s6 =	simm.s32 $0x0;
	s20 =	sshll.u32 s4, $0x1;
	s4 =	sadd.s32 s21, s2  }
0x9d: {  	[timem:s6], [sflag:s22] =	dma.local [hbm:s4], s20  }
0x9e: {  	_ =	swait.ge [sflag:s22], s20  }
0x9f: {  	s3 =	ssub.s32 $0x0, s20;
	[sflag:s22] =	ssyncset.done $0x0  }
0xa0: {  	[sflag:s22] =	ssyncadd.s32 s3;
	_ =	sdelay $0x1  }
0xa1: {  	s23 =	simm.s32 $0x1B8B  }
0xa2: {  	_ =	swait.ge [sflag:s23], $0x1  }
0xa3: {  	[sflag:s23] =	ssyncset.done $0x0  }
0xa4: {  	s25 =	simm.s32 $0x1B8E;
	s24 =	sld [smem:$0x3FFE];
	[sflag:s23] =	ssyncadd.s32 $0xFFFFFFFF  }
0xa5: {  	s26 =	simm.s32 $execute0_lowered;
	[smem:$0x3FD2] =	sst s25  }
0xa6: {  	s4 =	sshll.u32 s26, $0x1;
	_ =	strace $0x80000055;
	[dreg:$0x1] =	wrdreg $0xFFFFFFFF  }
0xa7: {  	s28 =	simm.s32 $_size_execute0_lowered;
	s2 =	sadd.s32 s2, s4;
	[dreg:$0x0] =	wrdreg $0x0  }
0xa8: {  	s4 =	sshll.u32 s28, $0x1;
	[dreg:$0x2] =	wrdreg s2  }
0xa9: {  	[dreg:$0x3] =	wrdreg s4  }
0xaa: {  	[dreg:$0x4] =	wrdreg $0xC0  }
0xab: {  	_ =	task [dreg:s6], $0x5FFFF  }
0xac: {  	[dreg:$0x1] =	wrdreg $0xFFFFFFFF  }
0xad: {  	[dreg:$0x0] =	wrdreg $0x60  }
0xae: {  	[dreg:$0x2] =	wrdreg s24  }
0xaf: {  	[dreg:$0x3] =	wrdreg $0x41000  }
0xb0: {  	[dreg:$0x4] =	wrdreg $0x9  }
0xb1: {  	_ =	task.clear_ibuf [dreg:s6], $0x5FFFF;
	_ =	strace $0x90000055  }
0xb2: {  	s29 =	simm.s32 $0x9;
	_ =	strace $0x80000057  }
0xb3: {  	_ =	swait.ge [sflag:s29], $0x1  }
0xb4: {  	[sflag:s29] =	ssyncadd.s32 $0xFFFFFFFF  }
0xb5: {  	_ =	strace $0x90000057  }
0xb6: {  	_ =	sfence  }
0xb7: {  	s30 =	sld [smem:$0x0];
	_ =	sdelay $0x2  }
0xb8: {  	s31 =	sshll.u32 s1, $0xD;
	s1 =	sshrl.u32 s1, $0x2  }
0xb9: {  	s3 =	sand.u32 $0x4000, s31;
	s1 =	sadd.s32 s1, s30  }
0xba: {  	s0 =	sor.u32 s3, s0;
	s1 =	sshll.u32 s1, $0x11  }
0xbb: {  	s0 =	sor.u32 s1, s0  }
0xbc: {  	s0 =	sadd.s32 $0x8F2B, s0  }
0xbd: {  	[sflag:s0] =	ssyncadd.remote.s32 $0x1  }
0xbe: {  	_ =	sfence.sel $0xFFFF  }
0xbf: {  	[dreg:$0x0] =	wrdreg $0xFFFFFFFF;
	(pc) =	sbr.abs _section_cstart, $3  }
0xc0: {  	[dreg:$0x1] =	wrdreg $0xFFFFFFFF  }
0xc1: {  	_ =	task.clear_ibuf [dreg:s6], $0x2FFFF;
	_ =	strace $0x9FFFFFFF  }
0xc2: {  	(tm) =	ssettm $0x7FFFFFFF  }
0xc3: {  	_ =	shalt  }
tec
execute0_lowered:
.L_overlay_start_1:
0x0: {  	(tag) =	ssettag $0x1  }
0x1: {  	s1 =	srdreg.scid;
	s0 =	stileid.u32  }
0x2: {  	s6 =	rddreg [dreg:$0x0];
	s4 =	smul.u32 $0x13A00, s0  }
0x3: {  	s2 =	rddreg [dreg:$0x1];
	s3 =	simm.s32 $0x0;
	s8 =	smul.u32 $0x2780, s0  }
0x4: {  	s14 =	simm.s32 $0x1;
	s7 =	sand.u32 $0x1, s1;
	s30 =	smul.u32 $0x4F000, s0  }
0x5: {  	s15 =	simm.s32 $0x0;
	s1 =	rddreg [dreg:$0x2];
	s5 =	smul.u32 $0x9D00, s7  }
0x6: {  	[smem:$0x7FF] =	sst s3;
	s9 =	smul.u32 $0x27800, s7;
	s31 =	ssub.s32 $0x2, s7  }
0x7: {  	s11 =	sshll.u32 s0, $0x6;
	_ =	strace $0x80000056;
	s7 =	sshrl.u32 s31, $0x1  }
0x8: {  	s5 =	sadd.s32 s5, s4;
	s4 =	sadd.s32 $0x5C400, s6;
	s8 =	sadd.s32 s8, s9  }
0x9: {  	s9 =	sshrl.u32 s30, $0x2;
	s12 =	ssub.s32 s31, s7;
	s5 =	sshrl.u32 s5, $0x3  }
0xa: {  	s8 =	sadd.s32 s8, s6;
	s13 =	sadd.s32 s9, s2;
	s10 =	sadd.s32 s5, s6  }
0xb: {  	s5 =	sadd.s32 $0x2BC00, s6;
	s6 =	sor.u32 $0x1C02, s11;
	s7 =	sadd.s32 $0x146A00, s8  }
0xc: {  	s8 =	smax.u32 s12, $0x1;
	s11 =	simm.s32 $0x2;
	s12 =	simm.s32 $0x80  }
0xd: {  	s9 =	sadd.s32 $0x35000, s10;
	s10 =	sshrl.u32 s13, $0x3;
	s13 =	simm.s32 $0x100  }
.LBB2_1:
0xe: {  	[spmem:s10], [sflag:s6] =	dma.local [hbm:s5], $0x2780  }
0xf: {  	_ =	swait.ge [sflag:s11], $0x2780  }
0x10: {  	[sflag:s11] =	ssyncset.done $0x0  }
0x11: {  	[sflag:s11] =	ssyncadd.s32 $0xFFFFD880  }
0x12: {  	s16 =	sadd.s32 $0x0, s9;
	[bflag:$0x0] =	sbarrier.arrive $0xFFFF  }
0x13: {  	[tilespmem:s3], [sflag:$0x2] =	stream.linear.gather [hbm4b:s16+s3], $0x100, $0x38;
	[tilespmem:$0x17D00] =	vst v63  }
0x14: {  	_ =	swait.ge [sflag:s11], $0x100  }
0x15: {  	[sflag:s11] =	ssyncset.done $0x0  }
0x16: {  	[sflag:s11] =	ssyncadd.s32 $0xFFFFFF00  }
0x17: {  	[tilespmem:s13], [sflag:$0x1] =	stream.indirect.gather [hbm4b:s4+s12], $0x80, s3, s12, $0xb8;
	[tilespmem:$0x17D00] =	vst v63  }
0x18: {  	_ =	swait.ge [sflag:s14], $0x4000  }
0x19: {  	[sflag:s14] =	ssyncset.done $0x0  }
0x1a: {  	[sflag:s14] =	ssyncadd.s32 $0xFFFFC000  }
0x1b: {  	[spmem:s2] =	stream.indirect.scatter.add.f32 [tilespmem:s13], [sflag:$0x2], $0x80, s12, s12, $0xb8;
	[tilespmem:$0x17D00] =	vst v63  }
0x1c: {  	_ =	swait.ge [sflag:s11], $0x4000  }
0x1d: {  	s17 =	simm.s32 $0x40;
	s16 =	simm.s32 $0x20;
	[sflag:s11] =	ssyncset.done $0x0  }
.LBB2_2:
0x1e: {  	s18 =	sadd.s32 s16, s9  }
0x1f: {  	[sflag:s11] =	ssyncadd.s32 $0xFFFFC000;
	s16 =	smov.u32 s17;
	s19 =	sadd.s32 $0x20, s17  }
0x20: {  	[tilespmem:s3], [sflag:$0x2] =	stream.linear.gather [hbm4b:s18+s3], $0x100, $0x38;
	[tilespmem:$0x17D00] =	vst v63  }
0x21: {  	p0 =	sne.s32 s17, $0x1380;
	_ =	swait.ge [sflag:s11], $0x100  }
0x22: {  	[sflag:s11] =	ssyncset.done $0x0  }
0x23: {  	[sflag:s11] =	ssyncadd.s32 $0xFFFFFF00  }
0x24: {  	[tilespmem:s13], [sflag:$0x1] =	stream.indirect.gather [hbm4b:s4+s12], $0x80, s3, s12, $0xb8;
	[tilespmem:$0x17D00] =	vst v63  }
0x25: {  	_ =	swait.ge [sflag:s14], $0x4000  }
.Ltmp0:
0x26: {  	[sflag:s14] =	ssyncset.done $0x0;
	(pc) =	sbr.rel @p0 .LBB2_2-.Ltmp0, $4  }
0x27: {  	[sflag:s14] =	ssyncadd.s32 $0xFFFFC000  }
0x28: {  	[spmem:s2] =	stream.indirect.scatter.add.f32 [tilespmem:s13], [sflag:$0x2], $0x80, s12, s12, $0xb8;
	[tilespmem:$0x17D00] =	vst v63  }
0x29: {  	_ =	swait.ge [sflag:s11], $0x4000  }
0x2a: {  	s17 =	smov.u32 s19;
	[sflag:s11] =	ssyncset.done $0x0  }
0x2b: {  	s16 =	sadd.s32 s16, s9;
	[sflag:s11] =	ssyncadd.s32 $0xFFFFC000  }
0x2c: {  	[tilespmem:s3], [sflag:$0x2] =	stream.linear.gather [hbm4b:s16+s3], $0x100, $0x38;
	[tilespmem:$0x17D00] =	vst v63  }
0x2d: {  	_ =	swait.ge [sflag:s11], $0x100  }
0x2e: {  	[sflag:s11] =	ssyncset.done $0x0  }
0x2f: {  	[sflag:s11] =	ssyncadd.s32 $0xFFFFFF00  }
0x30: {  	[tilespmem:s13], [sflag:$0x1] =	stream.indirect.gather [hbm4b:s4+s12], $0x80, s3, s12, $0xb8;
	[tilespmem:$0x17D00] =	vst v63  }
0x31: {  	_ =	swait.ge [sflag:s14], $0x4000  }
0x32: {  	[sflag:s14] =	ssyncset.done $0x0  }
0x33: {  	[sflag:s14] =	ssyncadd.s32 $0xFFFFC000  }
0x34: {  	[spmem:s2] =	stream.indirect.scatter.add.f32 [tilespmem:s13], [sflag:$0x2], $0x80, s12, s12, $0xb8;
	[tilespmem:$0x17D00] =	vst v63  }
0x35: {  	_ =	swait.ge [sflag:s11], $0x4000  }
0x36: {  	s15 =	sadd.s32 $0x1, s15;
	[sflag:s11] =	ssyncset.done $0x0  }
0x37: {  	p0 =	sne.s32 s15, s8;
	[sflag:s11] =	ssyncadd.s32 $0xFFFFC000  }
.Ltmp1:
0x38: {  	[bflag:$0x0] =	sbarrier.arrive $0xFFFF;
	(pc) =	sbr.rel @p0 .LBB2_1-.Ltmp1, $4  }
0x39: {  	[hbm:s7], [sflag:s6] =	dma.local [spmem:s10], $0x2780  }
0x3a: {  	_ =	swait.ge [sflag:s11], $0x2780  }
0x3b: {  	[sflag:s11] =	ssyncset.done $0x0  }
0x3c: {  	[sflag:s11] =	ssyncadd.s32 $0xFFFFD880  }
0x3d: {  	_ =	sfence.sel $0x180000  }
0x3e: {  	[bflag:$0x0] =	sbarrier.arrive $0xFFFF  }
0x3f: {  	p0 =	sne.s32 s0, $0x0;
	_ =	strace $0x90000056  }
0x40: {  	s0 =	sadd.s32 @!p0 $0x100000, s1;
	[bflag:$0x2] =	sbarrier.arrive $0xFFFF  }
0x41: {  	[sflag:s0] =	ssyncadd.tile.s32 @!p0 $0x1;
	_ =	shalt  }
.Lfunc_end2:
_tile_overlayer_lowered:
.L_overlay_start_2:
0x42: {  	(tag) =	ssettag $0x2  }
0x43: {  	s0 =	rddreg [dreg:$0x0];
	s2 =	stileid.u32  }
0x44: {  	s1 =	rddreg [dreg:$0x1];
	p0 =	sne.s32 s2, $0x0  }
0x45: {  	s3 =	rddreg [dreg:$0x2];
	[bflag:$0x3] =	sbarrier.arrive $0xFFFF;
	s2 =	simm.s32 @!p0 $0x1C02  }
0x46: {  	[timem:s3], [sflag:s2] =	dma.local @!p0 [hbm:s0], s1  }
0x47: {  	s0 =	simm.s32 @!p0 $0x2  }
0x48: {  	_ =	swait.ge @!p0 [sflag:s0], s1  }
0x49: {  	s1 =	ssub.s32 @!p0 $0x0, s1;
	[sflag:s0] =	ssyncset.done @!p0 $0x0  }
0x4a: {  	[sflag:s0] =	ssyncadd.s32 @!p0 s1  }
0x4b: {  	[bflag:$0x3] =	sbarrier.arrive $0xFFFF  }
0x4c: {  	_ =	shalt  }

// kernel: kernel.40.cloned.1.call-start
scs
__scs_entry_jumppad:
0x0: {  	(pc) =	sbr.rel $0x88, $3  }
0x1: {  	(tag) =	ssettag $0x0;
	lr =	simm.s32 $0x1  }
0x2: {  	[smem:$0x3F87] =	sst lr;
	_ =	strace $0xD0000000  }
0x3: {  	_ = 	snop  }
0x4: {  	_ = 	snop  }
0x5: {  	_ = 	snop  }
0x6: {  	_ = 	snop  }
0x7: {  	_ = 	snop  }
__scs_overlays_trampoline_lowered:
0x8: {  	[smem:$0x3F96] =	sst s0  }
0x9: {  	[smem:$0x3F97] =	sst s1  }
0xa: {  	[smem:$0x3F98] =	sst s2  }
0xb: {  	[smem:$0x3F99] =	sst s3  }
0xc: {  	[smem:$0x3F9A] =	sst s4  }
0xd: {  	[smem:$0x3F9B] =	sst s5  }
0xe: {  	[smem:$0x3F9C] =	sst s6  }
0xf: {  	[smem:$0x3F9D] =	sst s7  }
0x10: {  	[smem:$0x3F9E] =	sst s8  }
0x11: {  	[smem:$0x3F9F] =	sst s9;
	s0 =	simm.s32 @!p0 $0x0  }
0x12: {  	s1 =	sld [smem:$0x3F85];
	s0 =	simm.s32 @p0 $0x1  }
0x13: {  	[smem:$0x3FA0] =	sst s0;
	s0 =	simm.s32 @!p1 $0x0  }
0x14: {  	s2 =	sld [smem:$0x3F84];
	s0 =	simm.s32 @p1 $0x1  }
0x15: {  	[smem:$0x3FA1] =	sst s0;
	s0 =	simm.s32 @!p2 $0x0  }
0x16: {  	s3 =	sld [smem:$0x3FDB];
	s0 =	simm.s32 @p2 $0x1  }
0x17: {  	s4 =	simm.s32 $0x1BF5;
	[smem:$0x3FA3] =	sst s0  }
0x18: {  	s0 =	sld [smem:$0x3F86];
	_ =	swait.ge [sflag:s4], $0x0  }
0x19: {  	s7 =	sld [smem:$0x3F87]  }
0x1a: {  	s8 =	sadd.s32 $0xFFFFE003, lr  }
0x1b: {  	s9 =	sadd.s32 $0xFFFFFEF7, lr;
	s5 =	simm.s32 $0xFFFFFFFF;
	p2 =	slt.u32 s8, $0xFFFFF086  }
0x1c: {  	p1 =	slt.u32 s9, $0xF7A;
	s5 =	simm.s32 @!p2 $0x0  }
0x1d: {  	s5 =	simm.s32 @p1 $0x1;
	p0 =	seq.s32 s7, s2  }
0x1e: {  	s7 =	smul.u32 @!p0 $0xF7A, s2;
	p2 =	seq.s32 @!p0 s5, $0x0  }
0x1f: {  	s9 =	smul.u32 $0xF7A, s1;
	s8 =	simm.s32 @!p0 $0x1BF5;
	p2 =	por !p2, p0  }
0x20: {  	[sflag:s8] =	ssyncset.s32 @!p0 $0xFFFFF086;
	s6 =	sadd.s32 @!p0 s3, s7;
	s7 =	simm.s32 @!p0 $0x108  }
0x21: {  	s3 =	sadd.s32 s3, s9;
	s6 =	sadd.s32 @!p0 $0x88, s6;
	s7 =	simm.s32 @p2 $0x1082  }
0x22: {  	[simem:s7], [sflag:s8] =	dma.local @!p0 [hbm:s6], $0xF7A  }
0x23: {  	s9 =	sor.u32 $0xD0000000, s2;
	s6 =	simm.s32 $0x108;
	_ =	swait.ge @!p0 [sflag:s8], $0x0  }
0x24: {  	s3 =	sadd.s32 $0x88, s3;
	s6 =	simm.s32 @!p1 $0x1082;
	[sflag:s4] =	ssyncset.s32 $0xFFFFF086  }
0x25: {  	[simem:s6], [sflag:s4] =	dma.local [hbm:s3], $0xF7A  }
0x26: {  	[smem:$0x3F87] =	sst s1;
	(tag) =	ssettag s2;
	_ =	strace s9  }
0x27: {  	s1 =	sld [smem:$0x3F97]  }
0x28: {  	s2 =	sld [smem:$0x3F98]  }
0x29: {  	s4 =	sld [smem:$0x3F9A]  }
0x2a: {  	p0 =	seq.s32 s5, $0x0;
	s5 =	sld [smem:$0x3F9B]  }
0x2b: {  	s6 =	sld [smem:$0x3F9C]  }
0x2c: {  	s7 =	sld [smem:$0x3F9D]  }
0x2d: {  	s3 =	simm.s32 $0x108;
	s8 =	sld [smem:$0x3F9E]  }
0x2e: {  	s3 =	simm.s32 @!p0 $0x1082;
	s9 =	sld [smem:$0x3F9F]  }
0x2f: {  	lr =	sadd.s32 s0, s3;
	s0 =	sld [smem:$0x3F96]  }
0x30: {  	s3 =	sld [smem:$0x3F99]  }
0x31: {  	[smem:$0x3FA2] =	sst s10  }
0x32: {  	s10 =	sld [smem:$0x3FA0];
	_ =	sdelay $0x3  }
0x33: {  	p0 =	seq.s32 s10, $0x1;
	s10 =	sld [smem:$0x3FA2];
	_ =	sdelay $0x3  }
0x34: {  	[smem:$0x3FA2] =	sst s10  }
0x35: {  	s10 =	sld [smem:$0x3FA1];
	_ =	sdelay $0x3  }
0x36: {  	p1 =	seq.s32 s10, $0x1;
	s10 =	sld [smem:$0x3FA2];
	_ =	sdelay $0x3  }
0x37: {  	[smem:$0x3FA2] =	sst s10  }
0x38: {  	s10 =	sld [smem:$0x3FA3]  }
0x39: {  	_ = 	snop;
	(pc) =	sbr.ind lr, $3  }
0x3a: {  	_ = 	snop  }
0x3b: {  	_ = 	snop  }
0x3c: {  	p2 =	seq.s32 s10, $0x1;
	s10 =	sld [smem:$0x3FA2]  }
0x3d: {  	_ =	shalt  }
0x3e: {  	_ =	shalt  }
0x3f: {  	_ =	shalt  }
0x40: {  	_ =	shalt  }
0x41: {  	_ =	shalt  }
0x42: {  	_ =	shalt  }
0x43: {  	_ =	shalt  }
0x44: {  	_ =	shalt  }
0x45: {  	_ =	shalt  }
0x46: {  	_ =	shalt  }
0x47: {  	_ =	shalt  }
0x48: {  	_ =	shalt  }
0x49: {  	_ =	shalt  }
0x4a: {  	_ =	shalt  }
0x4b: {  	_ =	shalt  }
0x4c: {  	_ =	shalt  }
0x4d: {  	_ =	shalt  }
0x4e: {  	_ =	shalt  }
0x4f: {  	_ =	shalt  }
0x50: {  	_ =	shalt  }
0x51: {  	_ =	shalt  }
0x52: {  	_ =	shalt  }
0x53: {  	_ =	shalt  }
0x54: {  	_ =	shalt  }
0x55: {  	_ =	shalt  }
0x56: {  	_ =	shalt  }
0x57: {  	_ =	shalt  }
0x58: {  	_ =	shalt  }
0x59: {  	_ =	shalt  }
0x5a: {  	_ =	shalt  }
0x5b: {  	_ =	shalt  }
0x5c: {  	_ =	shalt  }
0x5d: {  	_ =	shalt  }
0x5e: {  	_ =	shalt  }
0x5f: {  	_ =	shalt  }
0x60: {  	_ =	shalt  }
0x61: {  	_ =	shalt  }
0x62: {  	_ =	shalt  }
0x63: {  	_ =	shalt  }
0x64: {  	_ =	shalt  }
0x65: {  	_ =	shalt  }
0x66: {  	_ =	shalt  }
0x67: {  	_ =	shalt  }
0x68: {  	_ =	shalt  }
0x69: {  	_ =	shalt  }
0x6a: {  	_ =	shalt  }
0x6b: {  	_ =	shalt  }
0x6c: {  	_ =	shalt  }
0x6d: {  	_ =	shalt  }
0x6e: {  	_ =	shalt  }
0x6f: {  	_ =	shalt  }
0x70: {  	_ =	shalt  }
0x71: {  	_ =	shalt  }
0x72: {  	_ =	shalt  }
0x73: {  	_ =	shalt  }
0x74: {  	_ =	shalt  }
0x75: {  	_ =	shalt  }
0x76: {  	_ =	shalt  }
0x77: {  	_ =	shalt  }
0x78: {  	_ =	shalt  }
0x79: {  	_ =	shalt  }
0x7a: {  	_ =	shalt  }
0x7b: {  	_ =	shalt  }
0x7c: {  	_ =	shalt  }
0x7d: {  	_ =	shalt  }
0x7e: {  	_ =	shalt  }
0x7f: {  	_ =	shalt  }
0x80: {  	_ =	shalt  }
0x81: {  	_ =	shalt  }
0x82: {  	_ =	shalt  }
0x83: {  	_ =	shalt  }
0x84: {  	_ =	shalt  }
0x85: {  	_ =	shalt  }
0x86: {  	_ =	shalt  }
0x87: {  	_ =	shalt  }
.Lfunc_end0:
.L_simem_size_0:
called_computation.6_lowered:
.L_overlay_start_0:
0x88: {  	s2 =	sld [smem:$0x3FD9]  }
0x89: {  	s3 =	sld [smem:$0x3FFE];
	_ =	sdelay $0x1  }
0x8a: {  	s1 =	srdreg.scid  }
0x8b: {  	s0 =	sand.u32 $0x1, s1  }
0x8c: {  	s16 =	sshll.u32 s0, $0xA;
	s2 =	sadd.s32 s3, s2  }
0x8d: {  	s2 =	sadd.s32 s2, s16  }
0x8e: {  	[smem:$0x3FAE] =	sst s2  }
0x8f: {  	_ = 	snop  }
0x90: {  	(tm) =	ssettm $0x1  }
0x91: {  	s17 =	sld [smem:$0x3FFB];
	_ =	sdelay $0x3  }
0x92: {  	_ =	strace s17  }
0x93: {  	s2 =	sld [smem:$0x3FFC];
	_ =	sdelay $0x3  }
0x94: {  	_ =	strace s2  }
0x95: {  	s2 =	sld [smem:$0x3FFD];
	_ =	sdelay $0x3  }
0x96: {  	_ =	strace s2  }
0x97: {  	_ =	strace $0x8FFFFFFF  }
0x98: {  	s18 =	sld [smem:$0x3FDB];
	_ =	sdelay $0x1  }
0x99: {  	s19 =	simm.s32 $_scs_section_size  }
0x9a: {  	s4 =	simm.s32 $_size__tile_overlayer_lowered;
	s5 =	simm.s32 $_tile_overlayer_lowered  }
0x9b: {  	s22 =	simm.s32 $0x1BFF;
	s21 =	sshll.u32 s5, $0x1;
	s2 =	sadd.s32 s19, s18  }
0x9c: {  	s6 =	simm.s32 $0x0;
	s20 =	sshll.u32 s4, $0x1;
	s4 =	sadd.s32 s21, s2  }
0x9d: {  	[timem:s6], [sflag:s22] =	dma.local [hbm:s4], s20  }
0x9e: {  	_ =	swait.ge [sflag:s22], s20  }
0x9f: {  	s3 =	ssub.s32 $0x0, s20;
	[sflag:s22] =	ssyncset.done $0x0  }
0xa0: {  	[sflag:s22] =	ssyncadd.s32 s3;
	_ =	sdelay $0x1  }
0xa1: {  	s23 =	simm.s32 $0x1B8B  }
0xa2: {  	_ =	swait.ge [sflag:s23], $0x1  }
0xa3: {  	[sflag:s23] =	ssyncset.done $0x0  }
0xa4: {  	s25 =	simm.s32 $0x1B8E;
	s24 =	sld [smem:$0x3FFE];
	[sflag:s23] =	ssyncadd.s32 $0xFFFFFFFF  }
0xa5: {  	s26 =	simm.s32 $execute0_lowered;
	[smem:$0x3FD2] =	sst s25  }
0xa6: {  	s4 =	sshll.u32 s26, $0x1;
	_ =	strace $0x80000058;
	[dreg:$0x1] =	wrdreg $0xFFFFFFFF  }
0xa7: {  	s28 =	simm.s32 $_size_execute0_lowered;
	s2 =	sadd.s32 s2, s4;
	[dreg:$0x0] =	wrdreg $0x0  }
0xa8: {  	s4 =	sshll.u32 s28, $0x1;
	[dreg:$0x2] =	wrdreg s2  }
0xa9: {  	[dreg:$0x3] =	wrdreg s4  }
0xaa: {  	[dreg:$0x4] =	wrdreg $0xC0  }
0xab: {  	_ =	task [dreg:s6], $0x5FFFF  }
0xac: {  	[dreg:$0x1] =	wrdreg $0xFFFFFFFF  }
0xad: {  	[dreg:$0x0] =	wrdreg $0x60  }
0xae: {  	[dreg:$0x2] =	wrdreg s24  }
0xaf: {  	[dreg:$0x3] =	wrdreg $0x41000  }
0xb0: {  	[dreg:$0x4] =	wrdreg $0x9  }
0xb1: {  	_ =	task.clear_ibuf [dreg:s6], $0x5FFFF;
	_ =	strace $0x90000058  }
0xb2: {  	s29 =	simm.s32 $0x9;
	_ =	strace $0x8000005A  }
0xb3: {  	_ =	swait.ge [sflag:s29], $0x1  }
0xb4: {  	[sflag:s29] =	ssyncadd.s32 $0xFFFFFFFF  }
0xb5: {  	_ =	strace $0x9000005A  }
0xb6: {  	_ =	sfence  }
0xb7: {  	s30 =	sld [smem:$0x0];
	_ =	sdelay $0x2  }
0xb8: {  	s31 =	sshll.u32 s1, $0xD;
	s1 =	sshrl.u32 s1, $0x2  }
0xb9: {  	s3 =	sand.u32 $0x4000, s31;
	s1 =	sadd.s32 s1, s30  }
0xba: {  	s0 =	sor.u32 s3, s0;
	s1 =	sshll.u32 s1, $0x11  }
0xbb: {  	s0 =	sor.u32 s1, s0  }
0xbc: {  	s0 =	sadd.s32 $0x8F2B, s0  }
0xbd: {  	[sflag:s0] =	ssyncadd.remote.s32 $0x1  }
0xbe: {  	_ =	sfence.sel $0xFFFF  }
0xbf: {  	[dreg:$0x0] =	wrdreg $0xFFFFFFFF;
	(pc) =	sbr.abs _section_cstart, $3  }
0xc0: {  	[dreg:$0x1] =	wrdreg $0xFFFFFFFF  }
0xc1: {  	_ =	task.clear_ibuf [dreg:s6], $0x2FFFF;
	_ =	strace $0x9FFFFFFF  }
0xc2: {  	(tm) =	ssettm $0x7FFFFFFF  }
0xc3: {  	_ =	shalt  }
tec
execute0_lowered:
.L_overlay_start_1:
0x0: {  	(tag) =	ssettag $0x1  }
0x1: {  	s1 =	srdreg.scid;
	s0 =	stileid.u32  }
0x2: {  	s6 =	rddreg [dreg:$0x0];
	s4 =	smul.u32 $0x13A00, s0  }
0x3: {  	s2 =	rddreg [dreg:$0x1];
	s3 =	simm.s32 $0x0;
	s8 =	smul.u32 $0x2780, s0  }
0x4: {  	s14 =	simm.s32 $0x1;
	s7 =	sand.u32 $0x1, s1;
	s30 =	smul.u32 $0x4F000, s0  }
0x5: {  	s15 =	simm.s32 $0x0;
	s1 =	rddreg [dreg:$0x2];
	s5 =	smul.u32 $0x9D00, s7  }
0x6: {  	[smem:$0x7FF] =	sst s3;
	s9 =	smul.u32 $0x27800, s7;
	s31 =	ssub.s32 $0x2, s7  }
0x7: {  	s11 =	sshll.u32 s0, $0x6;
	_ =	strace $0x80000059;
	s7 =	sshrl.u32 s31, $0x1  }
0x8: {  	s5 =	sadd.s32 s5, s4;
	s4 =	sadd.s32 $0x5C400, s6;
	s8 =	sadd.s32 s8, s9  }
0x9: {  	s9 =	sshrl.u32 s30, $0x2;
	s12 =	ssub.s32 s31, s7;
	s5 =	sshrl.u32 s5, $0x3  }
0xa: {  	s8 =	sadd.s32 s8, s6;
	s13 =	sadd.s32 s9, s2;
	s10 =	sadd.s32 s5, s6  }
0xb: {  	s5 =	sadd.s32 $0x2BC00, s6;
	s6 =	sor.u32 $0x1C02, s11;
	s7 =	sadd.s32 $0x146A00, s8  }
0xc: {  	s8 =	smax.u32 s12, $0x1;
	s11 =	simm.s32 $0x2;
	s12 =	simm.s32 $0x80  }
0xd: {  	s9 =	sadd.s32 $0x35000, s10;
	s10 =	sshrl.u32 s13, $0x3;
	s13 =	simm.s32 $0x100  }
.LBB2_1:
0xe: {  	[spmem:s10], [sflag:s6] =	dma.local [hbm:s5], $0x2780  }
0xf: {  	_ =	swait.ge [sflag:s11], $0x2780  }
0x10: {  	[sflag:s11] =	ssyncset.done $0x0  }
0x11: {  	[sflag:s11] =	ssyncadd.s32 $0xFFFFD880  }
0x12: {  	s16 =	sadd.s32 $0x0, s9;
	[bflag:$0x0] =	sbarrier.arrive $0xFFFF  }
0x13: {  	[tilespmem:s3], [sflag:$0x2] =	stream.linear.gather [hbm4b:s16+s3], $0x100, $0x38;
	[tilespmem:$0x17D00] =	vst v63  }
0x14: {  	_ =	swait.ge [sflag:s11], $0x100  }
0x15: {  	[sflag:s11] =	ssyncset.done $0x0  }
0x16: {  	[sflag:s11] =	ssyncadd.s32 $0xFFFFFF00  }
0x17: {  	[tilespmem:s13], [sflag:$0x1] =	stream.indirect.gather [hbm4b:s4+s12], $0x80, s3, s12, $0xb8;
	[tilespmem:$0x17D00] =	vst v63  }
0x18: {  	_ =	swait.ge [sflag:s14], $0x4000  }
0x19: {  	[sflag:s14] =	ssyncset.done $0x0  }
0x1a: {  	[sflag:s14] =	ssyncadd.s32 $0xFFFFC000  }
0x1b: {  	[spmem:s2] =	stream.indirect.scatter.add.f32 [tilespmem:s13], [sflag:$0x2], $0x80, s12, s12, $0xb8;
	[tilespmem:$0x17D00] =	vst v63  }
0x1c: {  	_ =	swait.ge [sflag:s11], $0x4000  }
0x1d: {  	s17 =	simm.s32 $0x40;
	s16 =	simm.s32 $0x20;
	[sflag:s11] =	ssyncset.done $0x0  }
.LBB2_2:
0x1e: {  	s18 =	sadd.s32 s16, s9  }
0x1f: {  	[sflag:s11] =	ssyncadd.s32 $0xFFFFC000;
	s16 =	smov.u32 s17;
	s19 =	sadd.s32 $0x20, s17  }
0x20: {  	[tilespmem:s3], [sflag:$0x2] =	stream.linear.gather [hbm4b:s18+s3], $0x100, $0x38;
	[tilespmem:$0x17D00] =	vst v63  }
0x21: {  	p0 =	sne.s32 s17, $0x1380;
	_ =	swait.ge [sflag:s11], $0x100  }
0x22: {  	[sflag:s11] =	ssyncset.done $0x0  }
0x23: {  	[sflag:s11] =	ssyncadd.s32 $0xFFFFFF00  }
0x24: {  	[tilespmem:s13], [sflag:$0x1] =	stream.indirect.gather [hbm4b:s4+s12], $0x80, s3, s12, $0xb8;
	[tilespmem:$0x17D00] =	vst v63  }
0x25: {  	_ =	swait.ge [sflag:s14], $0x4000  }
.Ltmp0:
0x26: {  	[sflag:s14] =	ssyncset.done $0x0;
	(pc) =	sbr.rel @p0 .LBB2_2-.Ltmp0, $4  }
0x27: {  	[sflag:s14] =	ssyncadd.s32 $0xFFFFC000  }
0x28: {  	[spmem:s2] =	stream.indirect.scatter.add.f32 [tilespmem:s13], [sflag:$0x2], $0x80, s12, s12, $0xb8;
	[tilespmem:$0x17D00] =	vst v63  }
0x29: {  	_ =	swait.ge [sflag:s11], $0x4000  }
0x2a: {  	s17 =	smov.u32 s19;
	[sflag:s11] =	ssyncset.done $0x0  }
0x2b: {  	s16 =	sadd.s32 s16, s9;
	[sflag:s11] =	ssyncadd.s32 $0xFFFFC000  }
0x2c: {  	[tilespmem:s3], [sflag:$0x2] =	stream.linear.gather [hbm4b:s16+s3], $0x100, $0x38;
	[tilespmem:$0x17D00] =	vst v63  }
0x2d: {  	_ =	swait.ge [sflag:s11], $0x100  }
0x2e: {  	[sflag:s11] =	ssyncset.done $0x0  }
0x2f: {  	[sflag:s11] =	ssyncadd.s32 $0xFFFFFF00  }
0x30: {  	[tilespmem:s13], [sflag:$0x1] =	stream.indirect.gather [hbm4b:s4+s12], $0x80, s3, s12, $0xb8;
	[tilespmem:$0x17D00] =	vst v63  }
0x31: {  	_ =	swait.ge [sflag:s14], $0x4000  }
0x32: {  	[sflag:s14] =	ssyncset.done $0x0  }
0x33: {  	[sflag:s14] =	ssyncadd.s32 $0xFFFFC000  }
0x34: {  	[spmem:s2] =	stream.indirect.scatter.add.f32 [tilespmem:s13], [sflag:$0x2], $0x80, s12, s12, $0xb8;
	[tilespmem:$0x17D00] =	vst v63  }
0x35: {  	_ =	swait.ge [sflag:s11], $0x4000  }
0x36: {  	s15 =	sadd.s32 $0x1, s15;
	[sflag:s11] =	ssyncset.done $0x0  }
0x37: {  	p0 =	sne.s32 s15, s8;
	[sflag:s11] =	ssyncadd.s32 $0xFFFFC000  }
.Ltmp1:
0x38: {  	[bflag:$0x0] =	sbarrier.arrive $0xFFFF;
	(pc) =	sbr.rel @p0 .LBB2_1-.Ltmp1, $4  }
0x39: {  	[hbm:s7], [sflag:s6] =	dma.local [spmem:s10], $0x2780  }
0x3a: {  	_ =	swait.ge [sflag:s11], $0x2780  }
0x3b: {  	[sflag:s11] =	ssyncset.done $0x0  }
0x3c: {  	[sflag:s11] =	ssyncadd.s32 $0xFFFFD880  }
0x3d: {  	_ =	sfence.sel $0x180000  }
0x3e: {  	[bflag:$0x0] =	sbarrier.arrive $0xFFFF  }
0x3f: {  	p0 =	sne.s32 s0, $0x0;
	_ =	strace $0x90000059  }
0x40: {  	s0 =	sadd.s32 @!p0 $0x100000, s1;
	[bflag:$0x2] =	sbarrier.arrive $0xFFFF  }
0x41: {  	[sflag:s0] =	ssyncadd.tile.s32 @!p0 $0x1;
	_ =	shalt  }
.Lfunc_end2:
_tile_overlayer_lowered:
.L_overlay_start_2:
0x42: {  	(tag) =	ssettag $0x2  }
0x43: {  	s0 =	rddreg [dreg:$0x0];
	s2 =	stileid.u32  }
0x44: {  	s1 =	rddreg [dreg:$0x1];
	p0 =	sne.s32 s2, $0x0  }
0x45: {  	s3 =	rddreg [dreg:$0x2];
	[bflag:$0x3] =	sbarrier.arrive $0xFFFF;
	s2 =	simm.s32 @!p0 $0x1C02  }
0x46: {  	[timem:s3], [sflag:s2] =	dma.local @!p0 [hbm:s0], s1  }
0x47: {  	s0 =	simm.s32 @!p0 $0x2  }
0x48: {  	_ =	swait.ge @!p0 [sflag:s0], s1  }
0x49: {  	s1 =	ssub.s32 @!p0 $0x0, s1;
	[sflag:s0] =	ssyncset.done @!p0 $0x0  }
0x4a: {  	[sflag:s0] =	ssyncadd.s32 @!p0 s1  }
0x4b: {  	[bflag:$0x3] =	sbarrier.arrive $0xFFFF  }
0x4c: {  	_ =	shalt  }

</sc_bundles>
